<compile_context>
chip_gen: v7x
topology: tpu7x:2x2x1
jax: 0.10.2.dev20260603
libtpu: 0.0.44.dev20260713+nightly
codegen_flags: <defaults>
</compile_context>

<pallas_src>
import jax
import jax.numpy as jnp
from jax import lax
from jax.experimental import pallas as pl
from jax.experimental.pallas import tpu as pltpu
from jax.experimental.pallas import tpu_sc as plsc

B, L, D = 4096, 200, 64
N = B * L
IN_W = 9
OUT_W = 5 + 4 * D
D2 = 2 * D
NWORKERS = 32
ROWS_PER_W = N // NWORKERS
R = 80
NCHUNKS = ROWS_PER_W // R
NBLK = R // 16

DH_BASE = 12
WP_ROWS = 52


def _body(in_hbm, wp_hbm, out_hbm, wp_sh,
          in_a, in_b, iya, iyb, ida, idb, eya, eyb, eda, edb,
          out_a, out_b, isem_a, isem_b, gsem_a, gsem_b, osem_a, osem_b):
    c = lax.axis_index("c")
    s = lax.axis_index("s")
    wid = s * 2 + c
    base0 = wid * ROWS_PER_W

    in_v = (in_a, in_b)
    idx_ym = (iya, iyb)
    idx_dh = (ida, idb)
    emb_ym = (eya, eyb)
    emb_dh = (eda, edb)
    out_v = (out_a, out_b)
    isem = (isem_a, isem_b)
    gsem = (gsem_a, gsem_b)
    osem = (osem_a, osem_b)

    @pl.when(s == 0)
    def _stage_wp():
        pltpu.sync_copy(wp_hbm, wp_sh)

    plsc.subcore_barrier()

    lane = lax.broadcasted_iota(jnp.int32, (16,), 0)

    def in_slab(q):
        return in_hbm.at[pl.ds((base0 + q * R) * IN_W, R * IN_W)]

    def out_slab(q):
        return out_hbm.at[pl.ds(base0 + q * R, R), :]

    def idx_head(p):
        for i in range(NBLK):
            r = i * 16 + lane
            r9 = r * IN_W
            for col in range(5):
                v = plsc.load_gather(in_v[p], [r9 + col])
                plsc.store_scatter(out_v[p], [r, jnp.full((16,), col, jnp.int32)], v)
            yv = plsc.load_gather(in_v[p], [r9 + 5]).astype(jnp.int32)
            mv = plsc.load_gather(in_v[p], [r9 + 6]).astype(jnp.int32)
            hv = plsc.load_gather(in_v[p], [r9 + 7]).astype(jnp.int32)
            dv = plsc.load_gather(in_v[p], [r9 + 8]).astype(jnp.int32)
            wy = yv - 2017
            wm = jnp.where(mv >= 9, mv - 9, mv + 3)
            sl = pl.ds(i * 16, 16)
            idx_ym[p][sl] = wy * 6 + wm
            idx_dh[p][sl] = (dv * 8 + (hv - 9)) + DH_BASE

    def start_gathers(p):
        pltpu.make_async_copy(wp_sh.at[idx_ym[p]], emb_ym[p], gsem[p]).start()
        pltpu.make_async_copy(wp_sh.at[idx_dh[p]], emb_dh[p], gsem[p]).start()

    def wait_gathers(p):
        pltpu.make_async_copy(wp_sh.at[idx_ym[p]], emb_ym[p], gsem[p]).wait()
        pltpu.make_async_copy(wp_sh.at[idx_dh[p]], emb_dh[p], gsem[p]).wait()

    def merge(p):
        ym, dh, ov = emb_ym[p], emb_dh[p], out_v[p]

        @plsc.parallel_loop(0, R, 1, unroll=2)
        def _row(r):
            for u in range(7):
                ov[r, pl.ds(5 + u * 16, 16)] = ym[r, pl.ds(u * 16, 16)]
            for u in range(7):
                ov[r, pl.ds(133 + u * 16, 16)] = dh[r, pl.ds(u * 16, 16)]
            rv = jnp.full((16,), r, jnp.int32)
            plsc.store_scatter(ov, [rv, lane + 117], ym[r, pl.ds(112, 16)])
            plsc.store_scatter(ov, [rv, lane + 245], dh[r, pl.ds(112, 16)])

    pltpu.make_async_copy(in_slab(0), in_v[0], isem[0]).start()
    pltpu.make_async_copy(in_slab(0), in_v[0], isem[0]).wait()
    idx_head(0)
    start_gathers(0)
    pltpu.make_async_copy(in_slab(1), in_v[1], isem[1]).start()

    def sub(k, p):
        pn = 1 - p

        @pl.when(k < NCHUNKS - 1)
        def _prep_next():
            pltpu.make_async_copy(in_slab(k + 1), in_v[pn], isem[pn]).wait()

            @pl.when(k >= 1)
            def _drain_prev():
                pltpu.make_async_copy(out_v[pn], out_slab(k - 1), osem[pn]).wait()

            idx_head(pn)
            start_gathers(pn)

        wait_gathers(p)
        merge(p)
        pltpu.make_async_copy(out_v[p], out_slab(k), osem[p]).start()

        @pl.when(k < NCHUNKS - 2)
        def _prefetch_in():
            pltpu.make_async_copy(in_slab(k + 2), in_v[p], isem[p]).start()

    def chunk_pair(k2, carry):
        sub(k2 * 2, 0)
        sub(k2 * 2 + 1, 1)
        return carry

    lax.fori_loop(0, NCHUNKS // 2, chunk_pair, 0)

    pltpu.make_async_copy(out_v[0], out_slab(NCHUNKS - 2), osem[0]).wait()
    pltpu.make_async_copy(out_v[1], out_slab(NCHUNKS - 1), osem[1]).wait()


@jax.jit
def _run(in_flat, wp):
    mesh = plsc.VectorSubcoreMesh(core_axis_name="c", subcore_axis_name="s")
    f = pl.kernel(
        _body,
        out_type=jax.ShapeDtypeStruct((N, OUT_W), jnp.float32),
        mesh=mesh,
        compiler_params=pltpu.CompilerParams(needs_layout_passes=False),
        scratch_types=[
            pltpu.VMEM_SHARED((WP_ROWS, D2), jnp.float32),
            pltpu.VMEM((R * IN_W,), jnp.float32),
            pltpu.VMEM((R * IN_W,), jnp.float32),
            pltpu.VMEM((R,), jnp.int32),
            pltpu.VMEM((R,), jnp.int32),
            pltpu.VMEM((R,), jnp.int32),
            pltpu.VMEM((R,), jnp.int32),
            pltpu.VMEM((R, D2), jnp.float32),
            pltpu.VMEM((R, D2), jnp.float32),
            pltpu.VMEM((R, D2), jnp.float32),
            pltpu.VMEM((R, D2), jnp.float32),
            pltpu.VMEM((R, OUT_W), jnp.float32),
            pltpu.VMEM((R, OUT_W), jnp.float32),
            pltpu.SemaphoreType.DMA,
            pltpu.SemaphoreType.DMA,
            pltpu.SemaphoreType.DMA,
            pltpu.SemaphoreType.DMA,
            pltpu.SemaphoreType.DMA,
            pltpu.SemaphoreType.DMA,
        ],
    )
    return f(in_flat, wp)


def kernel(inputs, year_w, month_w, dow_w, hour_w):
    del year_w
    ym = jnp.concatenate(
        [jnp.repeat(month_w[:2], 6, axis=0),
         jnp.tile(month_w, (2, 1))], axis=1)
    dh = jnp.concatenate(
        [jnp.repeat(dow_w, 8, axis=0),
         jnp.tile(hour_w, (5, 1))], axis=1)
    wp = jnp.concatenate([ym, dh], axis=0)
    in_flat = inputs.reshape(-1)
    out = _run(in_flat, wp)
    return out.reshape(B, L, OUT_W)

# --- scband reference (transcript-rebuilt; emitter-appended) ---
"""Pipeline reference for scband-time-embedding-19868518711612 (READ-ONLY COPY).

The authoritative reference and input builder live on the scoring server;
editing this copy changes nothing except your own understanding.
"""

import jax, jax.numpy as jnp
import numpy as np

B, L, D_EMBED = 4096, 200, 64

# dict tables from the original module, encoded as dense raw-value -> index maps
_YEAR_MAP = jnp.zeros(2019, dtype=jnp.int32).at[2017].set(0).at[2018].set(1)
_MONTH_MAP = (jnp.zeros(13, dtype=jnp.int32)
              .at[9].set(0).at[10].set(1).at[11].set(2).at[12].set(3)
              .at[1].set(4).at[2].set(5))
_HOUR_MAP = jnp.zeros(17, dtype=jnp.int32)
for _h in range(9, 17):
    _HOUR_MAP = _HOUR_MAP.at[_h].set(_h - 9)
_DOW_MAP = jnp.arange(5, dtype=jnp.int32)


def setup_inputs(seed: int = 0) -> dict:
    key = jax.random.key(seed)
    ks = jax.random.split(key, 9)
    cont = jax.random.normal(ks[0], (B, L, 5), dtype=jnp.float32)
    yr = jax.random.randint(ks[1], (B, L, 1), 2017, 2019).astype(jnp.float32)
    month_vals = jnp.array([9, 10, 11, 12, 1, 2], dtype=jnp.int32)
    mo = month_vals[jax.random.randint(ks[2], (B, L), 0, 6)][..., None].astype(jnp.float32)
    hr = jax.random.randint(ks[3], (B, L, 1), 9, 17).astype(jnp.float32)
    dw = jax.random.randint(ks[4], (B, L, 1), 0, 5).astype(jnp.float32)
    inputs = jnp.concatenate([cont, yr, mo, hr, dw], axis=2)
    year_w = jax.random.uniform(ks[5], (2, D_EMBED), minval=-0.1, maxval=0.1, dtype=jnp.float32)
    month_w = jax.random.uniform(ks[6], (6, D_EMBED), minval=-0.1, maxval=0.1, dtype=jnp.float32)
    dow_w = jax.random.uniform(ks[7], (5, D_EMBED), minval=-0.1, maxval=0.1, dtype=jnp.float32)
    hour_w = jax.random.uniform(ks[8], (8, D_EMBED), minval=-0.1, maxval=0.1, dtype=jnp.float32)
    return {"inputs": inputs, "year_w": year_w, "month_w": month_w, "dow_w": dow_w, "hour_w": hour_w}


def reference(inputs, year_w, month_w, dow_w, hour_w):
    iv = inputs.astype(jnp.int32)
    idx_year = _YEAR_MAP[iv[:, :, 5]]
    idx_month = _MONTH_MAP[iv[:, :, 6]]
    idx_hour = _HOUR_MAP[iv[:, :, 7]]
    idx_dow = _DOW_MAP[iv[:, :, 8]]
    # NOTE: original module (bug preserved): year indices looked up in month table
    year_embed = jnp.take(month_w, idx_year, axis=0)
    month_embed = jnp.take(month_w, idx_month, axis=0)
    dow_embed = jnp.take(dow_w, idx_dow, axis=0)
    hour_embed = jnp.take(hour_w, idx_hour, axis=0)
    time_embed = jnp.concatenate([year_embed, month_embed, dow_embed, hour_embed], axis=2)
    inputs_embed = jnp.concatenate([inputs[:, :, 0:5], time_embed], axis=2)
    return inputs_embed

if __name__ == "__main__":
    import jax
    _d = setup_inputs()
    print(jax.jit(kernel)(*tuple(_d.values())))

</pallas_src>

<mosaic_0001>
#map = affine_map<(d0, d1) -> (0)>
#map1 = affine_map<(d0, d1) -> (0, 0)>
module attributes {stable_mosaic.version = 14 : i64} {
  func.func @_body(%arg0: i32, %arg1: i32, %arg2: memref<7372800xf32, #tpu.memory_space<hbm>>, %arg3: memref<52x128xf32, #tpu.memory_space<hbm>>, %arg4: memref<819200x261xf32, #tpu.memory_space<hbm>>, %arg5: memref<52x128xf32, #tpu.memory_space<vmem_shared>>, %arg6: memref<720xf32, #tpu.memory_space<vmem>>, %arg7: memref<720xf32, #tpu.memory_space<vmem>>, %arg8: memref<80xi32, #tpu.memory_space<vmem>>, %arg9: memref<80xi32, #tpu.memory_space<vmem>>, %arg10: memref<80xi32, #tpu.memory_space<vmem>>, %arg11: memref<80xi32, #tpu.memory_space<vmem>>, %arg12: memref<80x128xf32, #tpu.memory_space<vmem>>, %arg13: memref<80x128xf32, #tpu.memory_space<vmem>>, %arg14: memref<80x128xf32, #tpu.memory_space<vmem>>, %arg15: memref<80x128xf32, #tpu.memory_space<vmem>>, %arg16: memref<80x261xf32, #tpu.memory_space<vmem>>, %arg17: memref<80x261xf32, #tpu.memory_space<vmem>>, %arg18: memref<!tpu.dma_semaphore, #tpu.memory_space<semaphore_mem>>, %arg19: memref<!tpu.dma_semaphore, #tpu.memory_space<semaphore_mem>>, %arg20: memref<!tpu.dma_semaphore, #tpu.memory_space<semaphore_mem>>, %arg21: memref<!tpu.dma_semaphore, #tpu.memory_space<semaphore_mem>>, %arg22: memref<!tpu.dma_semaphore, #tpu.memory_space<semaphore_mem>>, %arg23: memref<!tpu.dma_semaphore, #tpu.memory_space<semaphore_mem>>) attributes {dimension_semantics = [#tpu.dimension_semantics<core_parallel>, #tpu.dimension_semantics<subcore_parallel>], iteration_bounds = array<i64: 2, 16>, scalar_prefetch = 0 : i64, scratch_operands = 19 : i64, tpu.core_type = #tpu.core_type<sc_vector_subcore>, window_params = [{transform_indices = #map}, {transform_indices = #map1}, {transform_indices = #map1}]} {
    %mul3A = arith.constant 2 : i32
    %mul3A_0 = arith.muli %arg1, %mul3A : i32
    %add3A = arith.addi %mul3A_0, %arg0 : i32
    %mul3A_1 = arith.constant 25600 : i32
    %mul3A_2 = arith.muli %add3A, %mul3A_1 : i32
    %eq3A = arith.constant 0 : i32
    %eq3A_3 = arith.cmpi eq, %arg1, %eq3A : i32
    %convert_element_type3A = arith.extui %eq3A_3 : i1 to i32
    %cond3A = arith.constant 0 : i32
    %cond3A_4 = arith.cmpi ne, %convert_element_type3A, %cond3A : i32
    scf.if %cond3A_4 {
      "tpu.region"() ({
        %run_scoped3A = tpu.sem_alloc : memref<!tpu.dma_semaphore, #tpu.memory_space<semaphore_mem>>
        tpu.enqueue_dma source(%arg3 : memref<52x128xf32, #tpu.memory_space<hbm>>) target(%arg5 : memref<52x128xf32, #tpu.memory_space<vmem_shared>>) target_semaphore(%run_scoped3A : memref<!tpu.dma_semaphore, #tpu.memory_space<semaphore_mem>>)
        tpu.wait_dma2 semaphore(%run_scoped3A : memref<!tpu.dma_semaphore, #tpu.memory_space<semaphore_mem>>) src(%arg3 : memref<52x128xf32, #tpu.memory_space<hbm>>) dst(%arg5 : memref<52x128xf32, #tpu.memory_space<vmem_shared>>)
        tpu.yield
      }) : () -> ()
    } else {
    }
    %barrier3A = arith.constant 0 : index
    tpu.barrier barrier_id(%barrier3A)
    %iota3A = tpu.iota {dimensions = array<i32: 0>} : vector<16xi32>
    %add3A_5 = arith.constant 0 : i32
    %add3A_6 = arith.addi %mul3A_2, %add3A_5 : i32
    %mul3A_7 = arith.constant 9 : i32
    %mul3A_8 = arith.muli %add3A_6, %mul3A_7 : i32
    %dma_start3A = tpu.memref_slice %arg2[%mul3A_8] : memref<7372800xf32, #tpu.memory_space<hbm>> -> memref<720xf32, #tpu.memory_space<hbm>>
    %dma_start3A_9 = tpu.memref_slice %arg2[%mul3A_8] : memref<7372800xf32, #tpu.memory_space<hbm>> -> memref<720xf32, #tpu.memory_space<hbm>>
    tpu.enqueue_dma source(%dma_start3A_9 : memref<720xf32, #tpu.memory_space<hbm>>) target(%arg6 : memref<720xf32, #tpu.memory_space<vmem>>) target_semaphore(%arg18 : memref<!tpu.dma_semaphore, #tpu.memory_space<semaphore_mem>>)
    %add3A_10 = arith.constant 0 : i32
    %add3A_11 = arith.addi %mul3A_2, %add3A_10 : i32
    %mul3A_12 = arith.constant 9 : i32
    %mul3A_13 = arith.muli %add3A_11, %mul3A_12 : i32
    %dma_wait3A = tpu.memref_slice %arg2[%mul3A_13] : memref<7372800xf32, #tpu.memory_space<hbm>> -> memref<720xf32, #tpu.memory_space<hbm>>
    %dma_wait3A_14 = tpu.memref_slice %arg2[%mul3A_13] : memref<7372800xf32, #tpu.memory_space<hbm>> -> memref<720xf32, #tpu.memory_space<hbm>>
    tpu.wait_dma2 semaphore(%arg18 : memref<!tpu.dma_semaphore, #tpu.memory_space<semaphore_mem>>) src(%dma_wait3A_14 : memref<720xf32, #tpu.memory_space<hbm>>) dst(%arg6 : memref<720xf32, #tpu.memory_space<vmem>>)
    %add3A_15 = arith.constant 0 : i32
    %add3A_16 = vector.broadcast %add3A_15 : i32 to vector<16xi32>
    %add3A_17 = arith.addi %add3A_16, %iota3A : vector<16xi32>
    %mul3A_18 = arith.constant 9 : i32
    %mul3A_19 = vector.broadcast %mul3A_18 : i32 to vector<16xi32>
    %mul3A_20 = arith.muli %add3A_17, %mul3A_19 : vector<16xi32>
    %add3A_21 = arith.constant 0 : i32
    %add3A_22 = vector.broadcast %add3A_21 : i32 to vector<16xi32>
    %add3A_23 = arith.addi %mul3A_20, %add3A_22 : vector<16xi32>
    %gather3A = tpu.vector_load_idx %arg6[%add3A_23] : memref<720xf32, #tpu.memory_space<vmem>>[vector<16xi32>], vector<16xf32>,
    %broadcast_in_dim3A = arith.constant 0 : i32
    %broadcast_in_dim3A_24 = vector.broadcast %broadcast_in_dim3A : i32 to vector<16xi32>
    tpu.vector_store_idx %arg16[%add3A_17, %broadcast_in_dim3A_24], %gather3A : memref<80x261xf32, #tpu.memory_space<vmem>>[vector<16xi32>, vector<16xi32>], vector<16xf32>,
    %add3A_25 = arith.constant 1 : i32
    %add3A_26 = vector.broadcast %add3A_25 : i32 to vector<16xi32>
    %add3A_27 = arith.addi %mul3A_20, %add3A_26 : vector<16xi32>
    %gather3A_28 = tpu.vector_load_idx %arg6[%add3A_27] : memref<720xf32, #tpu.memory_space<vmem>>[vector<16xi32>], vector<16xf32>,
    %broadcast_in_dim3A_29 = arith.constant 1 : i32
    %broadcast_in_dim3A_30 = vector.broadcast %broadcast_in_dim3A_29 : i32 to vector<16xi32>
    tpu.vector_store_idx %arg16[%add3A_17, %broadcast_in_dim3A_30], %gather3A_28 : memref<80x261xf32, #tpu.memory_space<vmem>>[vector<16xi32>, vector<16xi32>], vector<16xf32>,
    %add3A_31 = arith.constant 2 : i32
    %add3A_32 = vector.broadcast %add3A_31 : i32 to vector<16xi32>
    %add3A_33 = arith.addi %mul3A_20, %add3A_32 : vector<16xi32>
    %gather3A_34 = tpu.vector_load_idx %arg6[%add3A_33] : memref<720xf32, #tpu.memory_space<vmem>>[vector<16xi32>], vector<16xf32>,
    %broadcast_in_dim3A_35 = arith.constant 2 : i32
    %broadcast_in_dim3A_36 = vector.broadcast %broadcast_in_dim3A_35 : i32 to vector<16xi32>
    tpu.vector_store_idx %arg16[%add3A_17, %broadcast_in_dim3A_36], %gather3A_34 : memref<80x261xf32, #tpu.memory_space<vmem>>[vector<16xi32>, vector<16xi32>], vector<16xf32>,
    %add3A_37 = arith.constant 3 : i32
    %add3A_38 = vector.broadcast %add3A_37 : i32 to vector<16xi32>
    %add3A_39 = arith.addi %mul3A_20, %add3A_38 : vector<16xi32>
    %gather3A_40 = tpu.vector_load_idx %arg6[%add3A_39] : memref<720xf32, #tpu.memory_space<vmem>>[vector<16xi32>], vector<16xf32>,
    %broadcast_in_dim3A_41 = arith.constant 3 : i32
    %broadcast_in_dim3A_42 = vector.broadcast %broadcast_in_dim3A_41 : i32 to vector<16xi32>
    tpu.vector_store_idx %arg16[%add3A_17, %broadcast_in_dim3A_42], %gather3A_40 : memref<80x261xf32, #tpu.memory_space<vmem>>[vector<16xi32>, vector<16xi32>], vector<16xf32>,
    %add3A_43 = arith.constant 4 : i32
    %add3A_44 = vector.broadcast %add3A_43 : i32 to vector<16xi32>
    %add3A_45 = arith.addi %mul3A_20, %add3A_44 : vector<16xi32>
    %gather3A_46 = tpu.vector_load_idx %arg6[%add3A_45] : memref<720xf32, #tpu.memory_space<vmem>>[vector<16xi32>], vector<16xf32>,
    %broadcast_in_dim3A_47 = arith.constant 4 : i32
    %broadcast_in_dim3A_48 = vector.broadcast %broadcast_in_dim3A_47 : i32 to vector<16xi32>
    tpu.vector_store_idx %arg16[%add3A_17, %broadcast_in_dim3A_48], %gather3A_46 : memref<80x261xf32, #tpu.memory_space<vmem>>[vector<16xi32>, vector<16xi32>], vector<16xf32>,
    %add3A_49 = arith.constant 5 : i32
    %add3A_50 = vector.broadcast %add3A_49 : i32 to vector<16xi32>
    %add3A_51 = arith.addi %mul3A_20, %add3A_50 : vector<16xi32>
    %gather3A_52 = tpu.vector_load_idx %arg6[%add3A_51] : memref<720xf32, #tpu.memory_space<vmem>>[vector<16xi32>], vector<16xf32>,
    %convert_element_type3A_53 = arith.fptosi %gather3A_52 : vector<16xf32> to vector<16xi32>
    %add3A_54 = arith.constant 6 : i32
    %add3A_55 = vector.broadcast %add3A_54 : i32 to vector<16xi32>
    %add3A_56 = arith.addi %mul3A_20, %add3A_55 : vector<16xi32>
    %gather3A_57 = tpu.vector_load_idx %arg6[%add3A_56] : memref<720xf32, #tpu.memory_space<vmem>>[vector<16xi32>], vector<16xf32>,
    %convert_element_type3A_58 = arith.fptosi %gather3A_57 : vector<16xf32> to vector<16xi32>
    %add3A_59 = arith.constant 7 : i32
    %add3A_60 = vector.broadcast %add3A_59 : i32 to vector<16xi32>
    %add3A_61 = arith.addi %mul3A_20, %add3A_60 : vector<16xi32>
    %gather3A_62 = tpu.vector_load_idx %arg6[%add3A_61] : memref<720xf32, #tpu.memory_space<vmem>>[vector<16xi32>], vector<16xf32>,
    %convert_element_type3A_63 = arith.fptosi %gather3A_62 : vector<16xf32> to vector<16xi32>
    %add3A_64 = arith.constant 8 : i32
    %add3A_65 = vector.broadcast %add3A_64 : i32 to vector<16xi32>
    %add3A_66 = arith.addi %mul3A_20, %add3A_65 : vector<16xi32>
    %gather3A_67 = tpu.vector_load_idx %arg6[%add3A_66] : memref<720xf32, #tpu.memory_space<vmem>>[vector<16xi32>], vector<16xf32>,
    %convert_element_type3A_68 = arith.fptosi %gather3A_67 : vector<16xf32> to vector<16xi32>
    %sub3A = arith.constant 2017 : i32
    %sub3A_69 = vector.broadcast %sub3A : i32 to vector<16xi32>
    %sub3A_70 = arith.subi %convert_element_type3A_53, %sub3A_69 : vector<16xi32>
    %ge3A = arith.constant 9 : i32
    %ge3A_71 = vector.broadcast %ge3A : i32 to vector<16xi32>
    %ge3A_72 = arith.cmpi sge, %convert_element_type3A_58, %ge3A_71 : vector<16xi32>
    %sub3A_73 = arith.constant 9 : i32
    %sub3A_74 = vector.broadcast %sub3A_73 : i32 to vector<16xi32>
    %sub3A_75 = arith.subi %convert_element_type3A_58, %sub3A_74 : vector<16xi32>
    %add3A_76 = arith.constant 3 : i32
    %add3A_77 = vector.broadcast %add3A_76 : i32 to vector<16xi32>
    %add3A_78 = arith.addi %convert_element_type3A_58, %add3A_77 : vector<16xi32>
    %select_n3A = arith.select %ge3A_72, %sub3A_75, %add3A_78 : vector<16xi1>, vector<16xi32>
    %mul3A_79 = arith.constant 6 : i32
    %mul3A_80 = vector.broadcast %mul3A_79 : i32 to vector<16xi32>
    %mul3A_81 = arith.muli %sub3A_70, %mul3A_80 : vector<16xi32>
    %add3A_82 = arith.addi %mul3A_81, %select_n3A : vector<16xi32>
    %swap3A = arith.constant 0 : index
    %swap3A_83 = tpu.vector_load %arg8[%swap3A] {strides = array<i32>} : memref<80xi32, #tpu.memory_space<vmem>>, vector<16xi32>,
    tpu.vector_store %arg8[%swap3A], %add3A_82 {strides = array<i32>} : memref<80xi32, #tpu.memory_space<vmem>>, vector<16xi32>,
    %mul3A_84 = arith.constant 8 : i32
    %mul3A_85 = vector.broadcast %mul3A_84 : i32 to vector<16xi32>
    %mul3A_86 = arith.muli %convert_element_type3A_68, %mul3A_85 : vector<16xi32>
    %sub3A_87 = arith.constant 9 : i32
    %sub3A_88 = vector.broadcast %sub3A_87 : i32 to vector<16xi32>
    %sub3A_89 = arith.subi %convert_element_type3A_63, %sub3A_88 : vector<16xi32>
    %add3A_90 = arith.addi %mul3A_86, %sub3A_89 : vector<16xi32>
    %add3A_91 = arith.constant 12 : i32
    %add3A_92 = vector.broadcast %add3A_91 : i32 to vector<16xi32>
    %add3A_93 = arith.addi %add3A_90, %add3A_92 : vector<16xi32>
    %swap3A_94 = arith.constant 0 : index
    %swap3A_95 = tpu.vector_load %arg10[%swap3A_94] {strides = array<i32>} : memref<80xi32, #tpu.memory_space<vmem>>, vector<16xi32>,
    tpu.vector_store %arg10[%swap3A_94], %add3A_93 {strides = array<i32>} : memref<80xi32, #tpu.memory_space<vmem>>, vector<16xi32>,
    %add3A_96 = arith.constant 16 : i32
    %add3A_97 = vector.broadcast %add3A_96 : i32 to vector<16xi32>
    %add3A_98 = arith.addi %add3A_97, %iota3A : vector<16xi32>
    %mul3A_99 = arith.constant 9 : i32
    %mul3A_100 = vector.broadcast %mul3A_99 : i32 to vector<16xi32>
    %mul3A_101 = arith.muli %add3A_98, %mul3A_100 : vector<16xi32>
    %add3A_102 = arith.constant 0 : i32
    %add3A_103 = vector.broadcast %add3A_102 : i32 to vector<16xi32>
    %add3A_104 = arith.addi %mul3A_101, %add3A_103 : vector<16xi32>
    %gather3A_105 = tpu.vector_load_idx %arg6[%add3A_104] : memref<720xf32, #tpu.memory_space<vmem>>[vector<16xi32>], vector<16xf32>,
    %broadcast_in_dim3A_106 = arith.constant 0 : i32
    %broadcast_in_dim3A_107 = vector.broadcast %broadcast_in_dim3A_106 : i32 to vector<16xi32>
    tpu.vector_store_idx %arg16[%add3A_98, %broadcast_in_dim3A_107], %gather3A_105 : memref<80x261xf32, #tpu.memory_space<vmem>>[vector<16xi32>, vector<16xi32>], vector<16xf32>,
    %add3A_108 = arith.constant 1 : i32
    %add3A_109 = vector.broadcast %add3A_108 : i32 to vector<16xi32>
    %add3A_110 = arith.addi %mul3A_101, %add3A_109 : vector<16xi32>
    %gather3A_111 = tpu.vector_load_idx %arg6[%add3A_110] : memref<720xf32, #tpu.memory_space<vmem>>[vector<16xi32>], vector<16xf32>,
    %broadcast_in_dim3A_112 = arith.constant 1 : i32
    %broadcast_in_dim3A_113 = vector.broadcast %broadcast_in_dim3A_112 : i32 to vector<16xi32>
    tpu.vector_store_idx %arg16[%add3A_98, %broadcast_in_dim3A_113], %gather3A_111 : memref<80x261xf32, #tpu.memory_space<vmem>>[vector<16xi32>, vector<16xi32>], vector<16xf32>,
    %add3A_114 = arith.constant 2 : i32
    %add3A_115 = vector.broadcast %add3A_114 : i32 to vector<16xi32>
    %add3A_116 = arith.addi %mul3A_101, %add3A_115 : vector<16xi32>
    %gather3A_117 = tpu.vector_load_idx %arg6[%add3A_116] : memref<720xf32, #tpu.memory_space<vmem>>[vector<16xi32>], vector<16xf32>,
    %broadcast_in_dim3A_118 = arith.constant 2 : i32
    %broadcast_in_dim3A_119 = vector.broadcast %broadcast_in_dim3A_118 : i32 to vector<16xi32>
    tpu.vector_store_idx %arg16[%add3A_98, %broadcast_in_dim3A_119], %gather3A_117 : memref<80x261xf32, #tpu.memory_space<vmem>>[vector<16xi32>, vector<16xi32>], vector<16xf32>,
    %add3A_120 = arith.constant 3 : i32
    %add3A_121 = vector.broadcast %add3A_120 : i32 to vector<16xi32>
    %add3A_122 = arith.addi %mul3A_101, %add3A_121 : vector<16xi32>
    %gather3A_123 = tpu.vector_load_idx %arg6[%add3A_122] : memref<720xf32, #tpu.memory_space<vmem>>[vector<16xi32>], vector<16xf32>,
    %broadcast_in_dim3A_124 = arith.constant 3 : i32
    %broadcast_in_dim3A_125 = vector.broadcast %broadcast_in_dim3A_124 : i32 to vector<16xi32>
    tpu.vector_store_idx %arg16[%add3A_98, %broadcast_in_dim3A_125], %gather3A_123 : memref<80x261xf32, #tpu.memory_space<vmem>>[vector<16xi32>, vector<16xi32>], vector<16xf32>,
    %add3A_126 = arith.constant 4 : i32
    %add3A_127 = vector.broadcast %add3A_126 : i32 to vector<16xi32>
    %add3A_128 = arith.addi %mul3A_101, %add3A_127 : vector<16xi32>
    %gather3A_129 = tpu.vector_load_idx %arg6[%add3A_128] : memref<720xf32, #tpu.memory_space<vmem>>[vector<16xi32>], vector<16xf32>,
    %broadcast_in_dim3A_130 = arith.constant 4 : i32
    %broadcast_in_dim3A_131 = vector.broadcast %broadcast_in_dim3A_130 : i32 to vector<16xi32>
    tpu.vector_store_idx %arg16[%add3A_98, %broadcast_in_dim3A_131], %gather3A_129 : memref<80x261xf32, #tpu.memory_space<vmem>>[vector<16xi32>, vector<16xi32>], vector<16xf32>,
    %add3A_132 = arith.constant 5 : i32
    %add3A_133 = vector.broadcast %add3A_132 : i32 to vector<16xi32>
    %add3A_134 = arith.addi %mul3A_101, %add3A_133 : vector<16xi32>
    %gather3A_135 = tpu.vector_load_idx %arg6[%add3A_134] : memref<720xf32, #tpu.memory_space<vmem>>[vector<16xi32>], vector<16xf32>,
    %convert_element_type3A_136 = arith.fptosi %gather3A_135 : vector<16xf32> to vector<16xi32>
    %add3A_137 = arith.constant 6 : i32
    %add3A_138 = vector.broadcast %add3A_137 : i32 to vector<16xi32>
    %add3A_139 = arith.addi %mul3A_101, %add3A_138 : vector<16xi32>
    %gather3A_140 = tpu.vector_load_idx %arg6[%add3A_139] : memref<720xf32, #tpu.memory_space<vmem>>[vector<16xi32>], vector<16xf32>,
    %convert_element_type3A_141 = arith.fptosi %gather3A_140 : vector<16xf32> to vector<16xi32>
    %add3A_142 = arith.constant 7 : i32
    %add3A_143 = vector.broadcast %add3A_142 : i32 to vector<16xi32>
    %add3A_144 = arith.addi %mul3A_101, %add3A_143 : vector<16xi32>
    %gather3A_145 = tpu.vector_load_idx %arg6[%add3A_144] : memref<720xf32, #tpu.memory_space<vmem>>[vector<16xi32>], vector<16xf32>,
    %convert_element_type3A_146 = arith.fptosi %gather3A_145 : vector<16xf32> to vector<16xi32>
    %add3A_147 = arith.constant 8 : i32
    %add3A_148 = vector.broadcast %add3A_147 : i32 to vector<16xi32>
    %add3A_149 = arith.addi %mul3A_101, %add3A_148 : vector<16xi32>
    %gather3A_150 = tpu.vector_load_idx %arg6[%add3A_149] : memref<720xf32, #tpu.memory_space<vmem>>[vector<16xi32>], vector<16xf32>,
    %convert_element_type3A_151 = arith.fptosi %gather3A_150 : vector<16xf32> to vector<16xi32>
    %sub3A_152 = arith.constant 2017 : i32
    %sub3A_153 = vector.broadcast %sub3A_152 : i32 to vector<16xi32>
    %sub3A_154 = arith.subi %convert_element_type3A_136, %sub3A_153 : vector<16xi32>
    %ge3A_155 = arith.constant 9 : i32
    %ge3A_156 = vector.broadcast %ge3A_155 : i32 to vector<16xi32>
    %ge3A_157 = arith.cmpi sge, %convert_element_type3A_141, %ge3A_156 : vector<16xi32>
    %sub3A_158 = arith.constant 9 : i32
    %sub3A_159 = vector.broadcast %sub3A_158 : i32 to vector<16xi32>
    %sub3A_160 = arith.subi %convert_element_type3A_141, %sub3A_159 : vector<16xi32>
    %add3A_161 = arith.constant 3 : i32
    %add3A_162 = vector.broadcast %add3A_161 : i32 to vector<16xi32>
    %add3A_163 = arith.addi %convert_element_type3A_141, %add3A_162 : vector<16xi32>
    %select_n3A_164 = arith.select %ge3A_157, %sub3A_160, %add3A_163 : vector<16xi1>, vector<16xi32>
    %mul3A_165 = arith.constant 6 : i32
    %mul3A_166 = vector.broadcast %mul3A_165 : i32 to vector<16xi32>
    %mul3A_167 = arith.muli %sub3A_154, %mul3A_166 : vector<16xi32>
    %add3A_168 = arith.addi %mul3A_167, %select_n3A_164 : vector<16xi32>
    %swap3A_169 = arith.constant 16 : index
    %swap3A_170 = tpu.vector_load %arg8[%swap3A_169] {strides = array<i32>} : memref<80xi32, #tpu.memory_space<vmem>>, vector<16xi32>,
    tpu.vector_store %arg8[%swap3A_169], %add3A_168 {strides = array<i32>} : memref<80xi32, #tpu.memory_space<vmem>>, vector<16xi32>,
    %mul3A_171 = arith.constant 8 : i32
    %mul3A_172 = vector.broadcast %mul3A_171 : i32 to vector<16xi32>
    %mul3A_173 = arith.muli %convert_element_type3A_151, %mul3A_172 : vector<16xi32>
    %sub3A_174 = arith.constant 9 : i32
    %sub3A_175 = vector.broadcast %sub3A_174 : i32 to vector<16xi32>
    %sub3A_176 = arith.subi %convert_element_type3A_146, %sub3A_175 : vector<16xi32>
    %add3A_177 = arith.addi %mul3A_173, %sub3A_176 : vector<16xi32>
    %add3A_178 = arith.constant 12 : i32
    %add3A_179 = vector.broadcast %add3A_178 : i32 to vector<16xi32>
    %add3A_180 = arith.addi %add3A_177, %add3A_179 : vector<16xi32>
    %swap3A_181 = arith.constant 16 : index
    %swap3A_182 = tpu.vector_load %arg10[%swap3A_181] {strides = array<i32>} : memref<80xi32, #tpu.memory_space<vmem>>, vector<16xi32>,
    tpu.vector_store %arg10[%swap3A_181], %add3A_180 {strides = array<i32>} : memref<80xi32, #tpu.memory_space<vmem>>, vector<16xi32>,
    %add3A_183 = arith.constant 32 : i32
    %add3A_184 = vector.broadcast %add3A_183 : i32 to vector<16xi32>
    %add3A_185 = arith.addi %add3A_184, %iota3A : vector<16xi32>
    %mul3A_186 = arith.constant 9 : i32
    %mul3A_187 = vector.broadcast %mul3A_186 : i32 to vector<16xi32>
    %mul3A_188 = arith.muli %add3A_185, %mul3A_187 : vector<16xi32>
    %add3A_189 = arith.constant 0 : i32
    %add3A_190 = vector.broadcast %add3A_189 : i32 to vector<16xi32>
    %add3A_191 = arith.addi %mul3A_188, %add3A_190 : vector<16xi32>
    %gather3A_192 = tpu.vector_load_idx %arg6[%add3A_191] : memref<720xf32, #tpu.memory_space<vmem>>[vector<16xi32>], vector<16xf32>,
    %broadcast_in_dim3A_193 = arith.constant 0 : i32
    %broadcast_in_dim3A_194 = vector.broadcast %broadcast_in_dim3A_193 : i32 to vector<16xi32>
    tpu.vector_store_idx %arg16[%add3A_185, %broadcast_in_dim3A_194], %gather3A_192 : memref<80x261xf32, #tpu.memory_space<vmem>>[vector<16xi32>, vector<16xi32>], vector<16xf32>,
    %add3A_195 = arith.constant 1 : i32
    %add3A_196 = vector.broadcast %add3A_195 : i32 to vector<16xi32>
    %add3A_197 = arith.addi %mul3A_188, %add3A_196 : vector<16xi32>
    %gather3A_198 = tpu.vector_load_idx %arg6[%add3A_197] : memref<720xf32, #tpu.memory_space<vmem>>[vector<16xi32>], vector<16xf32>,
    %broadcast_in_dim3A_199 = arith.constant 1 : i32
    %broadcast_in_dim3A_200 = vector.broadcast %broadcast_in_dim3A_199 : i32 to vector<16xi32>
    tpu.vector_store_idx %arg16[%add3A_185, %broadcast_in_dim3A_200], %gather3A_198 : memref<80x261xf32, #tpu.memory_space<vmem>>[vector<16xi32>, vector<16xi32>], vector<16xf32>,
    %add3A_201 = arith.constant 2 : i32
    %add3A_202 = vector.broadcast %add3A_201 : i32 to vector<16xi32>
    %add3A_203 = arith.addi %mul3A_188, %add3A_202 : vector<16xi32>
    %gather3A_204 = tpu.vector_load_idx %arg6[%add3A_203] : memref<720xf32, #tpu.memory_space<vmem>>[vector<16xi32>], vector<16xf32>,
    %broadcast_in_dim3A_205 = arith.constant 2 : i32
    %broadcast_in_dim3A_206 = vector.broadcast %broadcast_in_dim3A_205 : i32 to vector<16xi32>
    tpu.vector_store_idx %arg16[%add3A_185, %broadcast_in_dim3A_206], %gather3A_204 : memref<80x261xf32, #tpu.memory_space<vmem>>[vector<16xi32>, vector<16xi32>], vector<16xf32>,
    %add3A_207 = arith.constant 3 : i32
    %add3A_208 = vector.broadcast %add3A_207 : i32 to vector<16xi32>
    %add3A_209 = arith.addi %mul3A_188, %add3A_208 : vector<16xi32>
    %gather3A_210 = tpu.vector_load_idx %arg6[%add3A_209] : memref<720xf32, #tpu.memory_space<vmem>>[vector<16xi32>], vector<16xf32>,
    %broadcast_in_dim3A_211 = arith.constant 3 : i32
    %broadcast_in_dim3A_212 = vector.broadcast %broadcast_in_dim3A_211 : i32 to vector<16xi32>
    tpu.vector_store_idx %arg16[%add3A_185, %broadcast_in_dim3A_212], %gather3A_210 : memref<80x261xf32, #tpu.memory_space<vmem>>[vector<16xi32>, vector<16xi32>], vector<16xf32>,
    %add3A_213 = arith.constant 4 : i32
    %add3A_214 = vector.broadcast %add3A_213 : i32 to vector<16xi32>
    %add3A_215 = arith.addi %mul3A_188, %add3A_214 : vector<16xi32>
    %gather3A_216 = tpu.vector_load_idx %arg6[%add3A_215] : memref<720xf32, #tpu.memory_space<vmem>>[vector<16xi32>], vector<16xf32>,
    %broadcast_in_dim3A_217 = arith.constant 4 : i32
    %broadcast_in_dim3A_218 = vector.broadcast %broadcast_in_dim3A_217 : i32 to vector<16xi32>
    tpu.vector_store_idx %arg16[%add3A_185, %broadcast_in_dim3A_218], %gather3A_216 : memref<80x261xf32, #tpu.memory_space<vmem>>[vector<16xi32>, vector<16xi32>], vector<16xf32>,
    %add3A_219 = arith.constant 5 : i32
    %add3A_220 = vector.broadcast %add3A_219 : i32 to vector<16xi32>
    %add3A_221 = arith.addi %mul3A_188, %add3A_220 : vector<16xi32>
    %gather3A_222 = tpu.vector_load_idx %arg6[%add3A_221] : memref<720xf32, #tpu.memory_space<vmem>>[vector<16xi32>], vector<16xf32>,
    %convert_element_type3A_223 = arith.fptosi %gather3A_222 : vector<16xf32> to vector<16xi32>
    %add3A_224 = arith.constant 6 : i32
    %add3A_225 = vector.broadcast %add3A_224 : i32 to vector<16xi32>
    %add3A_226 = arith.addi %mul3A_188, %add3A_225 : vector<16xi32>
    %gather3A_227 = tpu.vector_load_idx %arg6[%add3A_226] : memref<720xf32, #tpu.memory_space<vmem>>[vector<16xi32>], vector<16xf32>,
    %convert_element_type3A_228 = arith.fptosi %gather3A_227 : vector<16xf32> to vector<16xi32>
    %add3A_229 = arith.constant 7 : i32
    %add3A_230 = vector.broadcast %add3A_229 : i32 to vector<16xi32>
    %add3A_231 = arith.addi %mul3A_188, %add3A_230 : vector<16xi32>
    %gather3A_232 = tpu.vector_load_idx %arg6[%add3A_231] : memref<720xf32, #tpu.memory_space<vmem>>[vector<16xi32>], vector<16xf32>,
    %convert_element_type3A_233 = arith.fptosi %gather3A_232 : vector<16xf32> to vector<16xi32>
    %add3A_234 = arith.constant 8 : i32
    %add3A_235 = vector.broadcast %add3A_234 : i32 to vector<16xi32>
    %add3A_236 = arith.addi %mul3A_188, %add3A_235 : vector<16xi32>
    %gather3A_237 = tpu.vector_load_idx %arg6[%add3A_236] : memref<720xf32, #tpu.memory_space<vmem>>[vector<16xi32>], vector<16xf32>,
    %convert_element_type3A_238 = arith.fptosi %gather3A_237 : vector<16xf32> to vector<16xi32>
    %sub3A_239 = arith.constant 2017 : i32
    %sub3A_240 = vector.broadcast %sub3A_239 : i32 to vector<16xi32>
    %sub3A_241 = arith.subi %convert_element_type3A_223, %sub3A_240 : vector<16xi32>
    %ge3A_242 = arith.constant 9 : i32
    %ge3A_243 = vector.broadcast %ge3A_242 : i32 to vector<16xi32>
    %ge3A_244 = arith.cmpi sge, %convert_element_type3A_228, %ge3A_243 : vector<16xi32>
    %sub3A_245 = arith.constant 9 : i32
    %sub3A_246 = vector.broadcast %sub3A_245 : i32 to vector<16xi32>
    %sub3A_247 = arith.subi %convert_element_type3A_228, %sub3A_246 : vector<16xi32>
    %add3A_248 = arith.constant 3 : i32
    %add3A_249 = vector.broadcast %add3A_248 : i32 to vector<16xi32>
    %add3A_250 = arith.addi %convert_element_type3A_228, %add3A_249 : vector<16xi32>
    %select_n3A_251 = arith.select %ge3A_244, %sub3A_247, %add3A_250 : vector<16xi1>, vector<16xi32>
    %mul3A_252 = arith.constant 6 : i32
    %mul3A_253 = vector.broadcast %mul3A_252 : i32 to vector<16xi32>
    %mul3A_254 = arith.muli %sub3A_241, %mul3A_253 : vector<16xi32>
    %add3A_255 = arith.addi %mul3A_254, %select_n3A_251 : vector<16xi32>
    %swap3A_256 = arith.constant 32 : index
    %swap3A_257 = tpu.vector_load %arg8[%swap3A_256] {strides = array<i32>} : memref<80xi32, #tpu.memory_space<vmem>>, vector<16xi32>,
    tpu.vector_store %arg8[%swap3A_256], %add3A_255 {strides = array<i32>} : memref<80xi32, #tpu.memory_space<vmem>>, vector<16xi32>,
    %mul3A_258 = arith.constant 8 : i32
    %mul3A_259 = vector.broadcast %mul3A_258 : i32 to vector<16xi32>
    %mul3A_260 = arith.muli %convert_element_type3A_238, %mul3A_259 : vector<16xi32>
    %sub3A_261 = arith.constant 9 : i32
    %sub3A_262 = vector.broadcast %sub3A_261 : i32 to vector<16xi32>
    %sub3A_263 = arith.subi %convert_element_type3A_233, %sub3A_262 : vector<16xi32>
    %add3A_264 = arith.addi %mul3A_260, %sub3A_263 : vector<16xi32>
    %add3A_265 = arith.constant 12 : i32
    %add3A_266 = vector.broadcast %add3A_265 : i32 to vector<16xi32>
    %add3A_267 = arith.addi %add3A_264, %add3A_266 : vector<16xi32>
    %swap3A_268 = arith.constant 32 : index
    %swap3A_269 = tpu.vector_load %arg10[%swap3A_268] {strides = array<i32>} : memref<80xi32, #tpu.memory_space<vmem>>, vector<16xi32>,
    tpu.vector_store %arg10[%swap3A_268], %add3A_267 {strides = array<i32>} : memref<80xi32, #tpu.memory_space<vmem>>, vector<16xi32>,
    %add3A_270 = arith.constant 48 : i32
    %add3A_271 = vector.broadcast %add3A_270 : i32 to vector<16xi32>
    %add3A_272 = arith.addi %add3A_271, %iota3A : vector<16xi32>
    %mul3A_273 = arith.constant 9 : i32
    %mul3A_274 = vector.broadcast %mul3A_273 : i32 to vector<16xi32>
    %mul3A_275 = arith.muli %add3A_272, %mul3A_274 : vector<16xi32>
    %add3A_276 = arith.constant 0 : i32
    %add3A_277 = vector.broadcast %add3A_276 : i32 to vector<16xi32>
    %add3A_278 = arith.addi %mul3A_275, %add3A_277 : vector<16xi32>
    %gather3A_279 = tpu.vector_load_idx %arg6[%add3A_278] : memref<720xf32, #tpu.memory_space<vmem>>[vector<16xi32>], vector<16xf32>,
    %broadcast_in_dim3A_280 = arith.constant 0 : i32
    %broadcast_in_dim3A_281 = vector.broadcast %broadcast_in_dim3A_280 : i32 to vector<16xi32>
    tpu.vector_store_idx %arg16[%add3A_272, %broadcast_in_dim3A_281], %gather3A_279 : memref<80x261xf32, #tpu.memory_space<vmem>>[vector<16xi32>, vector<16xi32>], vector<16xf32>,
    %add3A_282 = arith.constant 1 : i32
    %add3A_283 = vector.broadcast %add3A_282 : i32 to vector<16xi32>
    %add3A_284 = arith.addi %mul3A_275, %add3A_283 : vector<16xi32>
    %gather3A_285 = tpu.vector_load_idx %arg6[%add3A_284] : memref<720xf32, #tpu.memory_space<vmem>>[vector<16xi32>], vector<16xf32>,
    %broadcast_in_dim3A_286 = arith.constant 1 : i32
    %broadcast_in_dim3A_287 = vector.broadcast %broadcast_in_dim3A_286 : i32 to vector<16xi32>
    tpu.vector_store_idx %arg16[%add3A_272, %broadcast_in_dim3A_287], %gather3A_285 : memref<80x261xf32, #tpu.memory_space<vmem>>[vector<16xi32>, vector<16xi32>], vector<16xf32>,
    %add3A_288 = arith.constant 2 : i32
    %add3A_289 = vector.broadcast %add3A_288 : i32 to vector<16xi32>
    %add3A_290 = arith.addi %mul3A_275, %add3A_289 : vector<16xi32>
    %gather3A_291 = tpu.vector_load_idx %arg6[%add3A_290] : memref<720xf32, #tpu.memory_space<vmem>>[vector<16xi32>], vector<16xf32>,
    %broadcast_in_dim3A_292 = arith.constant 2 : i32
    %broadcast_in_dim3A_293 = vector.broadcast %broadcast_in_dim3A_292 : i32 to vector<16xi32>
    tpu.vector_store_idx %arg16[%add3A_272, %broadcast_in_dim3A_293], %gather3A_291 : memref<80x261xf32, #tpu.memory_space<vmem>>[vector<16xi32>, vector<16xi32>], vector<16xf32>,
    %add3A_294 = arith.constant 3 : i32
    %add3A_295 = vector.broadcast %add3A_294 : i32 to vector<16xi32>
    %add3A_296 = arith.addi %mul3A_275, %add3A_295 : vector<16xi32>
    %gather3A_297 = tpu.vector_load_idx %arg6[%add3A_296] : memref<720xf32, #tpu.memory_space<vmem>>[vector<16xi32>], vector<16xf32>,
    %broadcast_in_dim3A_298 = arith.constant 3 : i32
    %broadcast_in_dim3A_299 = vector.broadcast %broadcast_in_dim3A_298 : i32 to vector<16xi32>
    tpu.vector_store_idx %arg16[%add3A_272, %broadcast_in_dim3A_299], %gather3A_297 : memref<80x261xf32, #tpu.memory_space<vmem>>[vector<16xi32>, vector<16xi32>], vector<16xf32>,
    %add3A_300 = arith.constant 4 : i32
    %add3A_301 = vector.broadcast %add3A_300 : i32 to vector<16xi32>
    %add3A_302 = arith.addi %mul3A_275, %add3A_301 : vector<16xi32>
    %gather3A_303 = tpu.vector_load_idx %arg6[%add3A_302] : memref<720xf32, #tpu.memory_space<vmem>>[vector<16xi32>], vector<16xf32>,
    %broadcast_in_dim3A_304 = arith.constant 4 : i32
    %broadcast_in_dim3A_305 = vector.broadcast %broadcast_in_dim3A_304 : i32 to vector<16xi32>
    tpu.vector_store_idx %arg16[%add3A_272, %broadcast_in_dim3A_305], %gather3A_303 : memref<80x261xf32, #tpu.memory_space<vmem>>[vector<16xi32>, vector<16xi32>], vector<16xf32>,
    %add3A_306 = arith.constant 5 : i32
    %add3A_307 = vector.broadcast %add3A_306 : i32 to vector<16xi32>
    %add3A_308 = arith.addi %mul3A_275, %add3A_307 : vector<16xi32>
    %gather3A_309 = tpu.vector_load_idx %arg6[%add3A_308] : memref<720xf32, #tpu.memory_space<vmem>>[vector<16xi32>], vector<16xf32>,
    %convert_element_type3A_310 = arith.fptosi %gather3A_309 : vector<16xf32> to vector<16xi32>
    %add3A_311 = arith.constant 6 : i32
    %add3A_312 = vector.broadcast %add3A_311 : i32 to vector<16xi32>
    %add3A_313 = arith.addi %mul3A_275, %add3A_312 : vector<16xi32>
    %gather3A_314 = tpu.vector_load_idx %arg6[%add3A_313] : memref<720xf32, #tpu.memory_space<vmem>>[vector<16xi32>], vector<16xf32>,
    %convert_element_type3A_315 = arith.fptosi %gather3A_314 : vector<16xf32> to vector<16xi32>
    %add3A_316 = arith.constant 7 : i32
    %add3A_317 = vector.broadcast %add3A_316 : i32 to vector<16xi32>
    %add3A_318 = arith.addi %mul3A_275, %add3A_317 : vector<16xi32>
    %gather3A_319 = tpu.vector_load_idx %arg6[%add3A_318] : memref<720xf32, #tpu.memory_space<vmem>>[vector<16xi32>], vector<16xf32>,
    %convert_element_type3A_320 = arith.fptosi %gather3A_319 : vector<16xf32> to vector<16xi32>
    %add3A_321 = arith.constant 8 : i32
    %add3A_322 = vector.broadcast %add3A_321 : i32 to vector<16xi32>
    %add3A_323 = arith.addi %mul3A_275, %add3A_322 : vector<16xi32>
    %gather3A_324 = tpu.vector_load_idx %arg6[%add3A_323] : memref<720xf32, #tpu.memory_space<vmem>>[vector<16xi32>], vector<16xf32>,
    %convert_element_type3A_325 = arith.fptosi %gather3A_324 : vector<16xf32> to vector<16xi32>
    %sub3A_326 = arith.constant 2017 : i32
    %sub3A_327 = vector.broadcast %sub3A_326 : i32 to vector<16xi32>
    %sub3A_328 = arith.subi %convert_element_type3A_310, %sub3A_327 : vector<16xi32>
    %ge3A_329 = arith.constant 9 : i32
    %ge3A_330 = vector.broadcast %ge3A_329 : i32 to vector<16xi32>
    %ge3A_331 = arith.cmpi sge, %convert_element_type3A_315, %ge3A_330 : vector<16xi32>
    %sub3A_332 = arith.constant 9 : i32
    %sub3A_333 = vector.broadcast %sub3A_332 : i32 to vector<16xi32>
    %sub3A_334 = arith.subi %convert_element_type3A_315, %sub3A_333 : vector<16xi32>
    %add3A_335 = arith.constant 3 : i32
    %add3A_336 = vector.broadcast %add3A_335 : i32 to vector<16xi32>
    %add3A_337 = arith.addi %convert_element_type3A_315, %add3A_336 : vector<16xi32>
    %select_n3A_338 = arith.select %ge3A_331, %sub3A_334, %add3A_337 : vector<16xi1>, vector<16xi32>
    %mul3A_339 = arith.constant 6 : i32
    %mul3A_340 = vector.broadcast %mul3A_339 : i32 to vector<16xi32>
    %mul3A_341 = arith.muli %sub3A_328, %mul3A_340 : vector<16xi32>
    %add3A_342 = arith.addi %mul3A_341, %select_n3A_338 : vector<16xi32>
    %swap3A_343 = arith.constant 48 : index
    %swap3A_344 = tpu.vector_load %arg8[%swap3A_343] {strides = array<i32>} : memref<80xi32, #tpu.memory_space<vmem>>, vector<16xi32>,
    tpu.vector_store %arg8[%swap3A_343], %add3A_342 {strides = array<i32>} : memref<80xi32, #tpu.memory_space<vmem>>, vector<16xi32>,
    %mul3A_345 = arith.constant 8 : i32
    %mul3A_346 = vector.broadcast %mul3A_345 : i32 to vector<16xi32>
    %mul3A_347 = arith.muli %convert_element_type3A_325, %mul3A_346 : vector<16xi32>
    %sub3A_348 = arith.constant 9 : i32
    %sub3A_349 = vector.broadcast %sub3A_348 : i32 to vector<16xi32>
    %sub3A_350 = arith.subi %convert_element_type3A_320, %sub3A_349 : vector<16xi32>
    %add3A_351 = arith.addi %mul3A_347, %sub3A_350 : vector<16xi32>
    %add3A_352 = arith.constant 12 : i32
    %add3A_353 = vector.broadcast %add3A_352 : i32 to vector<16xi32>
    %add3A_354 = arith.addi %add3A_351, %add3A_353 : vector<16xi32>
    %swap3A_355 = arith.constant 48 : index
    %swap3A_356 = tpu.vector_load %arg10[%swap3A_355] {strides = array<i32>} : memref<80xi32, #tpu.memory_space<vmem>>, vector<16xi32>,
    tpu.vector_store %arg10[%swap3A_355], %add3A_354 {strides = array<i32>} : memref<80xi32, #tpu.memory_space<vmem>>, vector<16xi32>,
    %add3A_357 = arith.constant 64 : i32
    %add3A_358 = vector.broadcast %add3A_357 : i32 to vector<16xi32>
    %add3A_359 = arith.addi %add3A_358, %iota3A : vector<16xi32>
    %mul3A_360 = arith.constant 9 : i32
    %mul3A_361 = vector.broadcast %mul3A_360 : i32 to vector<16xi32>
    %mul3A_362 = arith.muli %add3A_359, %mul3A_361 : vector<16xi32>
    %add3A_363 = arith.constant 0 : i32
    %add3A_364 = vector.broadcast %add3A_363 : i32 to vector<16xi32>
    %add3A_365 = arith.addi %mul3A_362, %add3A_364 : vector<16xi32>
    %gather3A_366 = tpu.vector_load_idx %arg6[%add3A_365] : memref<720xf32, #tpu.memory_space<vmem>>[vector<16xi32>], vector<16xf32>,
    %broadcast_in_dim3A_367 = arith.constant 0 : i32
    %broadcast_in_dim3A_368 = vector.broadcast %broadcast_in_dim3A_367 : i32 to vector<16xi32>
    tpu.vector_store_idx %arg16[%add3A_359, %broadcast_in_dim3A_368], %gather3A_366 : memref<80x261xf32, #tpu.memory_space<vmem>>[vector<16xi32>, vector<16xi32>], vector<16xf32>,
    %add3A_369 = arith.constant 1 : i32
    %add3A_370 = vector.broadcast %add3A_369 : i32 to vector<16xi32>
    %add3A_371 = arith.addi %mul3A_362, %add3A_370 : vector<16xi32>
    %gather3A_372 = tpu.vector_load_idx %arg6[%add3A_371] : memref<720xf32, #tpu.memory_space<vmem>>[vector<16xi32>], vector<16xf32>,
    %broadcast_in_dim3A_373 = arith.constant 1 : i32
    %broadcast_in_dim3A_374 = vector.broadcast %broadcast_in_dim3A_373 : i32 to vector<16xi32>
    tpu.vector_store_idx %arg16[%add3A_359, %broadcast_in_dim3A_374], %gather3A_372 : memref<80x261xf32, #tpu.memory_space<vmem>>[vector<16xi32>, vector<16xi32>], vector<16xf32>,
    %add3A_375 = arith.constant 2 : i32
    %add3A_376 = vector.broadcast %add3A_375 : i32 to vector<16xi32>
    %add3A_377 = arith.addi %mul3A_362, %add3A_376 : vector<16xi32>
    %gather3A_378 = tpu.vector_load_idx %arg6[%add3A_377] : memref<720xf32, #tpu.memory_space<vmem>>[vector<16xi32>], vector<16xf32>,
    %broadcast_in_dim3A_379 = arith.constant 2 : i32
    %broadcast_in_dim3A_380 = vector.broadcast %broadcast_in_dim3A_379 : i32 to vector<16xi32>
    tpu.vector_store_idx %arg16[%add3A_359, %broadcast_in_dim3A_380], %gather3A_378 : memref<80x261xf32, #tpu.memory_space<vmem>>[vector<16xi32>, vector<16xi32>], vector<16xf32>,
    %add3A_381 = arith.constant 3 : i32
    %add3A_382 = vector.broadcast %add3A_381 : i32 to vector<16xi32>
    %add3A_383 = arith.addi %mul3A_362, %add3A_382 : vector<16xi32>
    %gather3A_384 = tpu.vector_load_idx %arg6[%add3A_383] : memref<720xf32, #tpu.memory_space<vmem>>[vector<16xi32>], vector<16xf32>,
    %broadcast_in_dim3A_385 = arith.constant 3 : i32
    %broadcast_in_dim3A_386 = vector.broadcast %broadcast_in_dim3A_385 : i32 to vector<16xi32>
    tpu.vector_store_idx %arg16[%add3A_359, %broadcast_in_dim3A_386], %gather3A_384 : memref<80x261xf32, #tpu.memory_space<vmem>>[vector<16xi32>, vector<16xi32>], vector<16xf32>,
    %add3A_387 = arith.constant 4 : i32
    %add3A_388 = vector.broadcast %add3A_387 : i32 to vector<16xi32>
    %add3A_389 = arith.addi %mul3A_362, %add3A_388 : vector<16xi32>
    %gather3A_390 = tpu.vector_load_idx %arg6[%add3A_389] : memref<720xf32, #tpu.memory_space<vmem>>[vector<16xi32>], vector<16xf32>,
    %broadcast_in_dim3A_391 = arith.constant 4 : i32
    %broadcast_in_dim3A_392 = vector.broadcast %broadcast_in_dim3A_391 : i32 to vector<16xi32>
    tpu.vector_store_idx %arg16[%add3A_359, %broadcast_in_dim3A_392], %gather3A_390 : memref<80x261xf32, #tpu.memory_space<vmem>>[vector<16xi32>, vector<16xi32>], vector<16xf32>,
    %add3A_393 = arith.constant 5 : i32
    %add3A_394 = vector.broadcast %add3A_393 : i32 to vector<16xi32>
    %add3A_395 = arith.addi %mul3A_362, %add3A_394 : vector<16xi32>
    %gather3A_396 = tpu.vector_load_idx %arg6[%add3A_395] : memref<720xf32, #tpu.memory_space<vmem>>[vector<16xi32>], vector<16xf32>,
    %convert_element_type3A_397 = arith.fptosi %gather3A_396 : vector<16xf32> to vector<16xi32>
    %add3A_398 = arith.constant 6 : i32
    %add3A_399 = vector.broadcast %add3A_398 : i32 to vector<16xi32>
    %add3A_400 = arith.addi %mul3A_362, %add3A_399 : vector<16xi32>
    %gather3A_401 = tpu.vector_load_idx %arg6[%add3A_400] : memref<720xf32, #tpu.memory_space<vmem>>[vector<16xi32>], vector<16xf32>,
    %convert_element_type3A_402 = arith.fptosi %gather3A_401 : vector<16xf32> to vector<16xi32>
    %add3A_403 = arith.constant 7 : i32
    %add3A_404 = vector.broadcast %add3A_403 : i32 to vector<16xi32>
    %add3A_405 = arith.addi %mul3A_362, %add3A_404 : vector<16xi32>
    %gather3A_406 = tpu.vector_load_idx %arg6[%add3A_405] : memref<720xf32, #tpu.memory_space<vmem>>[vector<16xi32>], vector<16xf32>,
    %convert_element_type3A_407 = arith.fptosi %gather3A_406 : vector<16xf32> to vector<16xi32>
    %add3A_408 = arith.constant 8 : i32
    %add3A_409 = vector.broadcast %add3A_408 : i32 to vector<16xi32>
    %add3A_410 = arith.addi %mul3A_362, %add3A_409 : vector<16xi32>
    %gather3A_411 = tpu.vector_load_idx %arg6[%add3A_410] : memref<720xf32, #tpu.memory_space<vmem>>[vector<16xi32>], vector<16xf32>,
    %convert_element_type3A_412 = arith.fptosi %gather3A_411 : vector<16xf32> to vector<16xi32>
    %sub3A_413 = arith.constant 2017 : i32
    %sub3A_414 = vector.broadcast %sub3A_413 : i32 to vector<16xi32>
    %sub3A_415 = arith.subi %convert_element_type3A_397, %sub3A_414 : vector<16xi32>
    %ge3A_416 = arith.constant 9 : i32
    %ge3A_417 = vector.broadcast %ge3A_416 : i32 to vector<16xi32>
    %ge3A_418 = arith.cmpi sge, %convert_element_type3A_402, %ge3A_417 : vector<16xi32>
    %sub3A_419 = arith.constant 9 : i32
    %sub3A_420 = vector.broadcast %sub3A_419 : i32 to vector<16xi32>
    %sub3A_421 = arith.subi %convert_element_type3A_402, %sub3A_420 : vector<16xi32>
    %add3A_422 = arith.constant 3 : i32
    %add3A_423 = vector.broadcast %add3A_422 : i32 to vector<16xi32>
    %add3A_424 = arith.addi %convert_element_type3A_402, %add3A_423 : vector<16xi32>
    %select_n3A_425 = arith.select %ge3A_418, %sub3A_421, %add3A_424 : vector<16xi1>, vector<16xi32>
    %mul3A_426 = arith.constant 6 : i32
    %mul3A_427 = vector.broadcast %mul3A_426 : i32 to vector<16xi32>
    %mul3A_428 = arith.muli %sub3A_415, %mul3A_427 : vector<16xi32>
    %add3A_429 = arith.addi %mul3A_428, %select_n3A_425 : vector<16xi32>
    %swap3A_430 = arith.constant 64 : index
    %swap3A_431 = tpu.vector_load %arg8[%swap3A_430] {strides = array<i32>} : memref<80xi32, #tpu.memory_space<vmem>>, vector<16xi32>,
    tpu.vector_store %arg8[%swap3A_430], %add3A_429 {strides = array<i32>} : memref<80xi32, #tpu.memory_space<vmem>>, vector<16xi32>,
    %mul3A_432 = arith.constant 8 : i32
    %mul3A_433 = vector.broadcast %mul3A_432 : i32 to vector<16xi32>
    %mul3A_434 = arith.muli %convert_element_type3A_412, %mul3A_433 : vector<16xi32>
    %sub3A_435 = arith.constant 9 : i32
    %sub3A_436 = vector.broadcast %sub3A_435 : i32 to vector<16xi32>
    %sub3A_437 = arith.subi %convert_element_type3A_407, %sub3A_436 : vector<16xi32>
    %add3A_438 = arith.addi %mul3A_434, %sub3A_437 : vector<16xi32>
    %add3A_439 = arith.constant 12 : i32
    %add3A_440 = vector.broadcast %add3A_439 : i32 to vector<16xi32>
    %add3A_441 = arith.addi %add3A_438, %add3A_440 : vector<16xi32>
    %swap3A_442 = arith.constant 64 : index
    %swap3A_443 = tpu.vector_load %arg10[%swap3A_442] {strides = array<i32>} : memref<80xi32, #tpu.memory_space<vmem>>, vector<16xi32>,
    tpu.vector_store %arg10[%swap3A_442], %add3A_441 {strides = array<i32>} : memref<80xi32, #tpu.memory_space<vmem>>, vector<16xi32>,
    %dma_start3A_444 = arith.constant 0 : i32
    %dma_start3A_445 = arith.constant 0 : i32
    %dma_start3A_446 = tpu.memref_slice %arg5[%dma_start3A_444, %dma_start3A_445] : memref<52x128xf32, #tpu.memory_space<vmem_shared>> -> memref<52x128xf32, #tpu.memory_space<vmem_shared>>
    tpu.enqueue_indirect_dma source(%dma_start3A_446 : memref<52x128xf32, #tpu.memory_space<vmem_shared>>) target(%arg12 : memref<80x128xf32, #tpu.memory_space<vmem>>) offsets(%arg8 : memref<80xi32, #tpu.memory_space<vmem>>) semaphore(%arg20 : memref<!tpu.dma_semaphore, #tpu.memory_space<semaphore_mem>>)
    %dma_start3A_447 = arith.constant 0 : i32
    %dma_start3A_448 = arith.constant 0 : i32
    %dma_start3A_449 = tpu.memref_slice %arg5[%dma_start3A_447, %dma_start3A_448] : memref<52x128xf32, #tpu.memory_space<vmem_shared>> -> memref<52x128xf32, #tpu.memory_space<vmem_shared>>
    tpu.enqueue_indirect_dma source(%dma_start3A_449 : memref<52x128xf32, #tpu.memory_space<vmem_shared>>) target(%arg14 : memref<80x128xf32, #tpu.memory_space<vmem>>) offsets(%arg10 : memref<80xi32, #tpu.memory_space<vmem>>) semaphore(%arg20 : memref<!tpu.dma_semaphore, #tpu.memory_space<semaphore_mem>>)
    %add3A_450 = arith.constant 80 : i32
    %add3A_451 = arith.addi %mul3A_2, %add3A_450 : i32
    %mul3A_452 = arith.constant 9 : i32
    %mul3A_453 = arith.muli %add3A_451, %mul3A_452 : i32
    %dma_start3A_454 = tpu.memref_slice %arg2[%mul3A_453] : memref<7372800xf32, #tpu.memory_space<hbm>> -> memref<720xf32, #tpu.memory_space<hbm>>
    %dma_start3A_455 = tpu.memref_slice %arg2[%mul3A_453] : memref<7372800xf32, #tpu.memory_space<hbm>> -> memref<720xf32, #tpu.memory_space<hbm>>
    tpu.enqueue_dma source(%dma_start3A_455 : memref<720xf32, #tpu.memory_space<hbm>>) target(%arg7 : memref<720xf32, #tpu.memory_space<vmem>>) target_semaphore(%arg19 : memref<!tpu.dma_semaphore, #tpu.memory_space<semaphore_mem>>)
    %scan3A = arith.constant 0 : i32
    %scan3A_456 = arith.constant 0 : i32
    %scan3A_457 = arith.constant 160 : i32
    %scan3A_458 = arith.addi %scan3A_456, %scan3A_457 : i32
    %scan3A_459 = arith.constant 1 : i32
    scf.for %scan3A_473 = %scan3A_456 to %scan3A_458 step %scan3A_459  : i32 {
      %mul3A_474 = arith.constant 2 : i32
      %mul3A_475 = arith.muli %scan3A_473, %mul3A_474 : i32
      %lt3A = arith.constant 319 : i32
      %lt3A_476 = arith.cmpi slt, %mul3A_475, %lt3A : i32
      %convert_element_type3A_477 = arith.extui %lt3A_476 : i1 to i32
      %cond3A_478 = arith.constant 0 : i32
      %cond3A_479 = arith.cmpi ne, %convert_element_type3A_477, %cond3A_478 : i32
      scf.if %cond3A_479 {
        %add3A_530 = arith.constant 1 : i32
        %add3A_531 = arith.addi %mul3A_475, %add3A_530 : i32
        %mul3A_532 = arith.constant 80 : i32
        %mul3A_533 = arith.muli %add3A_531, %mul3A_532 : i32
        %add3A_534 = arith.addi %mul3A_2, %mul3A_533 : i32
        %mul3A_535 = arith.constant 9 : i32
        %mul3A_536 = arith.muli %add3A_534, %mul3A_535 : i32
        %dma_wait3A_537 = tpu.memref_slice %arg2[%mul3A_536] : memref<7372800xf32, #tpu.memory_space<hbm>> -> memref<720xf32, #tpu.memory_space<hbm>>
        %dma_wait3A_538 = tpu.memref_slice %arg2[%mul3A_536] : memref<7372800xf32, #tpu.memory_space<hbm>> -> memref<720xf32, #tpu.memory_space<hbm>>
        tpu.wait_dma2 semaphore(%arg19 : memref<!tpu.dma_semaphore, #tpu.memory_space<semaphore_mem>>) src(%dma_wait3A_538 : memref<720xf32, #tpu.memory_space<hbm>>) dst(%arg7 : memref<720xf32, #tpu.memory_space<vmem>>)
        %ge3A_539 = arith.constant 1 : i32
        %ge3A_540 = arith.cmpi sge, %mul3A_475, %ge3A_539 : i32
        %convert_element_type3A_541 = arith.extui %ge3A_540 : i1 to i32
        %cond3A_542 = arith.constant 0 : i32
        %cond3A_543 = arith.cmpi ne, %convert_element_type3A_541, %cond3A_542 : i32
        scf.if %cond3A_543 {
          %sub3A_985 = arith.constant 1 : i32
          %sub3A_986 = arith.subi %mul3A_475, %sub3A_985 : i32
          %mul3A_987 = arith.constant 80 : i32
          %mul3A_988 = arith.muli %sub3A_986, %mul3A_987 : i32
          %add3A_989 = arith.addi %mul3A_2, %mul3A_988 : i32
          %dma_wait3A_990 = arith.constant 0 : i32
          %dma_wait3A_991 = tpu.memref_slice %arg4[%add3A_989, %dma_wait3A_990] : memref<819200x261xf32, #tpu.memory_space<hbm>> -> memref<80x261xf32, #tpu.memory_space<hbm>>
          %dma_wait3A_992 = arith.constant 0 : i32
          %dma_wait3A_993 = tpu.memref_slice %arg4[%add3A_989, %dma_wait3A_992] : memref<819200x261xf32, #tpu.memory_space<hbm>> -> memref<80x261xf32, #tpu.memory_space<hbm>>
          tpu.wait_dma2 semaphore(%arg23 : memref<!tpu.dma_semaphore, #tpu.memory_space<semaphore_mem>>) src(%arg17 : memref<80x261xf32, #tpu.memory_space<vmem>>) dst(%dma_wait3A_993 : memref<80x261xf32, #tpu.memory_space<hbm>>)
        } else {
        }
        %add3A_544 = arith.constant 0 : i32
        %add3A_545 = vector.broadcast %add3A_544 : i32 to vector<16xi32>
        %add3A_546 = arith.addi %add3A_545, %iota3A : vector<16xi32>
        %mul3A_547 = arith.constant 9 : i32
        %mul3A_548 = vector.broadcast %mul3A_547 : i32 to vector<16xi32>
        %mul3A_549 = arith.muli %add3A_546, %mul3A_548 : vector<16xi32>
        %add3A_550 = arith.constant 0 : i32
        %add3A_551 = vector.broadcast %add3A_550 : i32 to vector<16xi32>
        %add3A_552 = arith.addi %mul3A_549, %add3A_551 : vector<16xi32>
        %gather3A_553 = tpu.vector_load_idx %arg7[%add3A_552] : memref<720xf32, #tpu.memory_space<vmem>>[vector<16xi32>], vector<16xf32>,
        %broadcast_in_dim3A_554 = arith.constant 0 : i32
        %broadcast_in_dim3A_555 = vector.broadcast %broadcast_in_dim3A_554 : i32 to vector<16xi32>
        tpu.vector_store_idx %arg17[%add3A_546, %broadcast_in_dim3A_555], %gather3A_553 : memref<80x261xf32, #tpu.memory_space<vmem>>[vector<16xi32>, vector<16xi32>], vector<16xf32>,
        %add3A_556 = arith.constant 1 : i32
        %add3A_557 = vector.broadcast %add3A_556 : i32 to vector<16xi32>
        %add3A_558 = arith.addi %mul3A_549, %add3A_557 : vector<16xi32>
        %gather3A_559 = tpu.vector_load_idx %arg7[%add3A_558] : memref<720xf32, #tpu.memory_space<vmem>>[vector<16xi32>], vector<16xf32>,
        %broadcast_in_dim3A_560 = arith.constant 1 : i32
        %broadcast_in_dim3A_561 = vector.broadcast %broadcast_in_dim3A_560 : i32 to vector<16xi32>
        tpu.vector_store_idx %arg17[%add3A_546, %broadcast_in_dim3A_561], %gather3A_559 : memref<80x261xf32, #tpu.memory_space<vmem>>[vector<16xi32>, vector<16xi32>], vector<16xf32>,
        %add3A_562 = arith.constant 2 : i32
        %add3A_563 = vector.broadcast %add3A_562 : i32 to vector<16xi32>
        %add3A_564 = arith.addi %mul3A_549, %add3A_563 : vector<16xi32>
        %gather3A_565 = tpu.vector_load_idx %arg7[%add3A_564] : memref<720xf32, #tpu.memory_space<vmem>>[vector<16xi32>], vector<16xf32>,
        %broadcast_in_dim3A_566 = arith.constant 2 : i32
        %broadcast_in_dim3A_567 = vector.broadcast %broadcast_in_dim3A_566 : i32 to vector<16xi32>
        tpu.vector_store_idx %arg17[%add3A_546, %broadcast_in_dim3A_567], %gather3A_565 : memref<80x261xf32, #tpu.memory_space<vmem>>[vector<16xi32>, vector<16xi32>], vector<16xf32>,
        %add3A_568 = arith.constant 3 : i32
        %add3A_569 = vector.broadcast %add3A_568 : i32 to vector<16xi32>
        %add3A_570 = arith.addi %mul3A_549, %add3A_569 : vector<16xi32>
        %gather3A_571 = tpu.vector_load_idx %arg7[%add3A_570] : memref<720xf32, #tpu.memory_space<vmem>>[vector<16xi32>], vector<16xf32>,
        %broadcast_in_dim3A_572 = arith.constant 3 : i32
        %broadcast_in_dim3A_573 = vector.broadcast %broadcast_in_dim3A_572 : i32 to vector<16xi32>
        tpu.vector_store_idx %arg17[%add3A_546, %broadcast_in_dim3A_573], %gather3A_571 : memref<80x261xf32, #tpu.memory_space<vmem>>[vector<16xi32>, vector<16xi32>], vector<16xf32>,
        %add3A_574 = arith.constant 4 : i32
        %add3A_575 = vector.broadcast %add3A_574 : i32 to vector<16xi32>
        %add3A_576 = arith.addi %mul3A_549, %add3A_575 : vector<16xi32>
        %gather3A_577 = tpu.vector_load_idx %arg7[%add3A_576] : memref<720xf32, #tpu.memory_space<vmem>>[vector<16xi32>], vector<16xf32>,
        %broadcast_in_dim3A_578 = arith.constant 4 : i32
        %broadcast_in_dim3A_579 = vector.broadcast %broadcast_in_dim3A_578 : i32 to vector<16xi32>
        tpu.vector_store_idx %arg17[%add3A_546, %broadcast_in_dim3A_579], %gather3A_577 : memref<80x261xf32, #tpu.memory_space<vmem>>[vector<16xi32>, vector<16xi32>], vector<16xf32>,
        %add3A_580 = arith.constant 5 : i32
        %add3A_581 = vector.broadcast %add3A_580 : i32 to vector<16xi32>
        %add3A_582 = arith.addi %mul3A_549, %add3A_581 : vector<16xi32>
        %gather3A_583 = tpu.vector_load_idx %arg7[%add3A_582] : memref<720xf32, #tpu.memory_space<vmem>>[vector<16xi32>], vector<16xf32>,
        %convert_element_type3A_584 = arith.fptosi %gather3A_583 : vector<16xf32> to vector<16xi32>
        %add3A_585 = arith.constant 6 : i32
        %add3A_586 = vector.broadcast %add3A_585 : i32 to vector<16xi32>
        %add3A_587 = arith.addi %mul3A_549, %add3A_586 : vector<16xi32>
        %gather3A_588 = tpu.vector_load_idx %arg7[%add3A_587] : memref<720xf32, #tpu.memory_space<vmem>>[vector<16xi32>], vector<16xf32>,
        %convert_element_type3A_589 = arith.fptosi %gather3A_588 : vector<16xf32> to vector<16xi32>
        %add3A_590 = arith.constant 7 : i32
        %add3A_591 = vector.broadcast %add3A_590 : i32 to vector<16xi32>
        %add3A_592 = arith.addi %mul3A_549, %add3A_591 : vector<16xi32>
        %gather3A_593 = tpu.vector_load_idx %arg7[%add3A_592] : memref<720xf32, #tpu.memory_space<vmem>>[vector<16xi32>], vector<16xf32>,
        %convert_element_type3A_594 = arith.fptosi %gather3A_593 : vector<16xf32> to vector<16xi32>
        %add3A_595 = arith.constant 8 : i32
        %add3A_596 = vector.broadcast %add3A_595 : i32 to vector<16xi32>
        %add3A_597 = arith.addi %mul3A_549, %add3A_596 : vector<16xi32>
        %gather3A_598 = tpu.vector_load_idx %arg7[%add3A_597] : memref<720xf32, #tpu.memory_space<vmem>>[vector<16xi32>], vector<16xf32>,
        %convert_element_type3A_599 = arith.fptosi %gather3A_598 : vector<16xf32> to vector<16xi32>
        %sub3A_600 = arith.constant 2017 : i32
        %sub3A_601 = vector.broadcast %sub3A_600 : i32 to vector<16xi32>
        %sub3A_602 = arith.subi %convert_element_type3A_584, %sub3A_601 : vector<16xi32>
        %ge3A_603 = arith.constant 9 : i32
        %ge3A_604 = vector.broadcast %ge3A_603 : i32 to vector<16xi32>
        %ge3A_605 = arith.cmpi sge, %convert_element_type3A_589, %ge3A_604 : vector<16xi32>
        %sub3A_606 = arith.constant 9 : i32
        %sub3A_607 = vector.broadcast %sub3A_606 : i32 to vector<16xi32>
        %sub3A_608 = arith.subi %convert_element_type3A_589, %sub3A_607 : vector<16xi32>
        %add3A_609 = arith.constant 3 : i32
        %add3A_610 = vector.broadcast %add3A_609 : i32 to vector<16xi32>
        %add3A_611 = arith.addi %convert_element_type3A_589, %add3A_610 : vector<16xi32>
        %select_n3A_612 = arith.select %ge3A_605, %sub3A_608, %add3A_611 : vector<16xi1>, vector<16xi32>
        %mul3A_613 = arith.constant 6 : i32
        %mul3A_614 = vector.broadcast %mul3A_613 : i32 to vector<16xi32>
        %mul3A_615 = arith.muli %sub3A_602, %mul3A_614 : vector<16xi32>
        %add3A_616 = arith.addi %mul3A_615, %select_n3A_612 : vector<16xi32>
        %swap3A_617 = arith.constant 0 : index
        %swap3A_618 = tpu.vector_load %arg9[%swap3A_617] {strides = array<i32>} : memref<80xi32, #tpu.memory_space<vmem>>, vector<16xi32>,
        tpu.vector_store %arg9[%swap3A_617], %add3A_616 {strides = array<i32>} : memref<80xi32, #tpu.memory_space<vmem>>, vector<16xi32>,
        %mul3A_619 = arith.constant 8 : i32
        %mul3A_620 = vector.broadcast %mul3A_619 : i32 to vector<16xi32>
        %mul3A_621 = arith.muli %convert_element_type3A_599, %mul3A_620 : vector<16xi32>
        %sub3A_622 = arith.constant 9 : i32
        %sub3A_623 = vector.broadcast %sub3A_622 : i32 to vector<16xi32>
        %sub3A_624 = arith.subi %convert_element_type3A_594, %sub3A_623 : vector<16xi32>
        %add3A_625 = arith.addi %mul3A_621, %sub3A_624 : vector<16xi32>
        %add3A_626 = arith.constant 12 : i32
        %add3A_627 = vector.broadcast %add3A_626 : i32 to vector<16xi32>
        %add3A_628 = arith.addi %add3A_625, %add3A_627 : vector<16xi32>
        %swap3A_629 = arith.constant 0 : index
        %swap3A_630 = tpu.vector_load %arg11[%swap3A_629] {strides = array<i32>} : memref<80xi32, #tpu.memory_space<vmem>>, vector<16xi32>,
        tpu.vector_store %arg11[%swap3A_629], %add3A_628 {strides = array<i32>} : memref<80xi32, #tpu.memory_space<vmem>>, vector<16xi32>,
        %add3A_631 = arith.constant 16 : i32
        %add3A_632 = vector.broadcast %add3A_631 : i32 to vector<16xi32>
        %add3A_633 = arith.addi %add3A_632, %iota3A : vector<16xi32>
        %mul3A_634 = arith.constant 9 : i32
        %mul3A_635 = vector.broadcast %mul3A_634 : i32 to vector<16xi32>
        %mul3A_636 = arith.muli %add3A_633, %mul3A_635 : vector<16xi32>
        %add3A_637 = arith.constant 0 : i32
        %add3A_638 = vector.broadcast %add3A_637 : i32 to vector<16xi32>
        %add3A_639 = arith.addi %mul3A_636, %add3A_638 : vector<16xi32>
        %gather3A_640 = tpu.vector_load_idx %arg7[%add3A_639] : memref<720xf32, #tpu.memory_space<vmem>>[vector<16xi32>], vector<16xf32>,
        %broadcast_in_dim3A_641 = arith.constant 0 : i32
        %broadcast_in_dim3A_642 = vector.broadcast %broadcast_in_dim3A_641 : i32 to vector<16xi32>
        tpu.vector_store_idx %arg17[%add3A_633, %broadcast_in_dim3A_642], %gather3A_640 : memref<80x261xf32, #tpu.memory_space<vmem>>[vector<16xi32>, vector<16xi32>], vector<16xf32>,
        %add3A_643 = arith.constant 1 : i32
        %add3A_644 = vector.broadcast %add3A_643 : i32 to vector<16xi32>
        %add3A_645 = arith.addi %mul3A_636, %add3A_644 : vector<16xi32>
        %gather3A_646 = tpu.vector_load_idx %arg7[%add3A_645] : memref<720xf32, #tpu.memory_space<vmem>>[vector<16xi32>], vector<16xf32>,
        %broadcast_in_dim3A_647 = arith.constant 1 : i32
        %broadcast_in_dim3A_648 = vector.broadcast %broadcast_in_dim3A_647 : i32 to vector<16xi32>
        tpu.vector_store_idx %arg17[%add3A_633, %broadcast_in_dim3A_648], %gather3A_646 : memref<80x261xf32, #tpu.memory_space<vmem>>[vector<16xi32>, vector<16xi32>], vector<16xf32>,
        %add3A_649 = arith.constant 2 : i32
        %add3A_650 = vector.broadcast %add3A_649 : i32 to vector<16xi32>
        %add3A_651 = arith.addi %mul3A_636, %add3A_650 : vector<16xi32>
        %gather3A_652 = tpu.vector_load_idx %arg7[%add3A_651] : memref<720xf32, #tpu.memory_space<vmem>>[vector<16xi32>], vector<16xf32>,
        %broadcast_in_dim3A_653 = arith.constant 2 : i32
        %broadcast_in_dim3A_654 = vector.broadcast %broadcast_in_dim3A_653 : i32 to vector<16xi32>
        tpu.vector_store_idx %arg17[%add3A_633, %broadcast_in_dim3A_654], %gather3A_652 : memref<80x261xf32, #tpu.memory_space<vmem>>[vector<16xi32>, vector<16xi32>], vector<16xf32>,
        %add3A_655 = arith.constant 3 : i32
        %add3A_656 = vector.broadcast %add3A_655 : i32 to vector<16xi32>
        %add3A_657 = arith.addi %mul3A_636, %add3A_656 : vector<16xi32>
        %gather3A_658 = tpu.vector_load_idx %arg7[%add3A_657] : memref<720xf32, #tpu.memory_space<vmem>>[vector<16xi32>], vector<16xf32>,
        %broadcast_in_dim3A_659 = arith.constant 3 : i32
        %broadcast_in_dim3A_660 = vector.broadcast %broadcast_in_dim3A_659 : i32 to vector<16xi32>
        tpu.vector_store_idx %arg17[%add3A_633, %broadcast_in_dim3A_660], %gather3A_658 : memref<80x261xf32, #tpu.memory_space<vmem>>[vector<16xi32>, vector<16xi32>], vector<16xf32>,
        %add3A_661 = arith.constant 4 : i32
        %add3A_662 = vector.broadcast %add3A_661 : i32 to vector<16xi32>
        %add3A_663 = arith.addi %mul3A_636, %add3A_662 : vector<16xi32>
        %gather3A_664 = tpu.vector_load_idx %arg7[%add3A_663] : memref<720xf32, #tpu.memory_space<vmem>>[vector<16xi32>], vector<16xf32>,
        %broadcast_in_dim3A_665 = arith.constant 4 : i32
        %broadcast_in_dim3A_666 = vector.broadcast %broadcast_in_dim3A_665 : i32 to vector<16xi32>
        tpu.vector_store_idx %arg17[%add3A_633, %broadcast_in_dim3A_666], %gather3A_664 : memref<80x261xf32, #tpu.memory_space<vmem>>[vector<16xi32>, vector<16xi32>], vector<16xf32>,
        %add3A_667 = arith.constant 5 : i32
        %add3A_668 = vector.broadcast %add3A_667 : i32 to vector<16xi32>
        %add3A_669 = arith.addi %mul3A_636, %add3A_668 : vector<16xi32>
        %gather3A_670 = tpu.vector_load_idx %arg7[%add3A_669] : memref<720xf32, #tpu.memory_space<vmem>>[vector<16xi32>], vector<16xf32>,
        %convert_element_type3A_671 = arith.fptosi %gather3A_670 : vector<16xf32> to vector<16xi32>
        %add3A_672 = arith.constant 6 : i32
        %add3A_673 = vector.broadcast %add3A_672 : i32 to vector<16xi32>
        %add3A_674 = arith.addi %mul3A_636, %add3A_673 : vector<16xi32>
        %gather3A_675 = tpu.vector_load_idx %arg7[%add3A_674] : memref<720xf32, #tpu.memory_space<vmem>>[vector<16xi32>], vector<16xf32>,
        %convert_element_type3A_676 = arith.fptosi %gather3A_675 : vector<16xf32> to vector<16xi32>
        %add3A_677 = arith.constant 7 : i32
        %add3A_678 = vector.broadcast %add3A_677 : i32 to vector<16xi32>
        %add3A_679 = arith.addi %mul3A_636, %add3A_678 : vector<16xi32>
        %gather3A_680 = tpu.vector_load_idx %arg7[%add3A_679] : memref<720xf32, #tpu.memory_space<vmem>>[vector<16xi32>], vector<16xf32>,
        %convert_element_type3A_681 = arith.fptosi %gather3A_680 : vector<16xf32> to vector<16xi32>
        %add3A_682 = arith.constant 8 : i32
        %add3A_683 = vector.broadcast %add3A_682 : i32 to vector<16xi32>
        %add3A_684 = arith.addi %mul3A_636, %add3A_683 : vector<16xi32>
        %gather3A_685 = tpu.vector_load_idx %arg7[%add3A_684] : memref<720xf32, #tpu.memory_space<vmem>>[vector<16xi32>], vector<16xf32>,
        %convert_element_type3A_686 = arith.fptosi %gather3A_685 : vector<16xf32> to vector<16xi32>
        %sub3A_687 = arith.constant 2017 : i32
        %sub3A_688 = vector.broadcast %sub3A_687 : i32 to vector<16xi32>
        %sub3A_689 = arith.subi %convert_element_type3A_671, %sub3A_688 : vector<16xi32>
        %ge3A_690 = arith.constant 9 : i32
        %ge3A_691 = vector.broadcast %ge3A_690 : i32 to vector<16xi32>
        %ge3A_692 = arith.cmpi sge, %convert_element_type3A_676, %ge3A_691 : vector<16xi32>
        %sub3A_693 = arith.constant 9 : i32
        %sub3A_694 = vector.broadcast %sub3A_693 : i32 to vector<16xi32>
        %sub3A_695 = arith.subi %convert_element_type3A_676, %sub3A_694 : vector<16xi32>
        %add3A_696 = arith.constant 3 : i32
        %add3A_697 = vector.broadcast %add3A_696 : i32 to vector<16xi32>
        %add3A_698 = arith.addi %convert_element_type3A_676, %add3A_697 : vector<16xi32>
        %select_n3A_699 = arith.select %ge3A_692, %sub3A_695, %add3A_698 : vector<16xi1>, vector<16xi32>
        %mul3A_700 = arith.constant 6 : i32
        %mul3A_701 = vector.broadcast %mul3A_700 : i32 to vector<16xi32>
        %mul3A_702 = arith.muli %sub3A_689, %mul3A_701 : vector<16xi32>
        %add3A_703 = arith.addi %mul3A_702, %select_n3A_699 : vector<16xi32>
        %swap3A_704 = arith.constant 16 : index
        %swap3A_705 = tpu.vector_load %arg9[%swap3A_704] {strides = array<i32>} : memref<80xi32, #tpu.memory_space<vmem>>, vector<16xi32>,
        tpu.vector_store %arg9[%swap3A_704], %add3A_703 {strides = array<i32>} : memref<80xi32, #tpu.memory_space<vmem>>, vector<16xi32>,
        %mul3A_706 = arith.constant 8 : i32
        %mul3A_707 = vector.broadcast %mul3A_706 : i32 to vector<16xi32>
        %mul3A_708 = arith.muli %convert_element_type3A_686, %mul3A_707 : vector<16xi32>
        %sub3A_709 = arith.constant 9 : i32
        %sub3A_710 = vector.broadcast %sub3A_709 : i32 to vector<16xi32>
        %sub3A_711 = arith.subi %convert_element_type3A_681, %sub3A_710 : vector<16xi32>
        %add3A_712 = arith.addi %mul3A_708, %sub3A_711 : vector<16xi32>
        %add3A_713 = arith.constant 12 : i32
        %add3A_714 = vector.broadcast %add3A_713 : i32 to vector<16xi32>
        %add3A_715 = arith.addi %add3A_712, %add3A_714 : vector<16xi32>
        %swap3A_716 = arith.constant 16 : index
        %swap3A_717 = tpu.vector_load %arg11[%swap3A_716] {strides = array<i32>} : memref<80xi32, #tpu.memory_space<vmem>>, vector<16xi32>,
        tpu.vector_store %arg11[%swap3A_716], %add3A_715 {strides = array<i32>} : memref<80xi32, #tpu.memory_space<vmem>>, vector<16xi32>,
        %add3A_718 = arith.constant 32 : i32
        %add3A_719 = vector.broadcast %add3A_718 : i32 to vector<16xi32>
        %add3A_720 = arith.addi %add3A_719, %iota3A : vector<16xi32>
        %mul3A_721 = arith.constant 9 : i32
        %mul3A_722 = vector.broadcast %mul3A_721 : i32 to vector<16xi32>
        %mul3A_723 = arith.muli %add3A_720, %mul3A_722 : vector<16xi32>
        %add3A_724 = arith.constant 0 : i32
        %add3A_725 = vector.broadcast %add3A_724 : i32 to vector<16xi32>
        %add3A_726 = arith.addi %mul3A_723, %add3A_725 : vector<16xi32>
        %gather3A_727 = tpu.vector_load_idx %arg7[%add3A_726] : memref<720xf32, #tpu.memory_space<vmem>>[vector<16xi32>], vector<16xf32>,
        %broadcast_in_dim3A_728 = arith.constant 0 : i32
        %broadcast_in_dim3A_729 = vector.broadcast %broadcast_in_dim3A_728 : i32 to vector<16xi32>
        tpu.vector_store_idx %arg17[%add3A_720, %broadcast_in_dim3A_729], %gather3A_727 : memref<80x261xf32, #tpu.memory_space<vmem>>[vector<16xi32>, vector<16xi32>], vector<16xf32>,
        %add3A_730 = arith.constant 1 : i32
        %add3A_731 = vector.broadcast %add3A_730 : i32 to vector<16xi32>
        %add3A_732 = arith.addi %mul3A_723, %add3A_731 : vector<16xi32>
        %gather3A_733 = tpu.vector_load_idx %arg7[%add3A_732] : memref<720xf32, #tpu.memory_space<vmem>>[vector<16xi32>], vector<16xf32>,
        %broadcast_in_dim3A_734 = arith.constant 1 : i32
        %broadcast_in_dim3A_735 = vector.broadcast %broadcast_in_dim3A_734 : i32 to vector<16xi32>
        tpu.vector_store_idx %arg17[%add3A_720, %broadcast_in_dim3A_735], %gather3A_733 : memref<80x261xf32, #tpu.memory_space<vmem>>[vector<16xi32>, vector<16xi32>], vector<16xf32>,
        %add3A_736 = arith.constant 2 : i32
        %add3A_737 = vector.broadcast %add3A_736 : i32 to vector<16xi32>
        %add3A_738 = arith.addi %mul3A_723, %add3A_737 : vector<16xi32>
        %gather3A_739 = tpu.vector_load_idx %arg7[%add3A_738] : memref<720xf32, #tpu.memory_space<vmem>>[vector<16xi32>], vector<16xf32>,
        %broadcast_in_dim3A_740 = arith.constant 2 : i32
        %broadcast_in_dim3A_741 = vector.broadcast %broadcast_in_dim3A_740 : i32 to vector<16xi32>
        tpu.vector_store_idx %arg17[%add3A_720, %broadcast_in_dim3A_741], %gather3A_739 : memref<80x261xf32, #tpu.memory_space<vmem>>[vector<16xi32>, vector<16xi32>], vector<16xf32>,
        %add3A_742 = arith.constant 3 : i32
        %add3A_743 = vector.broadcast %add3A_742 : i32 to vector<16xi32>
        %add3A_744 = arith.addi %mul3A_723, %add3A_743 : vector<16xi32>
        %gather3A_745 = tpu.vector_load_idx %arg7[%add3A_744] : memref<720xf32, #tpu.memory_space<vmem>>[vector<16xi32>], vector<16xf32>,
        %broadcast_in_dim3A_746 = arith.constant 3 : i32
        %broadcast_in_dim3A_747 = vector.broadcast %broadcast_in_dim3A_746 : i32 to vector<16xi32>
        tpu.vector_store_idx %arg17[%add3A_720, %broadcast_in_dim3A_747], %gather3A_745 : memref<80x261xf32, #tpu.memory_space<vmem>>[vector<16xi32>, vector<16xi32>], vector<16xf32>,
        %add3A_748 = arith.constant 4 : i32
        %add3A_749 = vector.broadcast %add3A_748 : i32 to vector<16xi32>
        %add3A_750 = arith.addi %mul3A_723, %add3A_749 : vector<16xi32>
        %gather3A_751 = tpu.vector_load_idx %arg7[%add3A_750] : memref<720xf32, #tpu.memory_space<vmem>>[vector<16xi32>], vector<16xf32>,
        %broadcast_in_dim3A_752 = arith.constant 4 : i32
        %broadcast_in_dim3A_753 = vector.broadcast %broadcast_in_dim3A_752 : i32 to vector<16xi32>
        tpu.vector_store_idx %arg17[%add3A_720, %broadcast_in_dim3A_753], %gather3A_751 : memref<80x261xf32, #tpu.memory_space<vmem>>[vector<16xi32>, vector<16xi32>], vector<16xf32>,
        %add3A_754 = arith.constant 5 : i32
        %add3A_755 = vector.broadcast %add3A_754 : i32 to vector<16xi32>
        %add3A_756 = arith.addi %mul3A_723, %add3A_755 : vector<16xi32>
        %gather3A_757 = tpu.vector_load_idx %arg7[%add3A_756] : memref<720xf32, #tpu.memory_space<vmem>>[vector<16xi32>], vector<16xf32>,
        %convert_element_type3A_758 = arith.fptosi %gather3A_757 : vector<16xf32> to vector<16xi32>
        %add3A_759 = arith.constant 6 : i32
        %add3A_760 = vector.broadcast %add3A_759 : i32 to vector<16xi32>
        %add3A_761 = arith.addi %mul3A_723, %add3A_760 : vector<16xi32>
        %gather3A_762 = tpu.vector_load_idx %arg7[%add3A_761] : memref<720xf32, #tpu.memory_space<vmem>>[vector<16xi32>], vector<16xf32>,
        %convert_element_type3A_763 = arith.fptosi %gather3A_762 : vector<16xf32> to vector<16xi32>
        %add3A_764 = arith.constant 7 : i32
        %add3A_765 = vector.broadcast %add3A_764 : i32 to vector<16xi32>
        %add3A_766 = arith.addi %mul3A_723, %add3A_765 : vector<16xi32>
        %gather3A_767 = tpu.vector_load_idx %arg7[%add3A_766] : memref<720xf32, #tpu.memory_space<vmem>>[vector<16xi32>], vector<16xf32>,
        %convert_element_type3A_768 = arith.fptosi %gather3A_767 : vector<16xf32> to vector<16xi32>
        %add3A_769 = arith.constant 8 : i32
        %add3A_770 = vector.broadcast %add3A_769 : i32 to vector<16xi32>
        %add3A_771 = arith.addi %mul3A_723, %add3A_770 : vector<16xi32>
        %gather3A_772 = tpu.vector_load_idx %arg7[%add3A_771] : memref<720xf32, #tpu.memory_space<vmem>>[vector<16xi32>], vector<16xf32>,
        %convert_element_type3A_773 = arith.fptosi %gather3A_772 : vector<16xf32> to vector<16xi32>
        %sub3A_774 = arith.constant 2017 : i32
        %sub3A_775 = vector.broadcast %sub3A_774 : i32 to vector<16xi32>
        %sub3A_776 = arith.subi %convert_element_type3A_758, %sub3A_775 : vector<16xi32>
        %ge3A_777 = arith.constant 9 : i32
        %ge3A_778 = vector.broadcast %ge3A_777 : i32 to vector<16xi32>
        %ge3A_779 = arith.cmpi sge, %convert_element_type3A_763, %ge3A_778 : vector<16xi32>
        %sub3A_780 = arith.constant 9 : i32
        %sub3A_781 = vector.broadcast %sub3A_780 : i32 to vector<16xi32>
        %sub3A_782 = arith.subi %convert_element_type3A_763, %sub3A_781 : vector<16xi32>
        %add3A_783 = arith.constant 3 : i32
        %add3A_784 = vector.broadcast %add3A_783 : i32 to vector<16xi32>
        %add3A_785 = arith.addi %convert_element_type3A_763, %add3A_784 : vector<16xi32>
        %select_n3A_786 = arith.select %ge3A_779, %sub3A_782, %add3A_785 : vector<16xi1>, vector<16xi32>
        %mul3A_787 = arith.constant 6 : i32
        %mul3A_788 = vector.broadcast %mul3A_787 : i32 to vector<16xi32>
        %mul3A_789 = arith.muli %sub3A_776, %mul3A_788 : vector<16xi32>
        %add3A_790 = arith.addi %mul3A_789, %select_n3A_786 : vector<16xi32>
        %swap3A_791 = arith.constant 32 : index
        %swap3A_792 = tpu.vector_load %arg9[%swap3A_791] {strides = array<i32>} : memref<80xi32, #tpu.memory_space<vmem>>, vector<16xi32>,
        tpu.vector_store %arg9[%swap3A_791], %add3A_790 {strides = array<i32>} : memref<80xi32, #tpu.memory_space<vmem>>, vector<16xi32>,
        %mul3A_793 = arith.constant 8 : i32
        %mul3A_794 = vector.broadcast %mul3A_793 : i32 to vector<16xi32>
        %mul3A_795 = arith.muli %convert_element_type3A_773, %mul3A_794 : vector<16xi32>
        %sub3A_796 = arith.constant 9 : i32
        %sub3A_797 = vector.broadcast %sub3A_796 : i32 to vector<16xi32>
        %sub3A_798 = arith.subi %convert_element_type3A_768, %sub3A_797 : vector<16xi32>
        %add3A_799 = arith.addi %mul3A_795, %sub3A_798 : vector<16xi32>
        %add3A_800 = arith.constant 12 : i32
        %add3A_801 = vector.broadcast %add3A_800 : i32 to vector<16xi32>
        %add3A_802 = arith.addi %add3A_799, %add3A_801 : vector<16xi32>
        %swap3A_803 = arith.constant 32 : index
        %swap3A_804 = tpu.vector_load %arg11[%swap3A_803] {strides = array<i32>} : memref<80xi32, #tpu.memory_space<vmem>>, vector<16xi32>,
        tpu.vector_store %arg11[%swap3A_803], %add3A_802 {strides = array<i32>} : memref<80xi32, #tpu.memory_space<vmem>>, vector<16xi32>,
        %add3A_805 = arith.constant 48 : i32
        %add3A_806 = vector.broadcast %add3A_805 : i32 to vector<16xi32>
        %add3A_807 = arith.addi %add3A_806, %iota3A : vector<16xi32>
        %mul3A_808 = arith.constant 9 : i32
        %mul3A_809 = vector.broadcast %mul3A_808 : i32 to vector<16xi32>
        %mul3A_810 = arith.muli %add3A_807, %mul3A_809 : vector<16xi32>
        %add3A_811 = arith.constant 0 : i32
        %add3A_812 = vector.broadcast %add3A_811 : i32 to vector<16xi32>
        %add3A_813 = arith.addi %mul3A_810, %add3A_812 : vector<16xi32>
        %gather3A_814 = tpu.vector_load_idx %arg7[%add3A_813] : memref<720xf32, #tpu.memory_space<vmem>>[vector<16xi32>], vector<16xf32>,
        %broadcast_in_dim3A_815 = arith.constant 0 : i32
        %broadcast_in_dim3A_816 = vector.broadcast %broadcast_in_dim3A_815 : i32 to vector<16xi32>
        tpu.vector_store_idx %arg17[%add3A_807, %broadcast_in_dim3A_816], %gather3A_814 : memref<80x261xf32, #tpu.memory_space<vmem>>[vector<16xi32>, vector<16xi32>], vector<16xf32>,
        %add3A_817 = arith.constant 1 : i32
        %add3A_818 = vector.broadcast %add3A_817 : i32 to vector<16xi32>
        %add3A_819 = arith.addi %mul3A_810, %add3A_818 : vector<16xi32>
        %gather3A_820 = tpu.vector_load_idx %arg7[%add3A_819] : memref<720xf32, #tpu.memory_space<vmem>>[vector<16xi32>], vector<16xf32>,
        %broadcast_in_dim3A_821 = arith.constant 1 : i32
        %broadcast_in_dim3A_822 = vector.broadcast %broadcast_in_dim3A_821 : i32 to vector<16xi32>
        tpu.vector_store_idx %arg17[%add3A_807, %broadcast_in_dim3A_822], %gather3A_820 : memref<80x261xf32, #tpu.memory_space<vmem>>[vector<16xi32>, vector<16xi32>], vector<16xf32>,
        %add3A_823 = arith.constant 2 : i32
        %add3A_824 = vector.broadcast %add3A_823 : i32 to vector<16xi32>
        %add3A_825 = arith.addi %mul3A_810, %add3A_824 : vector<16xi32>
        %gather3A_826 = tpu.vector_load_idx %arg7[%add3A_825] : memref<720xf32, #tpu.memory_space<vmem>>[vector<16xi32>], vector<16xf32>,
        %broadcast_in_dim3A_827 = arith.constant 2 : i32
        %broadcast_in_dim3A_828 = vector.broadcast %broadcast_in_dim3A_827 : i32 to vector<16xi32>
        tpu.vector_store_idx %arg17[%add3A_807, %broadcast_in_dim3A_828], %gather3A_826 : memref<80x261xf32, #tpu.memory_space<vmem>>[vector<16xi32>, vector<16xi32>], vector<16xf32>,
        %add3A_829 = arith.constant 3 : i32
        %add3A_830 = vector.broadcast %add3A_829 : i32 to vector<16xi32>
        %add3A_831 = arith.addi %mul3A_810, %add3A_830 : vector<16xi32>
        %gather3A_832 = tpu.vector_load_idx %arg7[%add3A_831] : memref<720xf32, #tpu.memory_space<vmem>>[vector<16xi32>], vector<16xf32>,
        %broadcast_in_dim3A_833 = arith.constant 3 : i32
        %broadcast_in_dim3A_834 = vector.broadcast %broadcast_in_dim3A_833 : i32 to vector<16xi32>
        tpu.vector_store_idx %arg17[%add3A_807, %broadcast_in_dim3A_834], %gather3A_832 : memref<80x261xf32, #tpu.memory_space<vmem>>[vector<16xi32>, vector<16xi32>], vector<16xf32>,
        %add3A_835 = arith.constant 4 : i32
        %add3A_836 = vector.broadcast %add3A_835 : i32 to vector<16xi32>
        %add3A_837 = arith.addi %mul3A_810, %add3A_836 : vector<16xi32>
        %gather3A_838 = tpu.vector_load_idx %arg7[%add3A_837] : memref<720xf32, #tpu.memory_space<vmem>>[vector<16xi32>], vector<16xf32>,
        %broadcast_in_dim3A_839 = arith.constant 4 : i32
        %broadcast_in_dim3A_840 = vector.broadcast %broadcast_in_dim3A_839 : i32 to vector<16xi32>
        tpu.vector_store_idx %arg17[%add3A_807, %broadcast_in_dim3A_840], %gather3A_838 : memref<80x261xf32, #tpu.memory_space<vmem>>[vector<16xi32>, vector<16xi32>], vector<16xf32>,
        %add3A_841 = arith.constant 5 : i32
        %add3A_842 = vector.broadcast %add3A_841 : i32 to vector<16xi32>
        %add3A_843 = arith.addi %mul3A_810, %add3A_842 : vector<16xi32>
        %gather3A_844 = tpu.vector_load_idx %arg7[%add3A_843] : memref<720xf32, #tpu.memory_space<vmem>>[vector<16xi32>], vector<16xf32>,
        %convert_element_type3A_845 = arith.fptosi %gather3A_844 : vector<16xf32> to vector<16xi32>
        %add3A_846 = arith.constant 6 : i32
        %add3A_847 = vector.broadcast %add3A_846 : i32 to vector<16xi32>
        %add3A_848 = arith.addi %mul3A_810, %add3A_847 : vector<16xi32>
        %gather3A_849 = tpu.vector_load_idx %arg7[%add3A_848] : memref<720xf32, #tpu.memory_space<vmem>>[vector<16xi32>], vector<16xf32>,
        %convert_element_type3A_850 = arith.fptosi %gather3A_849 : vector<16xf32> to vector<16xi32>
        %add3A_851 = arith.constant 7 : i32
        %add3A_852 = vector.broadcast %add3A_851 : i32 to vector<16xi32>
        %add3A_853 = arith.addi %mul3A_810, %add3A_852 : vector<16xi32>
        %gather3A_854 = tpu.vector_load_idx %arg7[%add3A_853] : memref<720xf32, #tpu.memory_space<vmem>>[vector<16xi32>], vector<16xf32>,
        %convert_element_type3A_855 = arith.fptosi %gather3A_854 : vector<16xf32> to vector<16xi32>
        %add3A_856 = arith.constant 8 : i32
        %add3A_857 = vector.broadcast %add3A_856 : i32 to vector<16xi32>
        %add3A_858 = arith.addi %mul3A_810, %add3A_857 : vector<16xi32>
        %gather3A_859 = tpu.vector_load_idx %arg7[%add3A_858] : memref<720xf32, #tpu.memory_space<vmem>>[vector<16xi32>], vector<16xf32>,
        %convert_element_type3A_860 = arith.fptosi %gather3A_859 : vector<16xf32> to vector<16xi32>
        %sub3A_861 = arith.constant 2017 : i32
        %sub3A_862 = vector.broadcast %sub3A_861 : i32 to vector<16xi32>
        %sub3A_863 = arith.subi %convert_element_type3A_845, %sub3A_862 : vector<16xi32>
        %ge3A_864 = arith.constant 9 : i32
        %ge3A_865 = vector.broadcast %ge3A_864 : i32 to vector<16xi32>
        %ge3A_866 = arith.cmpi sge, %convert_element_type3A_850, %ge3A_865 : vector<16xi32>
        %sub3A_867 = arith.constant 9 : i32
        %sub3A_868 = vector.broadcast %sub3A_867 : i32 to vector<16xi32>
        %sub3A_869 = arith.subi %convert_element_type3A_850, %sub3A_868 : vector<16xi32>
        %add3A_870 = arith.constant 3 : i32
        %add3A_871 = vector.broadcast %add3A_870 : i32 to vector<16xi32>
        %add3A_872 = arith.addi %convert_element_type3A_850, %add3A_871 : vector<16xi32>
        %select_n3A_873 = arith.select %ge3A_866, %sub3A_869, %add3A_872 : vector<16xi1>, vector<16xi32>
        %mul3A_874 = arith.constant 6 : i32
        %mul3A_875 = vector.broadcast %mul3A_874 : i32 to vector<16xi32>
        %mul3A_876 = arith.muli %sub3A_863, %mul3A_875 : vector<16xi32>
        %add3A_877 = arith.addi %mul3A_876, %select_n3A_873 : vector<16xi32>
        %swap3A_878 = arith.constant 48 : index
        %swap3A_879 = tpu.vector_load %arg9[%swap3A_878] {strides = array<i32>} : memref<80xi32, #tpu.memory_space<vmem>>, vector<16xi32>,
        tpu.vector_store %arg9[%swap3A_878], %add3A_877 {strides = array<i32>} : memref<80xi32, #tpu.memory_space<vmem>>, vector<16xi32>,
        %mul3A_880 = arith.constant 8 : i32
        %mul3A_881 = vector.broadcast %mul3A_880 : i32 to vector<16xi32>
        %mul3A_882 = arith.muli %convert_element_type3A_860, %mul3A_881 : vector<16xi32>
        %sub3A_883 = arith.constant 9 : i32
        %sub3A_884 = vector.broadcast %sub3A_883 : i32 to vector<16xi32>
        %sub3A_885 = arith.subi %convert_element_type3A_855, %sub3A_884 : vector<16xi32>
        %add3A_886 = arith.addi %mul3A_882, %sub3A_885 : vector<16xi32>
        %add3A_887 = arith.constant 12 : i32
        %add3A_888 = vector.broadcast %add3A_887 : i32 to vector<16xi32>
        %add3A_889 = arith.addi %add3A_886, %add3A_888 : vector<16xi32>
        %swap3A_890 = arith.constant 48 : index
        %swap3A_891 = tpu.vector_load %arg11[%swap3A_890] {strides = array<i32>} : memref<80xi32, #tpu.memory_space<vmem>>, vector<16xi32>,
        tpu.vector_store %arg11[%swap3A_890], %add3A_889 {strides = array<i32>} : memref<80xi32, #tpu.memory_space<vmem>>, vector<16xi32>,
        %add3A_892 = arith.constant 64 : i32
        %add3A_893 = vector.broadcast %add3A_892 : i32 to vector<16xi32>
        %add3A_894 = arith.addi %add3A_893, %iota3A : vector<16xi32>
        %mul3A_895 = arith.constant 9 : i32
        %mul3A_896 = vector.broadcast %mul3A_895 : i32 to vector<16xi32>
        %mul3A_897 = arith.muli %add3A_894, %mul3A_896 : vector<16xi32>
        %add3A_898 = arith.constant 0 : i32
        %add3A_899 = vector.broadcast %add3A_898 : i32 to vector<16xi32>
        %add3A_900 = arith.addi %mul3A_897, %add3A_899 : vector<16xi32>
        %gather3A_901 = tpu.vector_load_idx %arg7[%add3A_900] : memref<720xf32, #tpu.memory_space<vmem>>[vector<16xi32>], vector<16xf32>,
        %broadcast_in_dim3A_902 = arith.constant 0 : i32
        %broadcast_in_dim3A_903 = vector.broadcast %broadcast_in_dim3A_902 : i32 to vector<16xi32>
        tpu.vector_store_idx %arg17[%add3A_894, %broadcast_in_dim3A_903], %gather3A_901 : memref<80x261xf32, #tpu.memory_space<vmem>>[vector<16xi32>, vector<16xi32>], vector<16xf32>,
        %add3A_904 = arith.constant 1 : i32
        %add3A_905 = vector.broadcast %add3A_904 : i32 to vector<16xi32>
        %add3A_906 = arith.addi %mul3A_897, %add3A_905 : vector<16xi32>
        %gather3A_907 = tpu.vector_load_idx %arg7[%add3A_906] : memref<720xf32, #tpu.memory_space<vmem>>[vector<16xi32>], vector<16xf32>,
        %broadcast_in_dim3A_908 = arith.constant 1 : i32
        %broadcast_in_dim3A_909 = vector.broadcast %broadcast_in_dim3A_908 : i32 to vector<16xi32>
        tpu.vector_store_idx %arg17[%add3A_894, %broadcast_in_dim3A_909], %gather3A_907 : memref<80x261xf32, #tpu.memory_space<vmem>>[vector<16xi32>, vector<16xi32>], vector<16xf32>,
        %add3A_910 = arith.constant 2 : i32
        %add3A_911 = vector.broadcast %add3A_910 : i32 to vector<16xi32>
        %add3A_912 = arith.addi %mul3A_897, %add3A_911 : vector<16xi32>
        %gather3A_913 = tpu.vector_load_idx %arg7[%add3A_912] : memref<720xf32, #tpu.memory_space<vmem>>[vector<16xi32>], vector<16xf32>,
        %broadcast_in_dim3A_914 = arith.constant 2 : i32
        %broadcast_in_dim3A_915 = vector.broadcast %broadcast_in_dim3A_914 : i32 to vector<16xi32>
        tpu.vector_store_idx %arg17[%add3A_894, %broadcast_in_dim3A_915], %gather3A_913 : memref<80x261xf32, #tpu.memory_space<vmem>>[vector<16xi32>, vector<16xi32>], vector<16xf32>,
        %add3A_916 = arith.constant 3 : i32
        %add3A_917 = vector.broadcast %add3A_916 : i32 to vector<16xi32>
        %add3A_918 = arith.addi %mul3A_897, %add3A_917 : vector<16xi32>
        %gather3A_919 = tpu.vector_load_idx %arg7[%add3A_918] : memref<720xf32, #tpu.memory_space<vmem>>[vector<16xi32>], vector<16xf32>,
        %broadcast_in_dim3A_920 = arith.constant 3 : i32
        %broadcast_in_dim3A_921 = vector.broadcast %broadcast_in_dim3A_920 : i32 to vector<16xi32>
        tpu.vector_store_idx %arg17[%add3A_894, %broadcast_in_dim3A_921], %gather3A_919 : memref<80x261xf32, #tpu.memory_space<vmem>>[vector<16xi32>, vector<16xi32>], vector<16xf32>,
        %add3A_922 = arith.constant 4 : i32
        %add3A_923 = vector.broadcast %add3A_922 : i32 to vector<16xi32>
        %add3A_924 = arith.addi %mul3A_897, %add3A_923 : vector<16xi32>
        %gather3A_925 = tpu.vector_load_idx %arg7[%add3A_924] : memref<720xf32, #tpu.memory_space<vmem>>[vector<16xi32>], vector<16xf32>,
        %broadcast_in_dim3A_926 = arith.constant 4 : i32
        %broadcast_in_dim3A_927 = vector.broadcast %broadcast_in_dim3A_926 : i32 to vector<16xi32>
        tpu.vector_store_idx %arg17[%add3A_894, %broadcast_in_dim3A_927], %gather3A_925 : memref<80x261xf32, #tpu.memory_space<vmem>>[vector<16xi32>, vector<16xi32>], vector<16xf32>,
        %add3A_928 = arith.constant 5 : i32
        %add3A_929 = vector.broadcast %add3A_928 : i32 to vector<16xi32>
        %add3A_930 = arith.addi %mul3A_897, %add3A_929 : vector<16xi32>
        %gather3A_931 = tpu.vector_load_idx %arg7[%add3A_930] : memref<720xf32, #tpu.memory_space<vmem>>[vector<16xi32>], vector<16xf32>,
        %convert_element_type3A_932 = arith.fptosi %gather3A_931 : vector<16xf32> to vector<16xi32>
        %add3A_933 = arith.constant 6 : i32
        %add3A_934 = vector.broadcast %add3A_933 : i32 to vector<16xi32>
        %add3A_935 = arith.addi %mul3A_897, %add3A_934 : vector<16xi32>
        %gather3A_936 = tpu.vector_load_idx %arg7[%add3A_935] : memref<720xf32, #tpu.memory_space<vmem>>[vector<16xi32>], vector<16xf32>,
        %convert_element_type3A_937 = arith.fptosi %gather3A_936 : vector<16xf32> to vector<16xi32>
        %add3A_938 = arith.constant 7 : i32
        %add3A_939 = vector.broadcast %add3A_938 : i32 to vector<16xi32>
        %add3A_940 = arith.addi %mul3A_897, %add3A_939 : vector<16xi32>
        %gather3A_941 = tpu.vector_load_idx %arg7[%add3A_940] : memref<720xf32, #tpu.memory_space<vmem>>[vector<16xi32>], vector<16xf32>,
        %convert_element_type3A_942 = arith.fptosi %gather3A_941 : vector<16xf32> to vector<16xi32>
        %add3A_943 = arith.constant 8 : i32
        %add3A_944 = vector.broadcast %add3A_943 : i32 to vector<16xi32>
        %add3A_945 = arith.addi %mul3A_897, %add3A_944 : vector<16xi32>
        %gather3A_946 = tpu.vector_load_idx %arg7[%add3A_945] : memref<720xf32, #tpu.memory_space<vmem>>[vector<16xi32>], vector<16xf32>,
        %convert_element_type3A_947 = arith.fptosi %gather3A_946 : vector<16xf32> to vector<16xi32>
        %sub3A_948 = arith.constant 2017 : i32
        %sub3A_949 = vector.broadcast %sub3A_948 : i32 to vector<16xi32>
        %sub3A_950 = arith.subi %convert_element_type3A_932, %sub3A_949 : vector<16xi32>
        %ge3A_951 = arith.constant 9 : i32
        %ge3A_952 = vector.broadcast %ge3A_951 : i32 to vector<16xi32>
        %ge3A_953 = arith.cmpi sge, %convert_element_type3A_937, %ge3A_952 : vector<16xi32>
        %sub3A_954 = arith.constant 9 : i32
        %sub3A_955 = vector.broadcast %sub3A_954 : i32 to vector<16xi32>
        %sub3A_956 = arith.subi %convert_element_type3A_937, %sub3A_955 : vector<16xi32>
        %add3A_957 = arith.constant 3 : i32
        %add3A_958 = vector.broadcast %add3A_957 : i32 to vector<16xi32>
        %add3A_959 = arith.addi %convert_element_type3A_937, %add3A_958 : vector<16xi32>
        %select_n3A_960 = arith.select %ge3A_953, %sub3A_956, %add3A_959 : vector<16xi1>, vector<16xi32>
        %mul3A_961 = arith.constant 6 : i32
        %mul3A_962 = vector.broadcast %mul3A_961 : i32 to vector<16xi32>
        %mul3A_963 = arith.muli %sub3A_950, %mul3A_962 : vector<16xi32>
        %add3A_964 = arith.addi %mul3A_963, %select_n3A_960 : vector<16xi32>
        %swap3A_965 = arith.constant 64 : index
        %swap3A_966 = tpu.vector_load %arg9[%swap3A_965] {strides = array<i32>} : memref<80xi32, #tpu.memory_space<vmem>>, vector<16xi32>,
        tpu.vector_store %arg9[%swap3A_965], %add3A_964 {strides = array<i32>} : memref<80xi32, #tpu.memory_space<vmem>>, vector<16xi32>,
        %mul3A_967 = arith.constant 8 : i32
        %mul3A_968 = vector.broadcast %mul3A_967 : i32 to vector<16xi32>
        %mul3A_969 = arith.muli %convert_element_type3A_947, %mul3A_968 : vector<16xi32>
        %sub3A_970 = arith.constant 9 : i32
        %sub3A_971 = vector.broadcast %sub3A_970 : i32 to vector<16xi32>
        %sub3A_972 = arith.subi %convert_element_type3A_942, %sub3A_971 : vector<16xi32>
        %add3A_973 = arith.addi %mul3A_969, %sub3A_972 : vector<16xi32>
        %add3A_974 = arith.constant 12 : i32
        %add3A_975 = vector.broadcast %add3A_974 : i32 to vector<16xi32>
        %add3A_976 = arith.addi %add3A_973, %add3A_975 : vector<16xi32>
        %swap3A_977 = arith.constant 64 : index
        %swap3A_978 = tpu.vector_load %arg11[%swap3A_977] {strides = array<i32>} : memref<80xi32, #tpu.memory_space<vmem>>, vector<16xi32>,
        tpu.vector_store %arg11[%swap3A_977], %add3A_976 {strides = array<i32>} : memref<80xi32, #tpu.memory_space<vmem>>, vector<16xi32>,
        %dma_start3A_979 = arith.constant 0 : i32
        %dma_start3A_980 = arith.constant 0 : i32
        %dma_start3A_981 = tpu.memref_slice %arg5[%dma_start3A_979, %dma_start3A_980] : memref<52x128xf32, #tpu.memory_space<vmem_shared>> -> memref<52x128xf32, #tpu.memory_space<vmem_shared>>
        tpu.enqueue_indirect_dma source(%dma_start3A_981 : memref<52x128xf32, #tpu.memory_space<vmem_shared>>) target(%arg13 : memref<80x128xf32, #tpu.memory_space<vmem>>) offsets(%arg9 : memref<80xi32, #tpu.memory_space<vmem>>) semaphore(%arg21 : memref<!tpu.dma_semaphore, #tpu.memory_space<semaphore_mem>>)
        %dma_start3A_982 = arith.constant 0 : i32
        %dma_start3A_983 = arith.constant 0 : i32
        %dma_start3A_984 = tpu.memref_slice %arg5[%dma_start3A_982, %dma_start3A_983] : memref<52x128xf32, #tpu.memory_space<vmem_shared>> -> memref<52x128xf32, #tpu.memory_space<vmem_shared>>
        tpu.enqueue_indirect_dma source(%dma_start3A_984 : memref<52x128xf32, #tpu.memory_space<vmem_shared>>) target(%arg15 : memref<80x128xf32, #tpu.memory_space<vmem>>) offsets(%arg11 : memref<80xi32, #tpu.memory_space<vmem>>) semaphore(%arg21 : memref<!tpu.dma_semaphore, #tpu.memory_space<semaphore_mem>>)
      } else {
      }
      %dma_wait3A_480 = arith.constant 0 : i32
      %dma_wait3A_481 = arith.constant 0 : i32
      %dma_wait3A_482 = tpu.memref_slice %arg5[%dma_wait3A_480, %dma_wait3A_481] : memref<52x128xf32, #tpu.memory_space<vmem_shared>> -> memref<52x128xf32, #tpu.memory_space<vmem_shared>>
      tpu.wait_indirect_dma semaphore(%arg20 : memref<!tpu.dma_semaphore, #tpu.memory_space<semaphore_mem>>) src(%dma_wait3A_482 : memref<52x128xf32, #tpu.memory_space<vmem_shared>>) dst(%arg12 : memref<80x128xf32, #tpu.memory_space<vmem>>)
      %dma_wait3A_483 = arith.constant 0 : i32
      %dma_wait3A_484 = arith.constant 0 : i32
      %dma_wait3A_485 = tpu.memref_slice %arg5[%dma_wait3A_483, %dma_wait3A_484] : memref<52x128xf32, #tpu.memory_space<vmem_shared>> -> memref<52x128xf32, #tpu.memory_space<vmem_shared>>
      tpu.wait_indirect_dma semaphore(%arg20 : memref<!tpu.dma_semaphore, #tpu.memory_space<semaphore_mem>>) src(%dma_wait3A_485 : memref<52x128xf32, #tpu.memory_space<vmem_shared>>) dst(%arg14 : memref<80x128xf32, #tpu.memory_space<vmem>>)
      %parallel_loop3A = arith.constant 0 : i32
      %parallel_loop3A_486 = arith.constant 80 : i32
      %parallel_loop3A_487 = arith.constant 1 : i32
      scf.for %parallel_loop3A_530 = %parallel_loop3A to %parallel_loop3A_486 step %parallel_loop3A_487  : i32 {
        %parallel_loop3A_531 = arith.index_cast %parallel_loop3A_530 : i32 to index
        %parallel_loop3A_532 = arith.constant 0 : index
        %parallel_loop3A_533 = tpu.vector_load %arg12[%parallel_loop3A_531, %parallel_loop3A_532] {strides = array<i32>} : memref<80x128xf32, #tpu.memory_space<vmem>>, vector<16xf32>,
        %parallel_loop3A_534 = arith.index_cast %parallel_loop3A_530 : i32 to index
        %parallel_loop3A_535 = arith.constant 5 : index
        %parallel_loop3A_536 = tpu.vector_load %arg16[%parallel_loop3A_534, %parallel_loop3A_535] {strides = array<i32>} : memref<80x261xf32, #tpu.memory_space<vmem>>, vector<16xf32>,
        tpu.vector_store %arg16[%parallel_loop3A_534, %parallel_loop3A_535], %parallel_loop3A_533 {strides = array<i32>} : memref<80x261xf32, #tpu.memory_space<vmem>>, vector<16xf32>,
        %parallel_loop3A_537 = arith.index_cast %parallel_loop3A_530 : i32 to index
        %parallel_loop3A_538 = arith.constant 16 : index
        %parallel_loop3A_539 = tpu.vector_load %arg12[%parallel_loop3A_537, %parallel_loop3A_538] {strides = array<i32>} : memref<80x128xf32, #tpu.memory_space<vmem>>, vector<16xf32>,
        %parallel_loop3A_540 = arith.index_cast %parallel_loop3A_530 : i32 to index
        %parallel_loop3A_541 = arith.constant 21 : index
        %parallel_loop3A_542 = tpu.vector_load %arg16[%parallel_loop3A_540, %parallel_loop3A_541] {strides = array<i32>} : memref<80x261xf32, #tpu.memory_space<vmem>>, vector<16xf32>,
        tpu.vector_store %arg16[%parallel_loop3A_540, %parallel_loop3A_541], %parallel_loop3A_539 {strides = array<i32>} : memref<80x261xf32, #tpu.memory_space<vmem>>, vector<16xf32>,
        %parallel_loop3A_543 = arith.index_cast %parallel_loop3A_530 : i32 to index
        %parallel_loop3A_544 = arith.constant 32 : index
        %parallel_loop3A_545 = tpu.vector_load %arg12[%parallel_loop3A_543, %parallel_loop3A_544] {strides = array<i32>} : memref<80x128xf32, #tpu.memory_space<vmem>>, vector<16xf32>,
        %parallel_loop3A_546 = arith.index_cast %parallel_loop3A_530 : i32 to index
        %parallel_loop3A_547 = arith.constant 37 : index
        %parallel_loop3A_548 = tpu.vector_load %arg16[%parallel_loop3A_546, %parallel_loop3A_547] {strides = array<i32>} : memref<80x261xf32, #tpu.memory_space<vmem>>, vector<16xf32>,
        tpu.vector_store %arg16[%parallel_loop3A_546, %parallel_loop3A_547], %parallel_loop3A_545 {strides = array<i32>} : memref<80x261xf32, #tpu.memory_space<vmem>>, vector<16xf32>,
        %parallel_loop3A_549 = arith.index_cast %parallel_loop3A_530 : i32 to index
        %parallel_loop3A_550 = arith.constant 48 : index
        %parallel_loop3A_551 = tpu.vector_load %arg12[%parallel_loop3A_549, %parallel_loop3A_550] {strides = array<i32>} : memref<80x128xf32, #tpu.memory_space<vmem>>, vector<16xf32>,
        %parallel_loop3A_552 = arith.index_cast %parallel_loop3A_530 : i32 to index
        %parallel_loop3A_553 = arith.constant 53 : index
        %parallel_loop3A_554 = tpu.vector_load %arg16[%parallel_loop3A_552, %parallel_loop3A_553] {strides = array<i32>} : memref<80x261xf32, #tpu.memory_space<vmem>>, vector<16xf32>,
        tpu.vector_store %arg16[%parallel_loop3A_552, %parallel_loop3A_553], %parallel_loop3A_551 {strides = array<i32>} : memref<80x261xf32, #tpu.memory_space<vmem>>, vector<16xf32>,
        %parallel_loop3A_555 = arith.index_cast %parallel_loop3A_530 : i32 to index
        %parallel_loop3A_556 = arith.constant 64 : index
        %parallel_loop3A_557 = tpu.vector_load %arg12[%parallel_loop3A_555, %parallel_loop3A_556] {strides = array<i32>} : memref<80x128xf32, #tpu.memory_space<vmem>>, vector<16xf32>,
        %parallel_loop3A_558 = arith.index_cast %parallel_loop3A_530 : i32 to index
        %parallel_loop3A_559 = arith.constant 69 : index
        %parallel_loop3A_560 = tpu.vector_load %arg16[%parallel_loop3A_558, %parallel_loop3A_559] {strides = array<i32>} : memref<80x261xf32, #tpu.memory_space<vmem>>, vector<16xf32>,
        tpu.vector_store %arg16[%parallel_loop3A_558, %parallel_loop3A_559], %parallel_loop3A_557 {strides = array<i32>} : memref<80x261xf32, #tpu.memory_space<vmem>>, vector<16xf32>,
        %parallel_loop3A_561 = arith.index_cast %parallel_loop3A_530 : i32 to index
        %parallel_loop3A_562 = arith.constant 80 : index
        %parallel_loop3A_563 = tpu.vector_load %arg12[%parallel_loop3A_561, %parallel_loop3A_562] {strides = array<i32>} : memref<80x128xf32, #tpu.memory_space<vmem>>, vector<16xf32>,
        %parallel_loop3A_564 = arith.index_cast %parallel_loop3A_530 : i32 to index
        %parallel_loop3A_565 = arith.constant 85 : index
        %parallel_loop3A_566 = tpu.vector_load %arg16[%parallel_loop3A_564, %parallel_loop3A_565] {strides = array<i32>} : memref<80x261xf32, #tpu.memory_space<vmem>>, vector<16xf32>,
        tpu.vector_store %arg16[%parallel_loop3A_564, %parallel_loop3A_565], %parallel_loop3A_563 {strides = array<i32>} : memref<80x261xf32, #tpu.memory_space<vmem>>, vector<16xf32>,
        %parallel_loop3A_567 = arith.index_cast %parallel_loop3A_530 : i32 to index
        %parallel_loop3A_568 = arith.constant 96 : index
        %parallel_loop3A_569 = tpu.vector_load %arg12[%parallel_loop3A_567, %parallel_loop3A_568] {strides = array<i32>} : memref<80x128xf32, #tpu.memory_space<vmem>>, vector<16xf32>,
        %parallel_loop3A_570 = arith.index_cast %parallel_loop3A_530 : i32 to index
        %parallel_loop3A_571 = arith.constant 101 : index
        %parallel_loop3A_572 = tpu.vector_load %arg16[%parallel_loop3A_570, %parallel_loop3A_571] {strides = array<i32>} : memref<80x261xf32, #tpu.memory_space<vmem>>, vector<16xf32>,
        tpu.vector_store %arg16[%parallel_loop3A_570, %parallel_loop3A_571], %parallel_loop3A_569 {strides = array<i32>} : memref<80x261xf32, #tpu.memory_space<vmem>>, vector<16xf32>,
        %parallel_loop3A_573 = arith.index_cast %parallel_loop3A_530 : i32 to index
        %parallel_loop3A_574 = arith.constant 0 : index
        %parallel_loop3A_575 = tpu.vector_load %arg14[%parallel_loop3A_573, %parallel_loop3A_574] {strides = array<i32>} : memref<80x128xf32, #tpu.memory_space<vmem>>, vector<16xf32>,
        %parallel_loop3A_576 = arith.index_cast %parallel_loop3A_530 : i32 to index
        %parallel_loop3A_577 = arith.constant 133 : index
        %parallel_loop3A_578 = tpu.vector_load %arg16[%parallel_loop3A_576, %parallel_loop3A_577] {strides = array<i32>} : memref<80x261xf32, #tpu.memory_space<vmem>>, vector<16xf32>,
        tpu.vector_store %arg16[%parallel_loop3A_576, %parallel_loop3A_577], %parallel_loop3A_575 {strides = array<i32>} : memref<80x261xf32, #tpu.memory_space<vmem>>, vector<16xf32>,
        %parallel_loop3A_579 = arith.index_cast %parallel_loop3A_530 : i32 to index
        %parallel_loop3A_580 = arith.constant 16 : index
        %parallel_loop3A_581 = tpu.vector_load %arg14[%parallel_loop3A_579, %parallel_loop3A_580] {strides = array<i32>} : memref<80x128xf32, #tpu.memory_space<vmem>>, vector<16xf32>,
        %parallel_loop3A_582 = arith.index_cast %parallel_loop3A_530 : i32 to index
        %parallel_loop3A_583 = arith.constant 149 : index
        %parallel_loop3A_584 = tpu.vector_load %arg16[%parallel_loop3A_582, %parallel_loop3A_583] {strides = array<i32>} : memref<80x261xf32, #tpu.memory_space<vmem>>, vector<16xf32>,
        tpu.vector_store %arg16[%parallel_loop3A_582, %parallel_loop3A_583], %parallel_loop3A_581 {strides = array<i32>} : memref<80x261xf32, #tpu.memory_space<vmem>>, vector<16xf32>,
        %parallel_loop3A_585 = arith.index_cast %parallel_loop3A_530 : i32 to index
        %parallel_loop3A_586 = arith.constant 32 : index
        %parallel_loop3A_587 = tpu.vector_load %arg14[%parallel_loop3A_585, %parallel_loop3A_586] {strides = array<i32>} : memref<80x128xf32, #tpu.memory_space<vmem>>, vector<16xf32>,
        %parallel_loop3A_588 = arith.index_cast %parallel_loop3A_530 : i32 to index
        %parallel_loop3A_589 = arith.constant 165 : index
        %parallel_loop3A_590 = tpu.vector_load %arg16[%parallel_loop3A_588, %parallel_loop3A_589] {strides = array<i32>} : memref<80x261xf32, #tpu.memory_space<vmem>>, vector<16xf32>,
        tpu.vector_store %arg16[%parallel_loop3A_588, %parallel_loop3A_589], %parallel_loop3A_587 {strides = array<i32>} : memref<80x261xf32, #tpu.memory_space<vmem>>, vector<16xf32>,
        %parallel_loop3A_591 = arith.index_cast %parallel_loop3A_530 : i32 to index
        %parallel_loop3A_592 = arith.constant 48 : index
        %parallel_loop3A_593 = tpu.vector_load %arg14[%parallel_loop3A_591, %parallel_loop3A_592] {strides = array<i32>} : memref<80x128xf32, #tpu.memory_space<vmem>>, vector<16xf32>,
        %parallel_loop3A_594 = arith.index_cast %parallel_loop3A_530 : i32 to index
        %parallel_loop3A_595 = arith.constant 181 : index
        %parallel_loop3A_596 = tpu.vector_load %arg16[%parallel_loop3A_594, %parallel_loop3A_595] {strides = array<i32>} : memref<80x261xf32, #tpu.memory_space<vmem>>, vector<16xf32>,
        tpu.vector_store %arg16[%parallel_loop3A_594, %parallel_loop3A_595], %parallel_loop3A_593 {strides = array<i32>} : memref<80x261xf32, #tpu.memory_space<vmem>>, vector<16xf32>,
        %parallel_loop3A_597 = arith.index_cast %parallel_loop3A_530 : i32 to index
        %parallel_loop3A_598 = arith.constant 64 : index
        %parallel_loop3A_599 = tpu.vector_load %arg14[%parallel_loop3A_597, %parallel_loop3A_598] {strides = array<i32>} : memref<80x128xf32, #tpu.memory_space<vmem>>, vector<16xf32>,
        %parallel_loop3A_600 = arith.index_cast %parallel_loop3A_530 : i32 to index
        %parallel_loop3A_601 = arith.constant 197 : index
        %parallel_loop3A_602 = tpu.vector_load %arg16[%parallel_loop3A_600, %parallel_loop3A_601] {strides = array<i32>} : memref<80x261xf32, #tpu.memory_space<vmem>>, vector<16xf32>,
        tpu.vector_store %arg16[%parallel_loop3A_600, %parallel_loop3A_601], %parallel_loop3A_599 {strides = array<i32>} : memref<80x261xf32, #tpu.memory_space<vmem>>, vector<16xf32>,
        %parallel_loop3A_603 = arith.index_cast %parallel_loop3A_530 : i32 to index
        %parallel_loop3A_604 = arith.constant 80 : index
        %parallel_loop3A_605 = tpu.vector_load %arg14[%parallel_loop3A_603, %parallel_loop3A_604] {strides = array<i32>} : memref<80x128xf32, #tpu.memory_space<vmem>>, vector<16xf32>,
        %parallel_loop3A_606 = arith.index_cast %parallel_loop3A_530 : i32 to index
        %parallel_loop3A_607 = arith.constant 213 : index
        %parallel_loop3A_608 = tpu.vector_load %arg16[%parallel_loop3A_606, %parallel_loop3A_607] {strides = array<i32>} : memref<80x261xf32, #tpu.memory_space<vmem>>, vector<16xf32>,
        tpu.vector_store %arg16[%parallel_loop3A_606, %parallel_loop3A_607], %parallel_loop3A_605 {strides = array<i32>} : memref<80x261xf32, #tpu.memory_space<vmem>>, vector<16xf32>,
        %parallel_loop3A_609 = arith.index_cast %parallel_loop3A_530 : i32 to index
        %parallel_loop3A_610 = arith.constant 96 : index
        %parallel_loop3A_611 = tpu.vector_load %arg14[%parallel_loop3A_609, %parallel_loop3A_610] {strides = array<i32>} : memref<80x128xf32, #tpu.memory_space<vmem>>, vector<16xf32>,
        %parallel_loop3A_612 = arith.index_cast %parallel_loop3A_530 : i32 to index
        %parallel_loop3A_613 = arith.constant 229 : index
        %parallel_loop3A_614 = tpu.vector_load %arg16[%parallel_loop3A_612, %parallel_loop3A_613] {strides = array<i32>} : memref<80x261xf32, #tpu.memory_space<vmem>>, vector<16xf32>,
        tpu.vector_store %arg16[%parallel_loop3A_612, %parallel_loop3A_613], %parallel_loop3A_611 {strides = array<i32>} : memref<80x261xf32, #tpu.memory_space<vmem>>, vector<16xf32>,
        %parallel_loop3A_615 = vector.broadcast %parallel_loop3A_530 : i32 to vector<16xi32>
        %parallel_loop3A_616 = arith.constant 117 : i32
        %parallel_loop3A_617 = vector.broadcast %parallel_loop3A_616 : i32 to vector<16xi32>
        %parallel_loop3A_618 = arith.addi %iota3A, %parallel_loop3A_617 : vector<16xi32>
        %parallel_loop3A_619 = arith.index_cast %parallel_loop3A_530 : i32 to index
        %parallel_loop3A_620 = arith.constant 112 : index
        %parallel_loop3A_621 = tpu.vector_load %arg12[%parallel_loop3A_619, %parallel_loop3A_620] {strides = array<i32>} : memref<80x128xf32, #tpu.memory_space<vmem>>, vector<16xf32>,
        tpu.vector_store_idx %arg16[%parallel_loop3A_615, %parallel_loop3A_618], %parallel_loop3A_621 : memref<80x261xf32, #tpu.memory_space<vmem>>[vector<16xi32>, vector<16xi32>], vector<16xf32>,
        %parallel_loop3A_622 = arith.constant 245 : i32
        %parallel_loop3A_623 = vector.broadcast %parallel_loop3A_622 : i32 to vector<16xi32>
        %parallel_loop3A_624 = arith.addi %iota3A, %parallel_loop3A_623 : vector<16xi32>
        %parallel_loop3A_625 = arith.index_cast %parallel_loop3A_530 : i32 to index
        %parallel_loop3A_626 = arith.constant 112 : index
        %parallel_loop3A_627 = tpu.vector_load %arg14[%parallel_loop3A_625, %parallel_loop3A_626] {strides = array<i32>} : memref<80x128xf32, #tpu.memory_space<vmem>>, vector<16xf32>,
        tpu.vector_store_idx %arg16[%parallel_loop3A_615, %parallel_loop3A_624], %parallel_loop3A_627 : memref<80x261xf32, #tpu.memory_space<vmem>>[vector<16xi32>, vector<16xi32>], vector<16xf32>,
      } {sc.loop_unroll_factor = 2 : i64, sc.parallel_access}
      %mul3A_488 = arith.constant 80 : i32
      %mul3A_489 = arith.muli %mul3A_475, %mul3A_488 : i32
      %add3A_490 = arith.addi %mul3A_2, %mul3A_489 : i32
      %dma_start3A_491 = arith.constant 0 : i32
      %dma_start3A_492 = tpu.memref_slice %arg4[%add3A_490, %dma_start3A_491] : memref<819200x261xf32, #tpu.memory_space<hbm>> -> memref<80x261xf32, #tpu.memory_space<hbm>>
      %dma_start3A_493 = arith.constant 0 : i32
      %dma_start3A_494 = tpu.memref_slice %arg4[%add3A_490, %dma_start3A_493] : memref<819200x261xf32, #tpu.memory_space<hbm>> -> memref<80x261xf32, #tpu.memory_space<hbm>>
      tpu.enqueue_dma source(%arg16 : memref<80x261xf32, #tpu.memory_space<vmem>>) target(%dma_start3A_494 : memref<80x261xf32, #tpu.memory_space<hbm>>) target_semaphore(%arg22 : memref<!tpu.dma_semaphore, #tpu.memory_space<semaphore_mem>>)
      %lt3A_495 = arith.constant 318 : i32
      %lt3A_496 = arith.cmpi slt, %mul3A_475, %lt3A_495 : i32
      %convert_element_type3A_497 = arith.extui %lt3A_496 : i1 to i32
      %cond3A_498 = arith.constant 0 : i32
      %cond3A_499 = arith.cmpi ne, %convert_element_type3A_497, %cond3A_498 : i32
      scf.if %cond3A_499 {
        %add3A_530 = arith.constant 2 : i32
        %add3A_531 = arith.addi %mul3A_475, %add3A_530 : i32
        %mul3A_532 = arith.constant 80 : i32
        %mul3A_533 = arith.muli %add3A_531, %mul3A_532 : i32
        %add3A_534 = arith.addi %mul3A_2, %mul3A_533 : i32
        %mul3A_535 = arith.constant 9 : i32
        %mul3A_536 = arith.muli %add3A_534, %mul3A_535 : i32
        %dma_start3A_537 = tpu.memref_slice %arg2[%mul3A_536] : memref<7372800xf32, #tpu.memory_space<hbm>> -> memref<720xf32, #tpu.memory_space<hbm>>
        %dma_start3A_538 = tpu.memref_slice %arg2[%mul3A_536] : memref<7372800xf32, #tpu.memory_space<hbm>> -> memref<720xf32, #tpu.memory_space<hbm>>
        tpu.enqueue_dma source(%dma_start3A_538 : memref<720xf32, #tpu.memory_space<hbm>>) target(%arg6 : memref<720xf32, #tpu.memory_space<vmem>>) target_semaphore(%arg18 : memref<!tpu.dma_semaphore, #tpu.memory_space<semaphore_mem>>)
      } else {
      }
      %mul3A_500 = arith.constant 2 : i32
      %mul3A_501 = arith.muli %scan3A_473, %mul3A_500 : i32
      %add3A_502 = arith.constant 1 : i32
      %add3A_503 = arith.addi %mul3A_501, %add3A_502 : i32
      %lt3A_504 = arith.constant 319 : i32
      %lt3A_505 = arith.cmpi slt, %add3A_503, %lt3A_504 : i32
      %convert_element_type3A_506 = arith.extui %lt3A_505 : i1 to i32
      %cond3A_507 = arith.constant 0 : i32
      %cond3A_508 = arith.cmpi ne, %convert_element_type3A_506, %cond3A_507 : i32
      scf.if %cond3A_508 {
        %add3A_530 = arith.constant 1 : i32
        %add3A_531 = arith.addi %add3A_503, %add3A_530 : i32
        %mul3A_532 = arith.constant 80 : i32
        %mul3A_533 = arith.muli %add3A_531, %mul3A_532 : i32
        %add3A_534 = arith.addi %mul3A_2, %mul3A_533 : i32
        %mul3A_535 = arith.constant 9 : i32
        %mul3A_536 = arith.muli %add3A_534, %mul3A_535 : i32
        %dma_wait3A_537 = tpu.memref_slice %arg2[%mul3A_536] : memref<7372800xf32, #tpu.memory_space<hbm>> -> memref<720xf32, #tpu.memory_space<hbm>>
        %dma_wait3A_538 = tpu.memref_slice %arg2[%mul3A_536] : memref<7372800xf32, #tpu.memory_space<hbm>> -> memref<720xf32, #tpu.memory_space<hbm>>
        tpu.wait_dma2 semaphore(%arg18 : memref<!tpu.dma_semaphore, #tpu.memory_space<semaphore_mem>>) src(%dma_wait3A_538 : memref<720xf32, #tpu.memory_space<hbm>>) dst(%arg6 : memref<720xf32, #tpu.memory_space<vmem>>)
        %ge3A_539 = arith.constant 1 : i32
        %ge3A_540 = arith.cmpi sge, %add3A_503, %ge3A_539 : i32
        %convert_element_type3A_541 = arith.extui %ge3A_540 : i1 to i32
        %cond3A_542 = arith.constant 0 : i32
        %cond3A_543 = arith.cmpi ne, %convert_element_type3A_541, %cond3A_542 : i32
        scf.if %cond3A_543 {
          %sub3A_985 = arith.constant 1 : i32
          %sub3A_986 = arith.subi %add3A_503, %sub3A_985 : i32
          %mul3A_987 = arith.constant 80 : i32
          %mul3A_988 = arith.muli %sub3A_986, %mul3A_987 : i32
          %add3A_989 = arith.addi %mul3A_2, %mul3A_988 : i32
          %dma_wait3A_990 = arith.constant 0 : i32
          %dma_wait3A_991 = tpu.memref_slice %arg4[%add3A_989, %dma_wait3A_990] : memref<819200x261xf32, #tpu.memory_space<hbm>> -> memref<80x261xf32, #tpu.memory_space<hbm>>
          %dma_wait3A_992 = arith.constant 0 : i32
          %dma_wait3A_993 = tpu.memref_slice %arg4[%add3A_989, %dma_wait3A_992] : memref<819200x261xf32, #tpu.memory_space<hbm>> -> memref<80x261xf32, #tpu.memory_space<hbm>>
          tpu.wait_dma2 semaphore(%arg22 : memref<!tpu.dma_semaphore, #tpu.memory_space<semaphore_mem>>) src(%arg16 : memref<80x261xf32, #tpu.memory_space<vmem>>) dst(%dma_wait3A_993 : memref<80x261xf32, #tpu.memory_space<hbm>>)
        } else {
        }
        %add3A_544 = arith.constant 0 : i32
        %add3A_545 = vector.broadcast %add3A_544 : i32 to vector<16xi32>
        %add3A_546 = arith.addi %add3A_545, %iota3A : vector<16xi32>
        %mul3A_547 = arith.constant 9 : i32
        %mul3A_548 = vector.broadcast %mul3A_547 : i32 to vector<16xi32>
        %mul3A_549 = arith.muli %add3A_546, %mul3A_548 : vector<16xi32>
        %add3A_550 = arith.constant 0 : i32
        %add3A_551 = vector.broadcast %add3A_550 : i32 to vector<16xi32>
        %add3A_552 = arith.addi %mul3A_549, %add3A_551 : vector<16xi32>
        %gather3A_553 = tpu.vector_load_idx %arg6[%add3A_552] : memref<720xf32, #tpu.memory_space<vmem>>[vector<16xi32>], vector<16xf32>,
        %broadcast_in_dim3A_554 = arith.constant 0 : i32
        %broadcast_in_dim3A_555 = vector.broadcast %broadcast_in_dim3A_554 : i32 to vector<16xi32>
        tpu.vector_store_idx %arg16[%add3A_546, %broadcast_in_dim3A_555], %gather3A_553 : memref<80x261xf32, #tpu.memory_space<vmem>>[vector<16xi32>, vector<16xi32>], vector<16xf32>,
        %add3A_556 = arith.constant 1 : i32
        %add3A_557 = vector.broadcast %add3A_556 : i32 to vector<16xi32>
        %add3A_558 = arith.addi %mul3A_549, %add3A_557 : vector<16xi32>
        %gather3A_559 = tpu.vector_load_idx %arg6[%add3A_558] : memref<720xf32, #tpu.memory_space<vmem>>[vector<16xi32>], vector<16xf32>,
        %broadcast_in_dim3A_560 = arith.constant 1 : i32
        %broadcast_in_dim3A_561 = vector.broadcast %broadcast_in_dim3A_560 : i32 to vector<16xi32>
        tpu.vector_store_idx %arg16[%add3A_546, %broadcast_in_dim3A_561], %gather3A_559 : memref<80x261xf32, #tpu.memory_space<vmem>>[vector<16xi32>, vector<16xi32>], vector<16xf32>,
        %add3A_562 = arith.constant 2 : i32
        %add3A_563 = vector.broadcast %add3A_562 : i32 to vector<16xi32>
        %add3A_564 = arith.addi %mul3A_549, %add3A_563 : vector<16xi32>
        %gather3A_565 = tpu.vector_load_idx %arg6[%add3A_564] : memref<720xf32, #tpu.memory_space<vmem>>[vector<16xi32>], vector<16xf32>,
        %broadcast_in_dim3A_566 = arith.constant 2 : i32
        %broadcast_in_dim3A_567 = vector.broadcast %broadcast_in_dim3A_566 : i32 to vector<16xi32>
        tpu.vector_store_idx %arg16[%add3A_546, %broadcast_in_dim3A_567], %gather3A_565 : memref<80x261xf32, #tpu.memory_space<vmem>>[vector<16xi32>, vector<16xi32>], vector<16xf32>,
        %add3A_568 = arith.constant 3 : i32
        %add3A_569 = vector.broadcast %add3A_568 : i32 to vector<16xi32>
        %add3A_570 = arith.addi %mul3A_549, %add3A_569 : vector<16xi32>
        %gather3A_571 = tpu.vector_load_idx %arg6[%add3A_570] : memref<720xf32, #tpu.memory_space<vmem>>[vector<16xi32>], vector<16xf32>,
        %broadcast_in_dim3A_572 = arith.constant 3 : i32
        %broadcast_in_dim3A_573 = vector.broadcast %broadcast_in_dim3A_572 : i32 to vector<16xi32>
        tpu.vector_store_idx %arg16[%add3A_546, %broadcast_in_dim3A_573], %gather3A_571 : memref<80x261xf32, #tpu.memory_space<vmem>>[vector<16xi32>, vector<16xi32>], vector<16xf32>,
        %add3A_574 = arith.constant 4 : i32
        %add3A_575 = vector.broadcast %add3A_574 : i32 to vector<16xi32>
        %add3A_576 = arith.addi %mul3A_549, %add3A_575 : vector<16xi32>
        %gather3A_577 = tpu.vector_load_idx %arg6[%add3A_576] : memref<720xf32, #tpu.memory_space<vmem>>[vector<16xi32>], vector<16xf32>,
        %broadcast_in_dim3A_578 = arith.constant 4 : i32
        %broadcast_in_dim3A_579 = vector.broadcast %broadcast_in_dim3A_578 : i32 to vector<16xi32>
        tpu.vector_store_idx %arg16[%add3A_546, %broadcast_in_dim3A_579], %gather3A_577 : memref<80x261xf32, #tpu.memory_space<vmem>>[vector<16xi32>, vector<16xi32>], vector<16xf32>,
        %add3A_580 = arith.constant 5 : i32
        %add3A_581 = vector.broadcast %add3A_580 : i32 to vector<16xi32>
        %add3A_582 = arith.addi %mul3A_549, %add3A_581 : vector<16xi32>
        %gather3A_583 = tpu.vector_load_idx %arg6[%add3A_582] : memref<720xf32, #tpu.memory_space<vmem>>[vector<16xi32>], vector<16xf32>,
        %convert_element_type3A_584 = arith.fptosi %gather3A_583 : vector<16xf32> to vector<16xi32>
        %add3A_585 = arith.constant 6 : i32
        %add3A_586 = vector.broadcast %add3A_585 : i32 to vector<16xi32>
        %add3A_587 = arith.addi %mul3A_549, %add3A_586 : vector<16xi32>
        %gather3A_588 = tpu.vector_load_idx %arg6[%add3A_587] : memref<720xf32, #tpu.memory_space<vmem>>[vector<16xi32>], vector<16xf32>,
        %convert_element_type3A_589 = arith.fptosi %gather3A_588 : vector<16xf32> to vector<16xi32>
        %add3A_590 = arith.constant 7 : i32
        %add3A_591 = vector.broadcast %add3A_590 : i32 to vector<16xi32>
        %add3A_592 = arith.addi %mul3A_549, %add3A_591 : vector<16xi32>
        %gather3A_593 = tpu.vector_load_idx %arg6[%add3A_592] : memref<720xf32, #tpu.memory_space<vmem>>[vector<16xi32>], vector<16xf32>,
        %convert_element_type3A_594 = arith.fptosi %gather3A_593 : vector<16xf32> to vector<16xi32>
        %add3A_595 = arith.constant 8 : i32
        %add3A_596 = vector.broadcast %add3A_595 : i32 to vector<16xi32>
        %add3A_597 = arith.addi %mul3A_549, %add3A_596 : vector<16xi32>
        %gather3A_598 = tpu.vector_load_idx %arg6[%add3A_597] : memref<720xf32, #tpu.memory_space<vmem>>[vector<16xi32>], vector<16xf32>,
        %convert_element_type3A_599 = arith.fptosi %gather3A_598 : vector<16xf32> to vector<16xi32>
        %sub3A_600 = arith.constant 2017 : i32
        %sub3A_601 = vector.broadcast %sub3A_600 : i32 to vector<16xi32>
        %sub3A_602 = arith.subi %convert_element_type3A_584, %sub3A_601 : vector<16xi32>
        %ge3A_603 = arith.constant 9 : i32
        %ge3A_604 = vector.broadcast %ge3A_603 : i32 to vector<16xi32>
        %ge3A_605 = arith.cmpi sge, %convert_element_type3A_589, %ge3A_604 : vector<16xi32>
        %sub3A_606 = arith.constant 9 : i32
        %sub3A_607 = vector.broadcast %sub3A_606 : i32 to vector<16xi32>
        %sub3A_608 = arith.subi %convert_element_type3A_589, %sub3A_607 : vector<16xi32>
        %add3A_609 = arith.constant 3 : i32
        %add3A_610 = vector.broadcast %add3A_609 : i32 to vector<16xi32>
        %add3A_611 = arith.addi %convert_element_type3A_589, %add3A_610 : vector<16xi32>
        %select_n3A_612 = arith.select %ge3A_605, %sub3A_608, %add3A_611 : vector<16xi1>, vector<16xi32>
        %mul3A_613 = arith.constant 6 : i32
        %mul3A_614 = vector.broadcast %mul3A_613 : i32 to vector<16xi32>
        %mul3A_615 = arith.muli %sub3A_602, %mul3A_614 : vector<16xi32>
        %add3A_616 = arith.addi %mul3A_615, %select_n3A_612 : vector<16xi32>
        %swap3A_617 = arith.constant 0 : index
        %swap3A_618 = tpu.vector_load %arg8[%swap3A_617] {strides = array<i32>} : memref<80xi32, #tpu.memory_space<vmem>>, vector<16xi32>,
        tpu.vector_store %arg8[%swap3A_617], %add3A_616 {strides = array<i32>} : memref<80xi32, #tpu.memory_space<vmem>>, vector<16xi32>,
        %mul3A_619 = arith.constant 8 : i32
        %mul3A_620 = vector.broadcast %mul3A_619 : i32 to vector<16xi32>
        %mul3A_621 = arith.muli %convert_element_type3A_599, %mul3A_620 : vector<16xi32>
        %sub3A_622 = arith.constant 9 : i32
        %sub3A_623 = vector.broadcast %sub3A_622 : i32 to vector<16xi32>
        %sub3A_624 = arith.subi %convert_element_type3A_594, %sub3A_623 : vector<16xi32>
        %add3A_625 = arith.addi %mul3A_621, %sub3A_624 : vector<16xi32>
        %add3A_626 = arith.constant 12 : i32
        %add3A_627 = vector.broadcast %add3A_626 : i32 to vector<16xi32>
        %add3A_628 = arith.addi %add3A_625, %add3A_627 : vector<16xi32>
        %swap3A_629 = arith.constant 0 : index
        %swap3A_630 = tpu.vector_load %arg10[%swap3A_629] {strides = array<i32>} : memref<80xi32, #tpu.memory_space<vmem>>, vector<16xi32>,
        tpu.vector_store %arg10[%swap3A_629], %add3A_628 {strides = array<i32>} : memref<80xi32, #tpu.memory_space<vmem>>, vector<16xi32>,
        %add3A_631 = arith.constant 16 : i32
        %add3A_632 = vector.broadcast %add3A_631 : i32 to vector<16xi32>
        %add3A_633 = arith.addi %add3A_632, %iota3A : vector<16xi32>
        %mul3A_634 = arith.constant 9 : i32
        %mul3A_635 = vector.broadcast %mul3A_634 : i32 to vector<16xi32>
        %mul3A_636 = arith.muli %add3A_633, %mul3A_635 : vector<16xi32>
        %add3A_637 = arith.constant 0 : i32
        %add3A_638 = vector.broadcast %add3A_637 : i32 to vector<16xi32>
        %add3A_639 = arith.addi %mul3A_636, %add3A_638 : vector<16xi32>
        %gather3A_640 = tpu.vector_load_idx %arg6[%add3A_639] : memref<720xf32, #tpu.memory_space<vmem>>[vector<16xi32>], vector<16xf32>,
        %broadcast_in_dim3A_641 = arith.constant 0 : i32
        %broadcast_in_dim3A_642 = vector.broadcast %broadcast_in_dim3A_641 : i32 to vector<16xi32>
        tpu.vector_store_idx %arg16[%add3A_633, %broadcast_in_dim3A_642], %gather3A_640 : memref<80x261xf32, #tpu.memory_space<vmem>>[vector<16xi32>, vector<16xi32>], vector<16xf32>,
        %add3A_643 = arith.constant 1 : i32
        %add3A_644 = vector.broadcast %add3A_643 : i32 to vector<16xi32>
        %add3A_645 = arith.addi %mul3A_636, %add3A_644 : vector<16xi32>
        %gather3A_646 = tpu.vector_load_idx %arg6[%add3A_645] : memref<720xf32, #tpu.memory_space<vmem>>[vector<16xi32>], vector<16xf32>,
        %broadcast_in_dim3A_647 = arith.constant 1 : i32
        %broadcast_in_dim3A_648 = vector.broadcast %broadcast_in_dim3A_647 : i32 to vector<16xi32>
        tpu.vector_store_idx %arg16[%add3A_633, %broadcast_in_dim3A_648], %gather3A_646 : memref<80x261xf32, #tpu.memory_space<vmem>>[vector<16xi32>, vector<16xi32>], vector<16xf32>,
        %add3A_649 = arith.constant 2 : i32
        %add3A_650 = vector.broadcast %add3A_649 : i32 to vector<16xi32>
        %add3A_651 = arith.addi %mul3A_636, %add3A_650 : vector<16xi32>
        %gather3A_652 = tpu.vector_load_idx %arg6[%add3A_651] : memref<720xf32, #tpu.memory_space<vmem>>[vector<16xi32>], vector<16xf32>,
        %broadcast_in_dim3A_653 = arith.constant 2 : i32
        %broadcast_in_dim3A_654 = vector.broadcast %broadcast_in_dim3A_653 : i32 to vector<16xi32>
        tpu.vector_store_idx %arg16[%add3A_633, %broadcast_in_dim3A_654], %gather3A_652 : memref<80x261xf32, #tpu.memory_space<vmem>>[vector<16xi32>, vector<16xi32>], vector<16xf32>,
        %add3A_655 = arith.constant 3 : i32
        %add3A_656 = vector.broadcast %add3A_655 : i32 to vector<16xi32>
        %add3A_657 = arith.addi %mul3A_636, %add3A_656 : vector<16xi32>
        %gather3A_658 = tpu.vector_load_idx %arg6[%add3A_657] : memref<720xf32, #tpu.memory_space<vmem>>[vector<16xi32>], vector<16xf32>,
        %broadcast_in_dim3A_659 = arith.constant 3 : i32
        %broadcast_in_dim3A_660 = vector.broadcast %broadcast_in_dim3A_659 : i32 to vector<16xi32>
        tpu.vector_store_idx %arg16[%add3A_633, %broadcast_in_dim3A_660], %gather3A_658 : memref<80x261xf32, #tpu.memory_space<vmem>>[vector<16xi32>, vector<16xi32>], vector<16xf32>,
        %add3A_661 = arith.constant 4 : i32
        %add3A_662 = vector.broadcast %add3A_661 : i32 to vector<16xi32>
        %add3A_663 = arith.addi %mul3A_636, %add3A_662 : vector<16xi32>
        %gather3A_664 = tpu.vector_load_idx %arg6[%add3A_663] : memref<720xf32, #tpu.memory_space<vmem>>[vector<16xi32>], vector<16xf32>,
        %broadcast_in_dim3A_665 = arith.constant 4 : i32
        %broadcast_in_dim3A_666 = vector.broadcast %broadcast_in_dim3A_665 : i32 to vector<16xi32>
        tpu.vector_store_idx %arg16[%add3A_633, %broadcast_in_dim3A_666], %gather3A_664 : memref<80x261xf32, #tpu.memory_space<vmem>>[vector<16xi32>, vector<16xi32>], vector<16xf32>,
        %add3A_667 = arith.constant 5 : i32
        %add3A_668 = vector.broadcast %add3A_667 : i32 to vector<16xi32>
        %add3A_669 = arith.addi %mul3A_636, %add3A_668 : vector<16xi32>
        %gather3A_670 = tpu.vector_load_idx %arg6[%add3A_669] : memref<720xf32, #tpu.memory_space<vmem>>[vector<16xi32>], vector<16xf32>,
        %convert_element_type3A_671 = arith.fptosi %gather3A_670 : vector<16xf32> to vector<16xi32>
        %add3A_672 = arith.constant 6 : i32
        %add3A_673 = vector.broadcast %add3A_672 : i32 to vector<16xi32>
        %add3A_674 = arith.addi %mul3A_636, %add3A_673 : vector<16xi32>
        %gather3A_675 = tpu.vector_load_idx %arg6[%add3A_674] : memref<720xf32, #tpu.memory_space<vmem>>[vector<16xi32>], vector<16xf32>,
        %convert_element_type3A_676 = arith.fptosi %gather3A_675 : vector<16xf32> to vector<16xi32>
        %add3A_677 = arith.constant 7 : i32
        %add3A_678 = vector.broadcast %add3A_677 : i32 to vector<16xi32>
        %add3A_679 = arith.addi %mul3A_636, %add3A_678 : vector<16xi32>
        %gather3A_680 = tpu.vector_load_idx %arg6[%add3A_679] : memref<720xf32, #tpu.memory_space<vmem>>[vector<16xi32>], vector<16xf32>,
        %convert_element_type3A_681 = arith.fptosi %gather3A_680 : vector<16xf32> to vector<16xi32>
        %add3A_682 = arith.constant 8 : i32
        %add3A_683 = vector.broadcast %add3A_682 : i32 to vector<16xi32>
        %add3A_684 = arith.addi %mul3A_636, %add3A_683 : vector<16xi32>
        %gather3A_685 = tpu.vector_load_idx %arg6[%add3A_684] : memref<720xf32, #tpu.memory_space<vmem>>[vector<16xi32>], vector<16xf32>,
        %convert_element_type3A_686 = arith.fptosi %gather3A_685 : vector<16xf32> to vector<16xi32>
        %sub3A_687 = arith.constant 2017 : i32
        %sub3A_688 = vector.broadcast %sub3A_687 : i32 to vector<16xi32>
        %sub3A_689 = arith.subi %convert_element_type3A_671, %sub3A_688 : vector<16xi32>
        %ge3A_690 = arith.constant 9 : i32
        %ge3A_691 = vector.broadcast %ge3A_690 : i32 to vector<16xi32>
        %ge3A_692 = arith.cmpi sge, %convert_element_type3A_676, %ge3A_691 : vector<16xi32>
        %sub3A_693 = arith.constant 9 : i32
        %sub3A_694 = vector.broadcast %sub3A_693 : i32 to vector<16xi32>
        %sub3A_695 = arith.subi %convert_element_type3A_676, %sub3A_694 : vector<16xi32>
        %add3A_696 = arith.constant 3 : i32
        %add3A_697 = vector.broadcast %add3A_696 : i32 to vector<16xi32>
        %add3A_698 = arith.addi %convert_element_type3A_676, %add3A_697 : vector<16xi32>
        %select_n3A_699 = arith.select %ge3A_692, %sub3A_695, %add3A_698 : vector<16xi1>, vector<16xi32>
        %mul3A_700 = arith.constant 6 : i32
        %mul3A_701 = vector.broadcast %mul3A_700 : i32 to vector<16xi32>
        %mul3A_702 = arith.muli %sub3A_689, %mul3A_701 : vector<16xi32>
        %add3A_703 = arith.addi %mul3A_702, %select_n3A_699 : vector<16xi32>
        %swap3A_704 = arith.constant 16 : index
        %swap3A_705 = tpu.vector_load %arg8[%swap3A_704] {strides = array<i32>} : memref<80xi32, #tpu.memory_space<vmem>>, vector<16xi32>,
        tpu.vector_store %arg8[%swap3A_704], %add3A_703 {strides = array<i32>} : memref<80xi32, #tpu.memory_space<vmem>>, vector<16xi32>,
        %mul3A_706 = arith.constant 8 : i32
        %mul3A_707 = vector.broadcast %mul3A_706 : i32 to vector<16xi32>
        %mul3A_708 = arith.muli %convert_element_type3A_686, %mul3A_707 : vector<16xi32>
        %sub3A_709 = arith.constant 9 : i32
        %sub3A_710 = vector.broadcast %sub3A_709 : i32 to vector<16xi32>
        %sub3A_711 = arith.subi %convert_element_type3A_681, %sub3A_710 : vector<16xi32>
        %add3A_712 = arith.addi %mul3A_708, %sub3A_711 : vector<16xi32>
        %add3A_713 = arith.constant 12 : i32
        %add3A_714 = vector.broadcast %add3A_713 : i32 to vector<16xi32>
        %add3A_715 = arith.addi %add3A_712, %add3A_714 : vector<16xi32>
        %swap3A_716 = arith.constant 16 : index
        %swap3A_717 = tpu.vector_load %arg10[%swap3A_716] {strides = array<i32>} : memref<80xi32, #tpu.memory_space<vmem>>, vector<16xi32>,
        tpu.vector_store %arg10[%swap3A_716], %add3A_715 {strides = array<i32>} : memref<80xi32, #tpu.memory_space<vmem>>, vector<16xi32>,
        %add3A_718 = arith.constant 32 : i32
        %add3A_719 = vector.broadcast %add3A_718 : i32 to vector<16xi32>
        %add3A_720 = arith.addi %add3A_719, %iota3A : vector<16xi32>
        %mul3A_721 = arith.constant 9 : i32
        %mul3A_722 = vector.broadcast %mul3A_721 : i32 to vector<16xi32>
        %mul3A_723 = arith.muli %add3A_720, %mul3A_722 : vector<16xi32>
        %add3A_724 = arith.constant 0 : i32
        %add3A_725 = vector.broadcast %add3A_724 : i32 to vector<16xi32>
        %add3A_726 = arith.addi %mul3A_723, %add3A_725 : vector<16xi32>
        %gather3A_727 = tpu.vector_load_idx %arg6[%add3A_726] : memref<720xf32, #tpu.memory_space<vmem>>[vector<16xi32>], vector<16xf32>,
        %broadcast_in_dim3A_728 = arith.constant 0 : i32
        %broadcast_in_dim3A_729 = vector.broadcast %broadcast_in_dim3A_728 : i32 to vector<16xi32>
        tpu.vector_store_idx %arg16[%add3A_720, %broadcast_in_dim3A_729], %gather3A_727 : memref<80x261xf32, #tpu.memory_space<vmem>>[vector<16xi32>, vector<16xi32>], vector<16xf32>,
        %add3A_730 = arith.constant 1 : i32
        %add3A_731 = vector.broadcast %add3A_730 : i32 to vector<16xi32>
        %add3A_732 = arith.addi %mul3A_723, %add3A_731 : vector<16xi32>
        %gather3A_733 = tpu.vector_load_idx %arg6[%add3A_732] : memref<720xf32, #tpu.memory_space<vmem>>[vector<16xi32>], vector<16xf32>,
        %broadcast_in_dim3A_734 = arith.constant 1 : i32
        %broadcast_in_dim3A_735 = vector.broadcast %broadcast_in_dim3A_734 : i32 to vector<16xi32>
        tpu.vector_store_idx %arg16[%add3A_720, %broadcast_in_dim3A_735], %gather3A_733 : memref<80x261xf32, #tpu.memory_space<vmem>>[vector<16xi32>, vector<16xi32>], vector<16xf32>,
        %add3A_736 = arith.constant 2 : i32
        %add3A_737 = vector.broadcast %add3A_736 : i32 to vector<16xi32>
        %add3A_738 = arith.addi %mul3A_723, %add3A_737 : vector<16xi32>
        %gather3A_739 = tpu.vector_load_idx %arg6[%add3A_738] : memref<720xf32, #tpu.memory_space<vmem>>[vector<16xi32>], vector<16xf32>,
        %broadcast_in_dim3A_740 = arith.constant 2 : i32
        %broadcast_in_dim3A_741 = vector.broadcast %broadcast_in_dim3A_740 : i32 to vector<16xi32>
        tpu.vector_store_idx %arg16[%add3A_720, %broadcast_in_dim3A_741], %gather3A_739 : memref<80x261xf32, #tpu.memory_space<vmem>>[vector<16xi32>, vector<16xi32>], vector<16xf32>,
        %add3A_742 = arith.constant 3 : i32
        %add3A_743 = vector.broadcast %add3A_742 : i32 to vector<16xi32>
        %add3A_744 = arith.addi %mul3A_723, %add3A_743 : vector<16xi32>
        %gather3A_745 = tpu.vector_load_idx %arg6[%add3A_744] : memref<720xf32, #tpu.memory_space<vmem>>[vector<16xi32>], vector<16xf32>,
        %broadcast_in_dim3A_746 = arith.constant 3 : i32
        %broadcast_in_dim3A_747 = vector.broadcast %broadcast_in_dim3A_746 : i32 to vector<16xi32>
        tpu.vector_store_idx %arg16[%add3A_720, %broadcast_in_dim3A_747], %gather3A_745 : memref<80x261xf32, #tpu.memory_space<vmem>>[vector<16xi32>, vector<16xi32>], vector<16xf32>,
        %add3A_748 = arith.constant 4 : i32
        %add3A_749 = vector.broadcast %add3A_748 : i32 to vector<16xi32>
        %add3A_750 = arith.addi %mul3A_723, %add3A_749 : vector<16xi32>
        %gather3A_751 = tpu.vector_load_idx %arg6[%add3A_750] : memref<720xf32, #tpu.memory_space<vmem>>[vector<16xi32>], vector<16xf32>,
        %broadcast_in_dim3A_752 = arith.constant 4 : i32
        %broadcast_in_dim3A_753 = vector.broadcast %broadcast_in_dim3A_752 : i32 to vector<16xi32>
        tpu.vector_store_idx %arg16[%add3A_720, %broadcast_in_dim3A_753], %gather3A_751 : memref<80x261xf32, #tpu.memory_space<vmem>>[vector<16xi32>, vector<16xi32>], vector<16xf32>,
        %add3A_754 = arith.constant 5 : i32
        %add3A_755 = vector.broadcast %add3A_754 : i32 to vector<16xi32>
        %add3A_756 = arith.addi %mul3A_723, %add3A_755 : vector<16xi32>
        %gather3A_757 = tpu.vector_load_idx %arg6[%add3A_756] : memref<720xf32, #tpu.memory_space<vmem>>[vector<16xi32>], vector<16xf32>,
        %convert_element_type3A_758 = arith.fptosi %gather3A_757 : vector<16xf32> to vector<16xi32>
        %add3A_759 = arith.constant 6 : i32
        %add3A_760 = vector.broadcast %add3A_759 : i32 to vector<16xi32>
        %add3A_761 = arith.addi %mul3A_723, %add3A_760 : vector<16xi32>
        %gather3A_762 = tpu.vector_load_idx %arg6[%add3A_761] : memref<720xf32, #tpu.memory_space<vmem>>[vector<16xi32>], vector<16xf32>,
        %convert_element_type3A_763 = arith.fptosi %gather3A_762 : vector<16xf32> to vector<16xi32>
        %add3A_764 = arith.constant 7 : i32
        %add3A_765 = vector.broadcast %add3A_764 : i32 to vector<16xi32>
        %add3A_766 = arith.addi %mul3A_723, %add3A_765 : vector<16xi32>
        %gather3A_767 = tpu.vector_load_idx %arg6[%add3A_766] : memref<720xf32, #tpu.memory_space<vmem>>[vector<16xi32>], vector<16xf32>,
        %convert_element_type3A_768 = arith.fptosi %gather3A_767 : vector<16xf32> to vector<16xi32>
        %add3A_769 = arith.constant 8 : i32
        %add3A_770 = vector.broadcast %add3A_769 : i32 to vector<16xi32>
        %add3A_771 = arith.addi %mul3A_723, %add3A_770 : vector<16xi32>
        %gather3A_772 = tpu.vector_load_idx %arg6[%add3A_771] : memref<720xf32, #tpu.memory_space<vmem>>[vector<16xi32>], vector<16xf32>,
        %convert_element_type3A_773 = arith.fptosi %gather3A_772 : vector<16xf32> to vector<16xi32>
        %sub3A_774 = arith.constant 2017 : i32
        %sub3A_775 = vector.broadcast %sub3A_774 : i32 to vector<16xi32>
        %sub3A_776 = arith.subi %convert_element_type3A_758, %sub3A_775 : vector<16xi32>
        %ge3A_777 = arith.constant 9 : i32
        %ge3A_778 = vector.broadcast %ge3A_777 : i32 to vector<16xi32>
        %ge3A_779 = arith.cmpi sge, %convert_element_type3A_763, %ge3A_778 : vector<16xi32>
        %sub3A_780 = arith.constant 9 : i32
        %sub3A_781 = vector.broadcast %sub3A_780 : i32 to vector<16xi32>
        %sub3A_782 = arith.subi %convert_element_type3A_763, %sub3A_781 : vector<16xi32>
        %add3A_783 = arith.constant 3 : i32
        %add3A_784 = vector.broadcast %add3A_783 : i32 to vector<16xi32>
        %add3A_785 = arith.addi %convert_element_type3A_763, %add3A_784 : vector<16xi32>
        %select_n3A_786 = arith.select %ge3A_779, %sub3A_782, %add3A_785 : vector<16xi1>, vector<16xi32>
        %mul3A_787 = arith.constant 6 : i32
        %mul3A_788 = vector.broadcast %mul3A_787 : i32 to vector<16xi32>
        %mul3A_789 = arith.muli %sub3A_776, %mul3A_788 : vector<16xi32>
        %add3A_790 = arith.addi %mul3A_789, %select_n3A_786 : vector<16xi32>
        %swap3A_791 = arith.constant 32 : index
        %swap3A_792 = tpu.vector_load %arg8[%swap3A_791] {strides = array<i32>} : memref<80xi32, #tpu.memory_space<vmem>>, vector<16xi32>,
        tpu.vector_store %arg8[%swap3A_791], %add3A_790 {strides = array<i32>} : memref<80xi32, #tpu.memory_space<vmem>>, vector<16xi32>,
        %mul3A_793 = arith.constant 8 : i32
        %mul3A_794 = vector.broadcast %mul3A_793 : i32 to vector<16xi32>
        %mul3A_795 = arith.muli %convert_element_type3A_773, %mul3A_794 : vector<16xi32>
        %sub3A_796 = arith.constant 9 : i32
        %sub3A_797 = vector.broadcast %sub3A_796 : i32 to vector<16xi32>
        %sub3A_798 = arith.subi %convert_element_type3A_768, %sub3A_797 : vector<16xi32>
        %add3A_799 = arith.addi %mul3A_795, %sub3A_798 : vector<16xi32>
        %add3A_800 = arith.constant 12 : i32
        %add3A_801 = vector.broadcast %add3A_800 : i32 to vector<16xi32>
        %add3A_802 = arith.addi %add3A_799, %add3A_801 : vector<16xi32>
        %swap3A_803 = arith.constant 32 : index
        %swap3A_804 = tpu.vector_load %arg10[%swap3A_803] {strides = array<i32>} : memref<80xi32, #tpu.memory_space<vmem>>, vector<16xi32>,
        tpu.vector_store %arg10[%swap3A_803], %add3A_802 {strides = array<i32>} : memref<80xi32, #tpu.memory_space<vmem>>, vector<16xi32>,
        %add3A_805 = arith.constant 48 : i32
        %add3A_806 = vector.broadcast %add3A_805 : i32 to vector<16xi32>
        %add3A_807 = arith.addi %add3A_806, %iota3A : vector<16xi32>
        %mul3A_808 = arith.constant 9 : i32
        %mul3A_809 = vector.broadcast %mul3A_808 : i32 to vector<16xi32>
        %mul3A_810 = arith.muli %add3A_807, %mul3A_809 : vector<16xi32>
        %add3A_811 = arith.constant 0 : i32
        %add3A_812 = vector.broadcast %add3A_811 : i32 to vector<16xi32>
        %add3A_813 = arith.addi %mul3A_810, %add3A_812 : vector<16xi32>
        %gather3A_814 = tpu.vector_load_idx %arg6[%add3A_813] : memref<720xf32, #tpu.memory_space<vmem>>[vector<16xi32>], vector<16xf32>,
        %broadcast_in_dim3A_815 = arith.constant 0 : i32
        %broadcast_in_dim3A_816 = vector.broadcast %broadcast_in_dim3A_815 : i32 to vector<16xi32>
        tpu.vector_store_idx %arg16[%add3A_807, %broadcast_in_dim3A_816], %gather3A_814 : memref<80x261xf32, #tpu.memory_space<vmem>>[vector<16xi32>, vector<16xi32>], vector<16xf32>,
        %add3A_817 = arith.constant 1 : i32
        %add3A_818 = vector.broadcast %add3A_817 : i32 to vector<16xi32>
        %add3A_819 = arith.addi %mul3A_810, %add3A_818 : vector<16xi32>
        %gather3A_820 = tpu.vector_load_idx %arg6[%add3A_819] : memref<720xf32, #tpu.memory_space<vmem>>[vector<16xi32>], vector<16xf32>,
        %broadcast_in_dim3A_821 = arith.constant 1 : i32
        %broadcast_in_dim3A_822 = vector.broadcast %broadcast_in_dim3A_821 : i32 to vector<16xi32>
        tpu.vector_store_idx %arg16[%add3A_807, %broadcast_in_dim3A_822], %gather3A_820 : memref<80x261xf32, #tpu.memory_space<vmem>>[vector<16xi32>, vector<16xi32>], vector<16xf32>,
        %add3A_823 = arith.constant 2 : i32
        %add3A_824 = vector.broadcast %add3A_823 : i32 to vector<16xi32>
        %add3A_825 = arith.addi %mul3A_810, %add3A_824 : vector<16xi32>
        %gather3A_826 = tpu.vector_load_idx %arg6[%add3A_825] : memref<720xf32, #tpu.memory_space<vmem>>[vector<16xi32>], vector<16xf32>,
        %broadcast_in_dim3A_827 = arith.constant 2 : i32
        %broadcast_in_dim3A_828 = vector.broadcast %broadcast_in_dim3A_827 : i32 to vector<16xi32>
        tpu.vector_store_idx %arg16[%add3A_807, %broadcast_in_dim3A_828], %gather3A_826 : memref<80x261xf32, #tpu.memory_space<vmem>>[vector<16xi32>, vector<16xi32>], vector<16xf32>,
        %add3A_829 = arith.constant 3 : i32
        %add3A_830 = vector.broadcast %add3A_829 : i32 to vector<16xi32>
        %add3A_831 = arith.addi %mul3A_810, %add3A_830 : vector<16xi32>
        %gather3A_832 = tpu.vector_load_idx %arg6[%add3A_831] : memref<720xf32, #tpu.memory_space<vmem>>[vector<16xi32>], vector<16xf32>,
        %broadcast_in_dim3A_833 = arith.constant 3 : i32
        %broadcast_in_dim3A_834 = vector.broadcast %broadcast_in_dim3A_833 : i32 to vector<16xi32>
        tpu.vector_store_idx %arg16[%add3A_807, %broadcast_in_dim3A_834], %gather3A_832 : memref<80x261xf32, #tpu.memory_space<vmem>>[vector<16xi32>, vector<16xi32>], vector<16xf32>,
        %add3A_835 = arith.constant 4 : i32
        %add3A_836 = vector.broadcast %add3A_835 : i32 to vector<16xi32>
        %add3A_837 = arith.addi %mul3A_810, %add3A_836 : vector<16xi32>
        %gather3A_838 = tpu.vector_load_idx %arg6[%add3A_837] : memref<720xf32, #tpu.memory_space<vmem>>[vector<16xi32>], vector<16xf32>,
        %broadcast_in_dim3A_839 = arith.constant 4 : i32
        %broadcast_in_dim3A_840 = vector.broadcast %broadcast_in_dim3A_839 : i32 to vector<16xi32>
        tpu.vector_store_idx %arg16[%add3A_807, %broadcast_in_dim3A_840], %gather3A_838 : memref<80x261xf32, #tpu.memory_space<vmem>>[vector<16xi32>, vector<16xi32>], vector<16xf32>,
        %add3A_841 = arith.constant 5 : i32
        %add3A_842 = vector.broadcast %add3A_841 : i32 to vector<16xi32>
        %add3A_843 = arith.addi %mul3A_810, %add3A_842 : vector<16xi32>
        %gather3A_844 = tpu.vector_load_idx %arg6[%add3A_843] : memref<720xf32, #tpu.memory_space<vmem>>[vector<16xi32>], vector<16xf32>,
        %convert_element_type3A_845 = arith.fptosi %gather3A_844 : vector<16xf32> to vector<16xi32>
        %add3A_846 = arith.constant 6 : i32
        %add3A_847 = vector.broadcast %add3A_846 : i32 to vector<16xi32>
        %add3A_848 = arith.addi %mul3A_810, %add3A_847 : vector<16xi32>
        %gather3A_849 = tpu.vector_load_idx %arg6[%add3A_848] : memref<720xf32, #tpu.memory_space<vmem>>[vector<16xi32>], vector<16xf32>,
        %convert_element_type3A_850 = arith.fptosi %gather3A_849 : vector<16xf32> to vector<16xi32>
        %add3A_851 = arith.constant 7 : i32
        %add3A_852 = vector.broadcast %add3A_851 : i32 to vector<16xi32>
        %add3A_853 = arith.addi %mul3A_810, %add3A_852 : vector<16xi32>
        %gather3A_854 = tpu.vector_load_idx %arg6[%add3A_853] : memref<720xf32, #tpu.memory_space<vmem>>[vector<16xi32>], vector<16xf32>,
        %convert_element_type3A_855 = arith.fptosi %gather3A_854 : vector<16xf32> to vector<16xi32>
        %add3A_856 = arith.constant 8 : i32
        %add3A_857 = vector.broadcast %add3A_856 : i32 to vector<16xi32>
        %add3A_858 = arith.addi %mul3A_810, %add3A_857 : vector<16xi32>
        %gather3A_859 = tpu.vector_load_idx %arg6[%add3A_858] : memref<720xf32, #tpu.memory_space<vmem>>[vector<16xi32>], vector<16xf32>,
        %convert_element_type3A_860 = arith.fptosi %gather3A_859 : vector<16xf32> to vector<16xi32>
        %sub3A_861 = arith.constant 2017 : i32
        %sub3A_862 = vector.broadcast %sub3A_861 : i32 to vector<16xi32>
        %sub3A_863 = arith.subi %convert_element_type3A_845, %sub3A_862 : vector<16xi32>
        %ge3A_864 = arith.constant 9 : i32
        %ge3A_865 = vector.broadcast %ge3A_864 : i32 to vector<16xi32>
        %ge3A_866 = arith.cmpi sge, %convert_element_type3A_850, %ge3A_865 : vector<16xi32>
        %sub3A_867 = arith.constant 9 : i32
        %sub3A_868 = vector.broadcast %sub3A_867 : i32 to vector<16xi32>
        %sub3A_869 = arith.subi %convert_element_type3A_850, %sub3A_868 : vector<16xi32>
        %add3A_870 = arith.constant 3 : i32
        %add3A_871 = vector.broadcast %add3A_870 : i32 to vector<16xi32>
        %add3A_872 = arith.addi %convert_element_type3A_850, %add3A_871 : vector<16xi32>
        %select_n3A_873 = arith.select %ge3A_866, %sub3A_869, %add3A_872 : vector<16xi1>, vector<16xi32>
        %mul3A_874 = arith.constant 6 : i32
        %mul3A_875 = vector.broadcast %mul3A_874 : i32 to vector<16xi32>
        %mul3A_876 = arith.muli %sub3A_863, %mul3A_875 : vector<16xi32>
        %add3A_877 = arith.addi %mul3A_876, %select_n3A_873 : vector<16xi32>
        %swap3A_878 = arith.constant 48 : index
        %swap3A_879 = tpu.vector_load %arg8[%swap3A_878] {strides = array<i32>} : memref<80xi32, #tpu.memory_space<vmem>>, vector<16xi32>,
        tpu.vector_store %arg8[%swap3A_878], %add3A_877 {strides = array<i32>} : memref<80xi32, #tpu.memory_space<vmem>>, vector<16xi32>,
        %mul3A_880 = arith.constant 8 : i32
        %mul3A_881 = vector.broadcast %mul3A_880 : i32 to vector<16xi32>
        %mul3A_882 = arith.muli %convert_element_type3A_860, %mul3A_881 : vector<16xi32>
        %sub3A_883 = arith.constant 9 : i32
        %sub3A_884 = vector.broadcast %sub3A_883 : i32 to vector<16xi32>
        %sub3A_885 = arith.subi %convert_element_type3A_855, %sub3A_884 : vector<16xi32>
        %add3A_886 = arith.addi %mul3A_882, %sub3A_885 : vector<16xi32>
        %add3A_887 = arith.constant 12 : i32
        %add3A_888 = vector.broadcast %add3A_887 : i32 to vector<16xi32>
        %add3A_889 = arith.addi %add3A_886, %add3A_888 : vector<16xi32>
        %swap3A_890 = arith.constant 48 : index
        %swap3A_891 = tpu.vector_load %arg10[%swap3A_890] {strides = array<i32>} : memref<80xi32, #tpu.memory_space<vmem>>, vector<16xi32>,
        tpu.vector_store %arg10[%swap3A_890], %add3A_889 {strides = array<i32>} : memref<80xi32, #tpu.memory_space<vmem>>, vector<16xi32>,
        %add3A_892 = arith.constant 64 : i32
        %add3A_893 = vector.broadcast %add3A_892 : i32 to vector<16xi32>
        %add3A_894 = arith.addi %add3A_893, %iota3A : vector<16xi32>
        %mul3A_895 = arith.constant 9 : i32
        %mul3A_896 = vector.broadcast %mul3A_895 : i32 to vector<16xi32>
        %mul3A_897 = arith.muli %add3A_894, %mul3A_896 : vector<16xi32>
        %add3A_898 = arith.constant 0 : i32
        %add3A_899 = vector.broadcast %add3A_898 : i32 to vector<16xi32>
        %add3A_900 = arith.addi %mul3A_897, %add3A_899 : vector<16xi32>
        %gather3A_901 = tpu.vector_load_idx %arg6[%add3A_900] : memref<720xf32, #tpu.memory_space<vmem>>[vector<16xi32>], vector<16xf32>,
        %broadcast_in_dim3A_902 = arith.constant 0 : i32
        %broadcast_in_dim3A_903 = vector.broadcast %broadcast_in_dim3A_902 : i32 to vector<16xi32>
        tpu.vector_store_idx %arg16[%add3A_894, %broadcast_in_dim3A_903], %gather3A_901 : memref<80x261xf32, #tpu.memory_space<vmem>>[vector<16xi32>, vector<16xi32>], vector<16xf32>,
        %add3A_904 = arith.constant 1 : i32
        %add3A_905 = vector.broadcast %add3A_904 : i32 to vector<16xi32>
        %add3A_906 = arith.addi %mul3A_897, %add3A_905 : vector<16xi32>
        %gather3A_907 = tpu.vector_load_idx %arg6[%add3A_906] : memref<720xf32, #tpu.memory_space<vmem>>[vector<16xi32>], vector<16xf32>,
        %broadcast_in_dim3A_908 = arith.constant 1 : i32
        %broadcast_in_dim3A_909 = vector.broadcast %broadcast_in_dim3A_908 : i32 to vector<16xi32>
        tpu.vector_store_idx %arg16[%add3A_894, %broadcast_in_dim3A_909], %gather3A_907 : memref<80x261xf32, #tpu.memory_space<vmem>>[vector<16xi32>, vector<16xi32>], vector<16xf32>,
        %add3A_910 = arith.constant 2 : i32
        %add3A_911 = vector.broadcast %add3A_910 : i32 to vector<16xi32>
        %add3A_912 = arith.addi %mul3A_897, %add3A_911 : vector<16xi32>
        %gather3A_913 = tpu.vector_load_idx %arg6[%add3A_912] : memref<720xf32, #tpu.memory_space<vmem>>[vector<16xi32>], vector<16xf32>,
        %broadcast_in_dim3A_914 = arith.constant 2 : i32
        %broadcast_in_dim3A_915 = vector.broadcast %broadcast_in_dim3A_914 : i32 to vector<16xi32>
        tpu.vector_store_idx %arg16[%add3A_894, %broadcast_in_dim3A_915], %gather3A_913 : memref<80x261xf32, #tpu.memory_space<vmem>>[vector<16xi32>, vector<16xi32>], vector<16xf32>,
        %add3A_916 = arith.constant 3 : i32
        %add3A_917 = vector.broadcast %add3A_916 : i32 to vector<16xi32>
        %add3A_918 = arith.addi %mul3A_897, %add3A_917 : vector<16xi32>
        %gather3A_919 = tpu.vector_load_idx %arg6[%add3A_918] : memref<720xf32, #tpu.memory_space<vmem>>[vector<16xi32>], vector<16xf32>,
        %broadcast_in_dim3A_920 = arith.constant 3 : i32
        %broadcast_in_dim3A_921 = vector.broadcast %broadcast_in_dim3A_920 : i32 to vector<16xi32>
        tpu.vector_store_idx %arg16[%add3A_894, %broadcast_in_dim3A_921], %gather3A_919 : memref<80x261xf32, #tpu.memory_space<vmem>>[vector<16xi32>, vector<16xi32>], vector<16xf32>,
        %add3A_922 = arith.constant 4 : i32
        %add3A_923 = vector.broadcast %add3A_922 : i32 to vector<16xi32>
        %add3A_924 = arith.addi %mul3A_897, %add3A_923 : vector<16xi32>
        %gather3A_925 = tpu.vector_load_idx %arg6[%add3A_924] : memref<720xf32, #tpu.memory_space<vmem>>[vector<16xi32>], vector<16xf32>,
        %broadcast_in_dim3A_926 = arith.constant 4 : i32
        %broadcast_in_dim3A_927 = vector.broadcast %broadcast_in_dim3A_926 : i32 to vector<16xi32>
        tpu.vector_store_idx %arg16[%add3A_894, %broadcast_in_dim3A_927], %gather3A_925 : memref<80x261xf32, #tpu.memory_space<vmem>>[vector<16xi32>, vector<16xi32>], vector<16xf32>,
        %add3A_928 = arith.constant 5 : i32
        %add3A_929 = vector.broadcast %add3A_928 : i32 to vector<16xi32>
        %add3A_930 = arith.addi %mul3A_897, %add3A_929 : vector<16xi32>
        %gather3A_931 = tpu.vector_load_idx %arg6[%add3A_930] : memref<720xf32, #tpu.memory_space<vmem>>[vector<16xi32>], vector<16xf32>,
        %convert_element_type3A_932 = arith.fptosi %gather3A_931 : vector<16xf32> to vector<16xi32>
        %add3A_933 = arith.constant 6 : i32
        %add3A_934 = vector.broadcast %add3A_933 : i32 to vector<16xi32>
        %add3A_935 = arith.addi %mul3A_897, %add3A_934 : vector<16xi32>
        %gather3A_936 = tpu.vector_load_idx %arg6[%add3A_935] : memref<720xf32, #tpu.memory_space<vmem>>[vector<16xi32>], vector<16xf32>,
        %convert_element_type3A_937 = arith.fptosi %gather3A_936 : vector<16xf32> to vector<16xi32>
        %add3A_938 = arith.constant 7 : i32
        %add3A_939 = vector.broadcast %add3A_938 : i32 to vector<16xi32>
        %add3A_940 = arith.addi %mul3A_897, %add3A_939 : vector<16xi32>
        %gather3A_941 = tpu.vector_load_idx %arg6[%add3A_940] : memref<720xf32, #tpu.memory_space<vmem>>[vector<16xi32>], vector<16xf32>,
        %convert_element_type3A_942 = arith.fptosi %gather3A_941 : vector<16xf32> to vector<16xi32>
        %add3A_943 = arith.constant 8 : i32
        %add3A_944 = vector.broadcast %add3A_943 : i32 to vector<16xi32>
        %add3A_945 = arith.addi %mul3A_897, %add3A_944 : vector<16xi32>
        %gather3A_946 = tpu.vector_load_idx %arg6[%add3A_945] : memref<720xf32, #tpu.memory_space<vmem>>[vector<16xi32>], vector<16xf32>,
        %convert_element_type3A_947 = arith.fptosi %gather3A_946 : vector<16xf32> to vector<16xi32>
        %sub3A_948 = arith.constant 2017 : i32
        %sub3A_949 = vector.broadcast %sub3A_948 : i32 to vector<16xi32>
        %sub3A_950 = arith.subi %convert_element_type3A_932, %sub3A_949 : vector<16xi32>
        %ge3A_951 = arith.constant 9 : i32
        %ge3A_952 = vector.broadcast %ge3A_951 : i32 to vector<16xi32>
        %ge3A_953 = arith.cmpi sge, %convert_element_type3A_937, %ge3A_952 : vector<16xi32>
        %sub3A_954 = arith.constant 9 : i32
        %sub3A_955 = vector.broadcast %sub3A_954 : i32 to vector<16xi32>
        %sub3A_956 = arith.subi %convert_element_type3A_937, %sub3A_955 : vector<16xi32>
        %add3A_957 = arith.constant 3 : i32
        %add3A_958 = vector.broadcast %add3A_957 : i32 to vector<16xi32>
        %add3A_959 = arith.addi %convert_element_type3A_937, %add3A_958 : vector<16xi32>
        %select_n3A_960 = arith.select %ge3A_953, %sub3A_956, %add3A_959 : vector<16xi1>, vector<16xi32>
        %mul3A_961 = arith.constant 6 : i32
        %mul3A_962 = vector.broadcast %mul3A_961 : i32 to vector<16xi32>
        %mul3A_963 = arith.muli %sub3A_950, %mul3A_962 : vector<16xi32>
        %add3A_964 = arith.addi %mul3A_963, %select_n3A_960 : vector<16xi32>
        %swap3A_965 = arith.constant 64 : index
        %swap3A_966 = tpu.vector_load %arg8[%swap3A_965] {strides = array<i32>} : memref<80xi32, #tpu.memory_space<vmem>>, vector<16xi32>,
        tpu.vector_store %arg8[%swap3A_965], %add3A_964 {strides = array<i32>} : memref<80xi32, #tpu.memory_space<vmem>>, vector<16xi32>,
        %mul3A_967 = arith.constant 8 : i32
        %mul3A_968 = vector.broadcast %mul3A_967 : i32 to vector<16xi32>
        %mul3A_969 = arith.muli %convert_element_type3A_947, %mul3A_968 : vector<16xi32>
        %sub3A_970 = arith.constant 9 : i32
        %sub3A_971 = vector.broadcast %sub3A_970 : i32 to vector<16xi32>
        %sub3A_972 = arith.subi %convert_element_type3A_942, %sub3A_971 : vector<16xi32>
        %add3A_973 = arith.addi %mul3A_969, %sub3A_972 : vector<16xi32>
        %add3A_974 = arith.constant 12 : i32
        %add3A_975 = vector.broadcast %add3A_974 : i32 to vector<16xi32>
        %add3A_976 = arith.addi %add3A_973, %add3A_975 : vector<16xi32>
        %swap3A_977 = arith.constant 64 : index
        %swap3A_978 = tpu.vector_load %arg10[%swap3A_977] {strides = array<i32>} : memref<80xi32, #tpu.memory_space<vmem>>, vector<16xi32>,
        tpu.vector_store %arg10[%swap3A_977], %add3A_976 {strides = array<i32>} : memref<80xi32, #tpu.memory_space<vmem>>, vector<16xi32>,
        %dma_start3A_979 = arith.constant 0 : i32
        %dma_start3A_980 = arith.constant 0 : i32
        %dma_start3A_981 = tpu.memref_slice %arg5[%dma_start3A_979, %dma_start3A_980] : memref<52x128xf32, #tpu.memory_space<vmem_shared>> -> memref<52x128xf32, #tpu.memory_space<vmem_shared>>
        tpu.enqueue_indirect_dma source(%dma_start3A_981 : memref<52x128xf32, #tpu.memory_space<vmem_shared>>) target(%arg12 : memref<80x128xf32, #tpu.memory_space<vmem>>) offsets(%arg8 : memref<80xi32, #tpu.memory_space<vmem>>) semaphore(%arg20 : memref<!tpu.dma_semaphore, #tpu.memory_space<semaphore_mem>>)
        %dma_start3A_982 = arith.constant 0 : i32
        %dma_start3A_983 = arith.constant 0 : i32
        %dma_start3A_984 = tpu.memref_slice %arg5[%dma_start3A_982, %dma_start3A_983] : memref<52x128xf32, #tpu.memory_space<vmem_shared>> -> memref<52x128xf32, #tpu.memory_space<vmem_shared>>
        tpu.enqueue_indirect_dma source(%dma_start3A_984 : memref<52x128xf32, #tpu.memory_space<vmem_shared>>) target(%arg14 : memref<80x128xf32, #tpu.memory_space<vmem>>) offsets(%arg10 : memref<80xi32, #tpu.memory_space<vmem>>) semaphore(%arg20 : memref<!tpu.dma_semaphore, #tpu.memory_space<semaphore_mem>>)
      } else {
      }
      %dma_wait3A_509 = arith.constant 0 : i32
      %dma_wait3A_510 = arith.constant 0 : i32
      %dma_wait3A_511 = tpu.memref_slice %arg5[%dma_wait3A_509, %dma_wait3A_510] : memref<52x128xf32, #tpu.memory_space<vmem_shared>> -> memref<52x128xf32, #tpu.memory_space<vmem_shared>>
      tpu.wait_indirect_dma semaphore(%arg21 : memref<!tpu.dma_semaphore, #tpu.memory_space<semaphore_mem>>) src(%dma_wait3A_511 : memref<52x128xf32, #tpu.memory_space<vmem_shared>>) dst(%arg13 : memref<80x128xf32, #tpu.memory_space<vmem>>)
      %dma_wait3A_512 = arith.constant 0 : i32
      %dma_wait3A_513 = arith.constant 0 : i32
      %dma_wait3A_514 = tpu.memref_slice %arg5[%dma_wait3A_512, %dma_wait3A_513] : memref<52x128xf32, #tpu.memory_space<vmem_shared>> -> memref<52x128xf32, #tpu.memory_space<vmem_shared>>
      tpu.wait_indirect_dma semaphore(%arg21 : memref<!tpu.dma_semaphore, #tpu.memory_space<semaphore_mem>>) src(%dma_wait3A_514 : memref<52x128xf32, #tpu.memory_space<vmem_shared>>) dst(%arg15 : memref<80x128xf32, #tpu.memory_space<vmem>>)
      %parallel_loop3A_515 = arith.constant 0 : i32
      %parallel_loop3A_516 = arith.constant 80 : i32
      %parallel_loop3A_517 = arith.constant 1 : i32
      scf.for %parallel_loop3A_530 = %parallel_loop3A_515 to %parallel_loop3A_516 step %parallel_loop3A_517  : i32 {
        %parallel_loop3A_531 = arith.index_cast %parallel_loop3A_530 : i32 to index
        %parallel_loop3A_532 = arith.constant 0 : index
        %parallel_loop3A_533 = tpu.vector_load %arg13[%parallel_loop3A_531, %parallel_loop3A_532] {strides = array<i32>} : memref<80x128xf32, #tpu.memory_space<vmem>>, vector<16xf32>,
        %parallel_loop3A_534 = arith.index_cast %parallel_loop3A_530 : i32 to index
        %parallel_loop3A_535 = arith.constant 5 : index
        %parallel_loop3A_536 = tpu.vector_load %arg17[%parallel_loop3A_534, %parallel_loop3A_535] {strides = array<i32>} : memref<80x261xf32, #tpu.memory_space<vmem>>, vector<16xf32>,
        tpu.vector_store %arg17[%parallel_loop3A_534, %parallel_loop3A_535], %parallel_loop3A_533 {strides = array<i32>} : memref<80x261xf32, #tpu.memory_space<vmem>>, vector<16xf32>,
        %parallel_loop3A_537 = arith.index_cast %parallel_loop3A_530 : i32 to index
        %parallel_loop3A_538 = arith.constant 16 : index
        %parallel_loop3A_539 = tpu.vector_load %arg13[%parallel_loop3A_537, %parallel_loop3A_538] {strides = array<i32>} : memref<80x128xf32, #tpu.memory_space<vmem>>, vector<16xf32>,
        %parallel_loop3A_540 = arith.index_cast %parallel_loop3A_530 : i32 to index
        %parallel_loop3A_541 = arith.constant 21 : index
        %parallel_loop3A_542 = tpu.vector_load %arg17[%parallel_loop3A_540, %parallel_loop3A_541] {strides = array<i32>} : memref<80x261xf32, #tpu.memory_space<vmem>>, vector<16xf32>,
        tpu.vector_store %arg17[%parallel_loop3A_540, %parallel_loop3A_541], %parallel_loop3A_539 {strides = array<i32>} : memref<80x261xf32, #tpu.memory_space<vmem>>, vector<16xf32>,
        %parallel_loop3A_543 = arith.index_cast %parallel_loop3A_530 : i32 to index
        %parallel_loop3A_544 = arith.constant 32 : index
        %parallel_loop3A_545 = tpu.vector_load %arg13[%parallel_loop3A_543, %parallel_loop3A_544] {strides = array<i32>} : memref<80x128xf32, #tpu.memory_space<vmem>>, vector<16xf32>,
        %parallel_loop3A_546 = arith.index_cast %parallel_loop3A_530 : i32 to index
        %parallel_loop3A_547 = arith.constant 37 : index
        %parallel_loop3A_548 = tpu.vector_load %arg17[%parallel_loop3A_546, %parallel_loop3A_547] {strides = array<i32>} : memref<80x261xf32, #tpu.memory_space<vmem>>, vector<16xf32>,
        tpu.vector_store %arg17[%parallel_loop3A_546, %parallel_loop3A_547], %parallel_loop3A_545 {strides = array<i32>} : memref<80x261xf32, #tpu.memory_space<vmem>>, vector<16xf32>,
        %parallel_loop3A_549 = arith.index_cast %parallel_loop3A_530 : i32 to index
        %parallel_loop3A_550 = arith.constant 48 : index
        %parallel_loop3A_551 = tpu.vector_load %arg13[%parallel_loop3A_549, %parallel_loop3A_550] {strides = array<i32>} : memref<80x128xf32, #tpu.memory_space<vmem>>, vector<16xf32>,
        %parallel_loop3A_552 = arith.index_cast %parallel_loop3A_530 : i32 to index
        %parallel_loop3A_553 = arith.constant 53 : index
        %parallel_loop3A_554 = tpu.vector_load %arg17[%parallel_loop3A_552, %parallel_loop3A_553] {strides = array<i32>} : memref<80x261xf32, #tpu.memory_space<vmem>>, vector<16xf32>,
        tpu.vector_store %arg17[%parallel_loop3A_552, %parallel_loop3A_553], %parallel_loop3A_551 {strides = array<i32>} : memref<80x261xf32, #tpu.memory_space<vmem>>, vector<16xf32>,
        %parallel_loop3A_555 = arith.index_cast %parallel_loop3A_530 : i32 to index
        %parallel_loop3A_556 = arith.constant 64 : index
        %parallel_loop3A_557 = tpu.vector_load %arg13[%parallel_loop3A_555, %parallel_loop3A_556] {strides = array<i32>} : memref<80x128xf32, #tpu.memory_space<vmem>>, vector<16xf32>,
        %parallel_loop3A_558 = arith.index_cast %parallel_loop3A_530 : i32 to index
        %parallel_loop3A_559 = arith.constant 69 : index
        %parallel_loop3A_560 = tpu.vector_load %arg17[%parallel_loop3A_558, %parallel_loop3A_559] {strides = array<i32>} : memref<80x261xf32, #tpu.memory_space<vmem>>, vector<16xf32>,
        tpu.vector_store %arg17[%parallel_loop3A_558, %parallel_loop3A_559], %parallel_loop3A_557 {strides = array<i32>} : memref<80x261xf32, #tpu.memory_space<vmem>>, vector<16xf32>,
        %parallel_loop3A_561 = arith.index_cast %parallel_loop3A_530 : i32 to index
        %parallel_loop3A_562 = arith.constant 80 : index
        %parallel_loop3A_563 = tpu.vector_load %arg13[%parallel_loop3A_561, %parallel_loop3A_562] {strides = array<i32>} : memref<80x128xf32, #tpu.memory_space<vmem>>, vector<16xf32>,
        %parallel_loop3A_564 = arith.index_cast %parallel_loop3A_530 : i32 to index
        %parallel_loop3A_565 = arith.constant 85 : index
        %parallel_loop3A_566 = tpu.vector_load %arg17[%parallel_loop3A_564, %parallel_loop3A_565] {strides = array<i32>} : memref<80x261xf32, #tpu.memory_space<vmem>>, vector<16xf32>,
        tpu.vector_store %arg17[%parallel_loop3A_564, %parallel_loop3A_565], %parallel_loop3A_563 {strides = array<i32>} : memref<80x261xf32, #tpu.memory_space<vmem>>, vector<16xf32>,
        %parallel_loop3A_567 = arith.index_cast %parallel_loop3A_530 : i32 to index
        %parallel_loop3A_568 = arith.constant 96 : index
        %parallel_loop3A_569 = tpu.vector_load %arg13[%parallel_loop3A_567, %parallel_loop3A_568] {strides = array<i32>} : memref<80x128xf32, #tpu.memory_space<vmem>>, vector<16xf32>,
        %parallel_loop3A_570 = arith.index_cast %parallel_loop3A_530 : i32 to index
        %parallel_loop3A_571 = arith.constant 101 : index
        %parallel_loop3A_572 = tpu.vector_load %arg17[%parallel_loop3A_570, %parallel_loop3A_571] {strides = array<i32>} : memref<80x261xf32, #tpu.memory_space<vmem>>, vector<16xf32>,
        tpu.vector_store %arg17[%parallel_loop3A_570, %parallel_loop3A_571], %parallel_loop3A_569 {strides = array<i32>} : memref<80x261xf32, #tpu.memory_space<vmem>>, vector<16xf32>,
        %parallel_loop3A_573 = arith.index_cast %parallel_loop3A_530 : i32 to index
        %parallel_loop3A_574 = arith.constant 0 : index
        %parallel_loop3A_575 = tpu.vector_load %arg15[%parallel_loop3A_573, %parallel_loop3A_574] {strides = array<i32>} : memref<80x128xf32, #tpu.memory_space<vmem>>, vector<16xf32>,
        %parallel_loop3A_576 = arith.index_cast %parallel_loop3A_530 : i32 to index
        %parallel_loop3A_577 = arith.constant 133 : index
        %parallel_loop3A_578 = tpu.vector_load %arg17[%parallel_loop3A_576, %parallel_loop3A_577] {strides = array<i32>} : memref<80x261xf32, #tpu.memory_space<vmem>>, vector<16xf32>,
        tpu.vector_store %arg17[%parallel_loop3A_576, %parallel_loop3A_577], %parallel_loop3A_575 {strides = array<i32>} : memref<80x261xf32, #tpu.memory_space<vmem>>, vector<16xf32>,
        %parallel_loop3A_579 = arith.index_cast %parallel_loop3A_530 : i32 to index
        %parallel_loop3A_580 = arith.constant 16 : index
        %parallel_loop3A_581 = tpu.vector_load %arg15[%parallel_loop3A_579, %parallel_loop3A_580] {strides = array<i32>} : memref<80x128xf32, #tpu.memory_space<vmem>>, vector<16xf32>,
        %parallel_loop3A_582 = arith.index_cast %parallel_loop3A_530 : i32 to index
        %parallel_loop3A_583 = arith.constant 149 : index
        %parallel_loop3A_584 = tpu.vector_load %arg17[%parallel_loop3A_582, %parallel_loop3A_583] {strides = array<i32>} : memref<80x261xf32, #tpu.memory_space<vmem>>, vector<16xf32>,
        tpu.vector_store %arg17[%parallel_loop3A_582, %parallel_loop3A_583], %parallel_loop3A_581 {strides = array<i32>} : memref<80x261xf32, #tpu.memory_space<vmem>>, vector<16xf32>,
        %parallel_loop3A_585 = arith.index_cast %parallel_loop3A_530 : i32 to index
        %parallel_loop3A_586 = arith.constant 32 : index
        %parallel_loop3A_587 = tpu.vector_load %arg15[%parallel_loop3A_585, %parallel_loop3A_586] {strides = array<i32>} : memref<80x128xf32, #tpu.memory_space<vmem>>, vector<16xf32>,
        %parallel_loop3A_588 = arith.index_cast %parallel_loop3A_530 : i32 to index
        %parallel_loop3A_589 = arith.constant 165 : index
        %parallel_loop3A_590 = tpu.vector_load %arg17[%parallel_loop3A_588, %parallel_loop3A_589] {strides = array<i32>} : memref<80x261xf32, #tpu.memory_space<vmem>>, vector<16xf32>,
        tpu.vector_store %arg17[%parallel_loop3A_588, %parallel_loop3A_589], %parallel_loop3A_587 {strides = array<i32>} : memref<80x261xf32, #tpu.memory_space<vmem>>, vector<16xf32>,
        %parallel_loop3A_591 = arith.index_cast %parallel_loop3A_530 : i32 to index
        %parallel_loop3A_592 = arith.constant 48 : index
        %parallel_loop3A_593 = tpu.vector_load %arg15[%parallel_loop3A_591, %parallel_loop3A_592] {strides = array<i32>} : memref<80x128xf32, #tpu.memory_space<vmem>>, vector<16xf32>,
        %parallel_loop3A_594 = arith.index_cast %parallel_loop3A_530 : i32 to index
        %parallel_loop3A_595 = arith.constant 181 : index
        %parallel_loop3A_596 = tpu.vector_load %arg17[%parallel_loop3A_594, %parallel_loop3A_595] {strides = array<i32>} : memref<80x261xf32, #tpu.memory_space<vmem>>, vector<16xf32>,
        tpu.vector_store %arg17[%parallel_loop3A_594, %parallel_loop3A_595], %parallel_loop3A_593 {strides = array<i32>} : memref<80x261xf32, #tpu.memory_space<vmem>>, vector<16xf32>,
        %parallel_loop3A_597 = arith.index_cast %parallel_loop3A_530 : i32 to index
        %parallel_loop3A_598 = arith.constant 64 : index
        %parallel_loop3A_599 = tpu.vector_load %arg15[%parallel_loop3A_597, %parallel_loop3A_598] {strides = array<i32>} : memref<80x128xf32, #tpu.memory_space<vmem>>, vector<16xf32>,
        %parallel_loop3A_600 = arith.index_cast %parallel_loop3A_530 : i32 to index
        %parallel_loop3A_601 = arith.constant 197 : index
        %parallel_loop3A_602 = tpu.vector_load %arg17[%parallel_loop3A_600, %parallel_loop3A_601] {strides = array<i32>} : memref<80x261xf32, #tpu.memory_space<vmem>>, vector<16xf32>,
        tpu.vector_store %arg17[%parallel_loop3A_600, %parallel_loop3A_601], %parallel_loop3A_599 {strides = array<i32>} : memref<80x261xf32, #tpu.memory_space<vmem>>, vector<16xf32>,
        %parallel_loop3A_603 = arith.index_cast %parallel_loop3A_530 : i32 to index
        %parallel_loop3A_604 = arith.constant 80 : index
        %parallel_loop3A_605 = tpu.vector_load %arg15[%parallel_loop3A_603, %parallel_loop3A_604] {strides = array<i32>} : memref<80x128xf32, #tpu.memory_space<vmem>>, vector<16xf32>,
        %parallel_loop3A_606 = arith.index_cast %parallel_loop3A_530 : i32 to index
        %parallel_loop3A_607 = arith.constant 213 : index
        %parallel_loop3A_608 = tpu.vector_load %arg17[%parallel_loop3A_606, %parallel_loop3A_607] {strides = array<i32>} : memref<80x261xf32, #tpu.memory_space<vmem>>, vector<16xf32>,
        tpu.vector_store %arg17[%parallel_loop3A_606, %parallel_loop3A_607], %parallel_loop3A_605 {strides = array<i32>} : memref<80x261xf32, #tpu.memory_space<vmem>>, vector<16xf32>,
        %parallel_loop3A_609 = arith.index_cast %parallel_loop3A_530 : i32 to index
        %parallel_loop3A_610 = arith.constant 96 : index
        %parallel_loop3A_611 = tpu.vector_load %arg15[%parallel_loop3A_609, %parallel_loop3A_610] {strides = array<i32>} : memref<80x128xf32, #tpu.memory_space<vmem>>, vector<16xf32>,
        %parallel_loop3A_612 = arith.index_cast %parallel_loop3A_530 : i32 to index
        %parallel_loop3A_613 = arith.constant 229 : index
        %parallel_loop3A_614 = tpu.vector_load %arg17[%parallel_loop3A_612, %parallel_loop3A_613] {strides = array<i32>} : memref<80x261xf32, #tpu.memory_space<vmem>>, vector<16xf32>,
        tpu.vector_store %arg17[%parallel_loop3A_612, %parallel_loop3A_613], %parallel_loop3A_611 {strides = array<i32>} : memref<80x261xf32, #tpu.memory_space<vmem>>, vector<16xf32>,
        %parallel_loop3A_615 = vector.broadcast %parallel_loop3A_530 : i32 to vector<16xi32>
        %parallel_loop3A_616 = arith.constant 117 : i32
        %parallel_loop3A_617 = vector.broadcast %parallel_loop3A_616 : i32 to vector<16xi32>
        %parallel_loop3A_618 = arith.addi %iota3A, %parallel_loop3A_617 : vector<16xi32>
        %parallel_loop3A_619 = arith.index_cast %parallel_loop3A_530 : i32 to index
        %parallel_loop3A_620 = arith.constant 112 : index
        %parallel_loop3A_621 = tpu.vector_load %arg13[%parallel_loop3A_619, %parallel_loop3A_620] {strides = array<i32>} : memref<80x128xf32, #tpu.memory_space<vmem>>, vector<16xf32>,
        tpu.vector_store_idx %arg17[%parallel_loop3A_615, %parallel_loop3A_618], %parallel_loop3A_621 : memref<80x261xf32, #tpu.memory_space<vmem>>[vector<16xi32>, vector<16xi32>], vector<16xf32>,
        %parallel_loop3A_622 = arith.constant 245 : i32
        %parallel_loop3A_623 = vector.broadcast %parallel_loop3A_622 : i32 to vector<16xi32>
        %parallel_loop3A_624 = arith.addi %iota3A, %parallel_loop3A_623 : vector<16xi32>
        %parallel_loop3A_625 = arith.index_cast %parallel_loop3A_530 : i32 to index
        %parallel_loop3A_626 = arith.constant 112 : index
        %parallel_loop3A_627 = tpu.vector_load %arg15[%parallel_loop3A_625, %parallel_loop3A_626] {strides = array<i32>} : memref<80x128xf32, #tpu.memory_space<vmem>>, vector<16xf32>,
        tpu.vector_store_idx %arg17[%parallel_loop3A_615, %parallel_loop3A_624], %parallel_loop3A_627 : memref<80x261xf32, #tpu.memory_space<vmem>>[vector<16xi32>, vector<16xi32>], vector<16xf32>,
      } {sc.loop_unroll_factor = 2 : i64, sc.parallel_access}
      %mul3A_518 = arith.constant 80 : i32
      %mul3A_519 = arith.muli %add3A_503, %mul3A_518 : i32
      %add3A_520 = arith.addi %mul3A_2, %mul3A_519 : i32
      %dma_start3A_521 = arith.constant 0 : i32
      %dma_start3A_522 = tpu.memref_slice %arg4[%add3A_520, %dma_start3A_521] : memref<819200x261xf32, #tpu.memory_space<hbm>> -> memref<80x261xf32, #tpu.memory_space<hbm>>
      %dma_start3A_523 = arith.constant 0 : i32
      %dma_start3A_524 = tpu.memref_slice %arg4[%add3A_520, %dma_start3A_523] : memref<819200x261xf32, #tpu.memory_space<hbm>> -> memref<80x261xf32, #tpu.memory_space<hbm>>
      tpu.enqueue_dma source(%arg17 : memref<80x261xf32, #tpu.memory_space<vmem>>) target(%dma_start3A_524 : memref<80x261xf32, #tpu.memory_space<hbm>>) target_semaphore(%arg23 : memref<!tpu.dma_semaphore, #tpu.memory_space<semaphore_mem>>)
      %lt3A_525 = arith.constant 318 : i32
      %lt3A_526 = arith.cmpi slt, %add3A_503, %lt3A_525 : i32
      %convert_element_type3A_527 = arith.extui %lt3A_526 : i1 to i32
      %cond3A_528 = arith.constant 0 : i32
      %cond3A_529 = arith.cmpi ne, %convert_element_type3A_527, %cond3A_528 : i32
      scf.if %cond3A_529 {
        %add3A_530 = arith.constant 2 : i32
        %add3A_531 = arith.addi %add3A_503, %add3A_530 : i32
        %mul3A_532 = arith.constant 80 : i32
        %mul3A_533 = arith.muli %add3A_531, %mul3A_532 : i32
        %add3A_534 = arith.addi %mul3A_2, %mul3A_533 : i32
        %mul3A_535 = arith.constant 9 : i32
        %mul3A_536 = arith.muli %add3A_534, %mul3A_535 : i32
        %dma_start3A_537 = tpu.memref_slice %arg2[%mul3A_536] : memref<7372800xf32, #tpu.memory_space<hbm>> -> memref<720xf32, #tpu.memory_space<hbm>>
        %dma_start3A_538 = tpu.memref_slice %arg2[%mul3A_536] : memref<7372800xf32, #tpu.memory_space<hbm>> -> memref<720xf32, #tpu.memory_space<hbm>>
        tpu.enqueue_dma source(%dma_start3A_538 : memref<720xf32, #tpu.memory_space<hbm>>) target(%arg7 : memref<720xf32, #tpu.memory_space<vmem>>) target_semaphore(%arg19 : memref<!tpu.dma_semaphore, #tpu.memory_space<semaphore_mem>>)
      } else {
      }
    }
    %scan3A_460 = arith.constant 160 : i32
    %add3A_461 = arith.constant 25440 : i32
    %add3A_462 = arith.addi %mul3A_2, %add3A_461 : i32
    %dma_wait3A_463 = arith.constant 0 : i32
    %dma_wait3A_464 = tpu.memref_slice %arg4[%add3A_462, %dma_wait3A_463] : memref<819200x261xf32, #tpu.memory_space<hbm>> -> memref<80x261xf32, #tpu.memory_space<hbm>>
    %dma_wait3A_465 = arith.constant 0 : i32
    %dma_wait3A_466 = tpu.memref_slice %arg4[%add3A_462, %dma_wait3A_465] : memref<819200x261xf32, #tpu.memory_space<hbm>> -> memref<80x261xf32, #tpu.memory_space<hbm>>
    tpu.wait_dma2 semaphore(%arg22 : memref<!tpu.dma_semaphore, #tpu.memory_space<semaphore_mem>>) src(%arg16 : memref<80x261xf32, #tpu.memory_space<vmem>>) dst(%dma_wait3A_466 : memref<80x261xf32, #tpu.memory_space<hbm>>)
    %add3A_467 = arith.constant 25520 : i32
    %add3A_468 = arith.addi %mul3A_2, %add3A_467 : i32
    %dma_wait3A_469 = arith.constant 0 : i32
    %dma_wait3A_470 = tpu.memref_slice %arg4[%add3A_468, %dma_wait3A_469] : memref<819200x261xf32, #tpu.memory_space<hbm>> -> memref<80x261xf32, #tpu.memory_space<hbm>>
    %dma_wait3A_471 = arith.constant 0 : i32
    %dma_wait3A_472 = tpu.memref_slice %arg4[%add3A_468, %dma_wait3A_471] : memref<819200x261xf32, #tpu.memory_space<hbm>> -> memref<80x261xf32, #tpu.memory_space<hbm>>
    tpu.wait_dma2 semaphore(%arg23 : memref<!tpu.dma_semaphore, #tpu.memory_space<semaphore_mem>>) src(%arg17 : memref<80x261xf32, #tpu.memory_space<vmem>>) dst(%dma_wait3A_472 : memref<80x261xf32, #tpu.memory_space<hbm>>)
    return
  }
}

</mosaic_0001>

<sc_bundles>
// kernel: _run.3.cloned.1.call-start
scs
__scs_entry_jumppad:
0x0: {  	(pc) =	sbr.rel $0x88, $3  }
0x1: {  	(tag) =	ssettag $0x0;
	lr =	simm.s32 $0x1  }
0x2: {  	[smem:$0x3F9F] =	sst lr;
	_ =	strace $0xD0000000  }
0x3: {  	_ = 	snop  }
0x4: {  	_ = 	snop  }
0x5: {  	_ = 	snop  }
0x6: {  	_ = 	snop  }
0x7: {  	_ = 	snop  }
__scs_overlays_trampoline_lowered:
0x8: {  	[smem:$0x3FAE] =	sst s0  }
0x9: {  	[smem:$0x3FAF] =	sst s1  }
0xa: {  	[smem:$0x3FB0] =	sst s2  }
0xb: {  	[smem:$0x3FB1] =	sst s3  }
0xc: {  	[smem:$0x3FB2] =	sst s4  }
0xd: {  	[smem:$0x3FB3] =	sst s5  }
0xe: {  	[smem:$0x3FB4] =	sst s6  }
0xf: {  	[smem:$0x3FB5] =	sst s7  }
0x10: {  	[smem:$0x3FB6] =	sst s8  }
0x11: {  	[smem:$0x3FB7] =	sst s9;
	s0 =	simm.s32 @!p0 $0x0  }
0x12: {  	s1 =	sld [smem:$0x3F9D];
	s0 =	simm.s32 @p0 $0x1  }
0x13: {  	[smem:$0x3FB8] =	sst s0;
	s0 =	simm.s32 @!p1 $0x0  }
0x14: {  	s2 =	sld [smem:$0x3F9C];
	s0 =	simm.s32 @p1 $0x1  }
0x15: {  	[smem:$0x3FB9] =	sst s0;
	s0 =	simm.s32 @!p2 $0x0  }
0x16: {  	s3 =	sld [smem:$0x3FDB];
	s0 =	simm.s32 @p2 $0x1  }
0x17: {  	s4 =	simm.s32 $0x1BF5;
	[smem:$0x3FBB] =	sst s0  }
0x18: {  	s0 =	sld [smem:$0x3F9E];
	_ =	swait.ge [sflag:s4], $0x0  }
0x19: {  	s7 =	sld [smem:$0x3F9F]  }
0x1a: {  	s8 =	sadd.s32 $0xFFFFE003, lr  }
0x1b: {  	s9 =	sadd.s32 $0xFFFFFEF7, lr;
	s5 =	simm.s32 $0xFFFFFFFF;
	p2 =	slt.u32 s8, $0xFFFFF086  }
0x1c: {  	p1 =	slt.u32 s9, $0xF7A;
	s5 =	simm.s32 @!p2 $0x0  }
0x1d: {  	s5 =	simm.s32 @p1 $0x1;
	p0 =	seq.s32 s7, s2  }
0x1e: {  	s7 =	smul.u32 @!p0 $0xF7A, s2;
	p2 =	seq.s32 @!p0 s5, $0x0  }
0x1f: {  	s9 =	smul.u32 $0xF7A, s1;
	s8 =	simm.s32 @!p0 $0x1BF5;
	p2 =	por !p2, p0  }
0x20: {  	[sflag:s8] =	ssyncset.s32 @!p0 $0xFFFFF086;
	s6 =	sadd.s32 @!p0 s3, s7;
	s7 =	simm.s32 @!p0 $0x108  }
0x21: {  	s3 =	sadd.s32 s3, s9;
	s6 =	sadd.s32 @!p0 $0x88, s6;
	s7 =	simm.s32 @p2 $0x1082  }
0x22: {  	[simem:s7], [sflag:s8] =	dma.local @!p0 [hbm:s6], $0xF7A  }
0x23: {  	s9 =	sor.u32 $0xD0000000, s2;
	s6 =	simm.s32 $0x108;
	_ =	swait.ge @!p0 [sflag:s8], $0x0  }
0x24: {  	s3 =	sadd.s32 $0x88, s3;
	s6 =	simm.s32 @!p1 $0x1082;
	[sflag:s4] =	ssyncset.s32 $0xFFFFF086  }
0x25: {  	[simem:s6], [sflag:s4] =	dma.local [hbm:s3], $0xF7A  }
0x26: {  	[smem:$0x3F9F] =	sst s1;
	(tag) =	ssettag s2;
	_ =	strace s9  }
0x27: {  	s1 =	sld [smem:$0x3FAF]  }
0x28: {  	s2 =	sld [smem:$0x3FB0]  }
0x29: {  	s4 =	sld [smem:$0x3FB2]  }
0x2a: {  	p0 =	seq.s32 s5, $0x0;
	s5 =	sld [smem:$0x3FB3]  }
0x2b: {  	s6 =	sld [smem:$0x3FB4]  }
0x2c: {  	s7 =	sld [smem:$0x3FB5]  }
0x2d: {  	s3 =	simm.s32 $0x108;
	s8 =	sld [smem:$0x3FB6]  }
0x2e: {  	s3 =	simm.s32 @!p0 $0x1082;
	s9 =	sld [smem:$0x3FB7]  }
0x2f: {  	lr =	sadd.s32 s0, s3;
	s0 =	sld [smem:$0x3FAE]  }
0x30: {  	s3 =	sld [smem:$0x3FB1]  }
0x31: {  	[smem:$0x3FBA] =	sst s10  }
0x32: {  	s10 =	sld [smem:$0x3FB8];
	_ =	sdelay $0x3  }
0x33: {  	p0 =	seq.s32 s10, $0x1;
	s10 =	sld [smem:$0x3FBA];
	_ =	sdelay $0x3  }
0x34: {  	[smem:$0x3FBA] =	sst s10  }
0x35: {  	s10 =	sld [smem:$0x3FB9];
	_ =	sdelay $0x3  }
0x36: {  	p1 =	seq.s32 s10, $0x1;
	s10 =	sld [smem:$0x3FBA];
	_ =	sdelay $0x3  }
0x37: {  	[smem:$0x3FBA] =	sst s10  }
0x38: {  	s10 =	sld [smem:$0x3FBB]  }
0x39: {  	_ = 	snop;
	(pc) =	sbr.ind lr, $3  }
0x3a: {  	_ = 	snop  }
0x3b: {  	_ = 	snop  }
0x3c: {  	p2 =	seq.s32 s10, $0x1;
	s10 =	sld [smem:$0x3FBA]  }
0x3d: {  	_ =	shalt  }
0x3e: {  	_ =	shalt  }
0x3f: {  	_ =	shalt  }
0x40: {  	_ =	shalt  }
0x41: {  	_ =	shalt  }
0x42: {  	_ =	shalt  }
0x43: {  	_ =	shalt  }
0x44: {  	_ =	shalt  }
0x45: {  	_ =	shalt  }
0x46: {  	_ =	shalt  }
0x47: {  	_ =	shalt  }
0x48: {  	_ =	shalt  }
0x49: {  	_ =	shalt  }
0x4a: {  	_ =	shalt  }
0x4b: {  	_ =	shalt  }
0x4c: {  	_ =	shalt  }
0x4d: {  	_ =	shalt  }
0x4e: {  	_ =	shalt  }
0x4f: {  	_ =	shalt  }
0x50: {  	_ =	shalt  }
0x51: {  	_ =	shalt  }
0x52: {  	_ =	shalt  }
0x53: {  	_ =	shalt  }
0x54: {  	_ =	shalt  }
0x55: {  	_ =	shalt  }
0x56: {  	_ =	shalt  }
0x57: {  	_ =	shalt  }
0x58: {  	_ =	shalt  }
0x59: {  	_ =	shalt  }
0x5a: {  	_ =	shalt  }
0x5b: {  	_ =	shalt  }
0x5c: {  	_ =	shalt  }
0x5d: {  	_ =	shalt  }
0x5e: {  	_ =	shalt  }
0x5f: {  	_ =	shalt  }
0x60: {  	_ =	shalt  }
0x61: {  	_ =	shalt  }
0x62: {  	_ =	shalt  }
0x63: {  	_ =	shalt  }
0x64: {  	_ =	shalt  }
0x65: {  	_ =	shalt  }
0x66: {  	_ =	shalt  }
0x67: {  	_ =	shalt  }
0x68: {  	_ =	shalt  }
0x69: {  	_ =	shalt  }
0x6a: {  	_ =	shalt  }
0x6b: {  	_ =	shalt  }
0x6c: {  	_ =	shalt  }
0x6d: {  	_ =	shalt  }
0x6e: {  	_ =	shalt  }
0x6f: {  	_ =	shalt  }
0x70: {  	_ =	shalt  }
0x71: {  	_ =	shalt  }
0x72: {  	_ =	shalt  }
0x73: {  	_ =	shalt  }
0x74: {  	_ =	shalt  }
0x75: {  	_ =	shalt  }
0x76: {  	_ =	shalt  }
0x77: {  	_ =	shalt  }
0x78: {  	_ =	shalt  }
0x79: {  	_ =	shalt  }
0x7a: {  	_ =	shalt  }
0x7b: {  	_ =	shalt  }
0x7c: {  	_ =	shalt  }
0x7d: {  	_ =	shalt  }
0x7e: {  	_ =	shalt  }
0x7f: {  	_ =	shalt  }
0x80: {  	_ =	shalt  }
0x81: {  	_ =	shalt  }
0x82: {  	_ =	shalt  }
0x83: {  	_ =	shalt  }
0x84: {  	_ =	shalt  }
0x85: {  	_ =	shalt  }
0x86: {  	_ =	shalt  }
0x87: {  	_ =	shalt  }
.Lfunc_end0:
.L_simem_size_0:
called_computation_lowered:
.L_overlay_start_0:
0x88: {  	s2 =	sld [smem:$0x3FD9]  }
0x89: {  	s3 =	sld [smem:$0x3FFE];
	_ =	sdelay $0x1  }
0x8a: {  	s1 =	srdreg.scid  }
0x8b: {  	s0 =	sand.u32 $0x1, s1  }
0x8c: {  	s17 =	sshll.u32 s0, $0xA;
	s2 =	sadd.s32 s3, s2  }
0x8d: {  	s2 =	sadd.s32 s2, s17  }
0x8e: {  	[smem:$0x3FC6] =	sst s2  }
0x8f: {  	_ = 	snop  }
0x90: {  	s2 =	sld [smem:$0x3FC9]  }
0x91: {  	s18 =	sld [smem:$0x3FC8];
	(tm) =	ssettm $0x1  }
0x92: {  	s4 =	sld [smem:$0x3FFB];
	_ =	sdelay $0x3  }
0x93: {  	_ =	strace s4  }
0x94: {  	s4 =	sld [smem:$0x3FFC];
	_ =	sdelay $0x3  }
0x95: {  	_ =	strace s4  }
0x96: {  	s4 =	sld [smem:$0x3FFD];
	_ =	sdelay $0x3  }
0x97: {  	_ =	strace s4  }
0x98: {  	_ =	strace $0x8FFFFFFF  }
0x99: {  	s19 =	sld [smem:$0x3FDB];
	_ =	sdelay $0x1  }
0x9a: {  	s5 =	simm.s32 $_scs_section_size  }
0x9b: {  	s6 =	simm.s32 $_size__tile_overlayer_lowered;
	s7 =	simm.s32 $_tile_overlayer_lowered  }
0x9c: {  	s22 =	simm.s32 $0x1BFF;
	s21 =	sshll.u32 s7, $0x1;
	s4 =	sadd.s32 s5, s19  }
0x9d: {  	s8 =	simm.s32 $0x0;
	s20 =	sshll.u32 s6, $0x1;
	s6 =	sadd.s32 s21, s4  }
0x9e: {  	[timem:s8], [sflag:s22] =	dma.local [hbm:s6], s20  }
0x9f: {  	_ =	swait.ge [sflag:s22], s20  }
0xa0: {  	s5 =	ssub.s32 $0x0, s20;
	[sflag:s22] =	ssyncset.done $0x0  }
0xa1: {  	[sflag:s22] =	ssyncadd.s32 s5;
	_ =	sdelay $0x1  }
0xa2: {  	s23 =	simm.s32 $0x1B8B  }
0xa3: {  	_ =	swait.ge [sflag:s23], $0x1  }
0xa4: {  	[sflag:s23] =	ssyncset.done $0x0  }
0xa5: {  	s25 =	simm.s32 $0x1B8E;
	s24 =	sld [smem:$0x3FFE];
	[sflag:s23] =	ssyncadd.s32 $0xFFFFFFFF  }
0xa6: {  	s26 =	simm.s32 $execute0_lowered;
	[smem:$0x3FD2] =	sst s25  }
0xa7: {  	s6 =	sshll.u32 s26, $0x1;
	_ =	strace $0x80000046;
	[dreg:$0x1] =	wrdreg $0xFFFFFFFF  }
0xa8: {  	s28 =	simm.s32 $_size_execute0_lowered;
	s4 =	sadd.s32 s4, s6;
	[dreg:$0x0] =	wrdreg $0x0  }
0xa9: {  	s6 =	sshll.u32 s28, $0x1;
	[dreg:$0x2] =	wrdreg s4  }
0xaa: {  	[dreg:$0x3] =	wrdreg s6  }
0xab: {  	[dreg:$0x4] =	wrdreg $0xC0  }
0xac: {  	_ =	task [dreg:s8], $0x5FFFF  }
0xad: {  	[dreg:$0x1] =	wrdreg $0xFFFFFFFF  }
0xae: {  	[dreg:$0x0] =	wrdreg $0x60  }
0xaf: {  	[dreg:$0x2] =	wrdreg s2  }
0xb0: {  	[dreg:$0x3] =	wrdreg s18  }
0xb1: {  	[dreg:$0x4] =	wrdreg s24  }
0xb2: {  	[dreg:$0x5] =	wrdreg $0x0  }
0xb3: {  	[dreg:$0x6] =	wrdreg $0x9  }
0xb4: {  	_ =	task.clear_ibuf [dreg:s8], $0x7FFFF;
	_ =	strace $0x90000046  }
0xb5: {  	s29 =	simm.s32 $0x9;
	_ =	strace $0x80000048  }
0xb6: {  	_ =	swait.ge [sflag:s29], $0x1  }
0xb7: {  	[sflag:s29] =	ssyncadd.s32 $0xFFFFFFFF  }
0xb8: {  	_ =	strace $0x90000048  }
0xb9: {  	_ =	sfence  }
0xba: {  	s30 =	sld [smem:$0x0];
	_ =	sdelay $0x2  }
0xbb: {  	s31 =	sshll.u32 s1, $0xD;
	s1 =	sshrl.u32 s1, $0x2  }
0xbc: {  	s3 =	sand.u32 $0x4000, s31;
	s1 =	sadd.s32 s1, s30  }
0xbd: {  	s0 =	sor.u32 s3, s0;
	s1 =	sshll.u32 s1, $0x11  }
0xbe: {  	s0 =	sor.u32 s1, s0  }
0xbf: {  	s0 =	sadd.s32 $0x8F2B, s0  }
0xc0: {  	[sflag:s0] =	ssyncadd.remote.s32 $0x1  }
0xc1: {  	_ =	sfence.sel $0xFFFF  }
0xc2: {  	[dreg:$0x0] =	wrdreg $0xFFFFFFFF;
	(pc) =	sbr.abs _section_cstart, $3  }
0xc3: {  	[dreg:$0x1] =	wrdreg $0xFFFFFFFF  }
0xc4: {  	_ =	task.clear_ibuf [dreg:s8], $0x2FFFF;
	_ =	strace $0x9FFFFFFF  }
0xc5: {  	(tm) =	ssettm $0x7FFFFFFF  }
tec
execute0_lowered:
.L_overlay_start_1:
0x0: {  	(tag) =	ssettag $0x1  }
0x1: {  	v0 =	vimm.s32 $0xF80;
	vm14 =	vcmask $0x300  }
0x2: {  	vm13 =	vcmask $0x704;
	v0 =	vsel vm14, $0x0, v0  }
0x3: {  	vm12 =	vcmask $0xB08;
	v0 =	vsel vm13, $0x80, v0  }
0x4: {  	vm11 =	vcmask $0xF0C;
	v0 =	vsel vm12, $0x100, v0  }
0x5: {  	v1 =	vlaneseq.u32;
	vm10 =	vcmask $0x1310;
	v2 =	vsel vm11, $0x180, v0  }
0x6: {  	vm9 =	vcmask $0x1714;
	v0 =	vmul.u32 $0x9, v1;
	v1 =	vsel vm10, $0x200, v2  }
0x7: {  	vm8 =	vcmask $0x1B18;
	v1 =	vsel vm9, $0x280, v1  }
0x8: {  	vm7 =	vcmask $0x1F1C;
	v2 =	vimm.s32 $0xF81;
	v1 =	vsel vm8, $0x300, v1  }
0x9: {  	vm6 =	vcmask $0x2320;
	v2 =	vsel vm14, $0x1, v2;
	v1 =	vsel vm7, $0x380, v1  }
0xa: {  	vm5 =	vcmask $0x2724;
	v2 =	vsel vm13, $0x81, v2;
	v1 =	vsel vm6, $0xC00, v1  }
0xb: {  	vm4 =	vcmask $0x2B28;
	v2 =	vsel vm12, $0x101, v2;
	v1 =	vsel vm5, $0xC80, v1  }
0xc: {  	vm0 =	vcmask $0x2F2C;
	v2 =	vsel vm11, $0x181, v2;
	v1 =	vsel vm4, $0xD00, v1  }
0xd: {  	vm1 =	vcmask $0x3330;
	v2 =	vsel vm10, $0x201, v2;
	v1 =	vsel vm0, $0xD80, v1  }
0xe: {  	vm2 =	vcmask $0x3734;
	v2 =	vsel vm9, $0x281, v2;
	v1 =	vsel vm1, $0xE00, v1  }
0xf: {  	vm3 =	vcmask $0x3B38;
	v2 =	vsel vm8, $0x301, v2;
	v1 =	vsel vm2, $0xE80, v1  }
0x10: {  	v2 =	vsel vm7, $0x381, v2;
	v1 =	vsel vm3, $0xF00, v1  }
0x11: {  	[tilespmem:$0x1FDF0] =	vst v1;
	v1 =	vsel vm6, $0xC01, v2  }
0x12: {  	v2 =	vimm.s32 $0xF82;
	v1 =	vsel vm5, $0xC81, v1  }
0x13: {  	v2 =	vsel vm14, $0x2, v2;
	v1 =	vsel vm4, $0xD01, v1  }
0x14: {  	v3 =	vadd.s32 $0x1, v0;
	v2 =	vsel vm13, $0x82, v2;
	v1 =	vsel vm0, $0xD81, v1  }
0x15: {  	[tilespmem:$0x1FE00] =	vst v3;
	v3 =	vimm.s32 $0xF83;
	v2 =	vsel vm12, $0x102, v2;
	v1 =	vsel vm1, $0xE01, v1  }
0x16: {  	v3 =	vsel vm14, $0x3, v3;
	v2 =	vsel vm11, $0x182, v2;
	v1 =	vsel vm2, $0xE81, v1  }
0x17: {  	v3 =	vsel vm13, $0x83, v3;
	v2 =	vsel vm10, $0x202, v2;
	v1 =	vsel vm3, $0xF01, v1  }
0x18: {  	v3 =	vsel vm12, $0x103, v3;
	[tilespmem:$0x1FE10] =	vst v1;
	v1 =	vsel vm9, $0x282, v2  }
0x19: {  	v2 =	vsel vm11, $0x183, v3;
	v1 =	vsel vm8, $0x302, v1  }
0x1a: {  	v2 =	vsel vm10, $0x203, v2;
	v1 =	vsel vm7, $0x382, v1  }
0x1b: {  	v3 =	vadd.s32 $0x2, v0;
	v2 =	vsel vm9, $0x283, v2;
	v1 =	vsel vm6, $0xC02, v1  }
0x1c: {  	[tilespmem:$0x1FE20] =	vst v3;
	v3 =	vimm.s32 $0xF84;
	v2 =	vsel vm8, $0x303, v2;
	v1 =	vsel vm5, $0xC82, v1  }
0x1d: {  	v3 =	vsel vm14, $0x4, v3;
	v2 =	vsel vm7, $0x383, v2;
	v1 =	vsel vm4, $0xD02, v1  }
0x1e: {  	v3 =	vsel vm13, $0x84, v3;
	v2 =	vsel vm6, $0xC03, v2;
	v1 =	vsel vm0, $0xD82, v1  }
0x1f: {  	v3 =	vsel vm12, $0x104, v3;
	v2 =	vsel vm5, $0xC83, v2;
	v1 =	vsel vm1, $0xE02, v1  }
0x20: {  	v3 =	vsel vm11, $0x184, v3;
	v2 =	vsel vm4, $0xD03, v2;
	v1 =	vsel vm2, $0xE82, v1  }
0x21: {  	v3 =	vsel vm10, $0x204, v3;
	v2 =	vsel vm0, $0xD83, v2;
	v1 =	vsel vm3, $0xF02, v1  }
0x22: {  	v3 =	vsel vm9, $0x284, v3;
	[tilespmem:$0x1FE30] =	vst v1;
	v1 =	vsel vm1, $0xE03, v2  }
0x23: {  	v2 =	vsel vm8, $0x304, v3;
	v1 =	vsel vm2, $0xE83, v1  }
0x24: {  	v2 =	vsel vm7, $0x384, v2;
	v1 =	vsel vm3, $0xF03, v1  }
0x25: {  	[tilespmem:$0x1FE50] =	vst v1;
	v1 =	vsel vm6, $0xC04, v2  }
0x26: {  	v2 =	vimm.s32 $0x2780;
	v1 =	vsel vm5, $0xC84, v1  }
0x27: {  	v3 =	vadd.s32 $0x3, v0;
	v2 =	vsel vm14, $0x1800, v2;
	v1 =	vsel vm4, $0xD04, v1  }
0x28: {  	[tilespmem:$0x1FE40] =	vst v3;
	v3 =	vadd.s32 $0x4, v0;
	v2 =	vsel vm13, $0x1880, v2;
	v1 =	vsel vm0, $0xD84, v1  }
0x29: {  	[tilespmem:$0x1FE60] =	vst v3;
	v3 =	vimm.s32 $0x2781;
	v2 =	vsel vm12, $0x1900, v2;
	v1 =	vsel vm1, $0xE04, v1  }
0x2a: {  	v3 =	vsel vm14, $0x1801, v3;
	v2 =	vsel vm11, $0x1980, v2;
	v1 =	vsel vm2, $0xE84, v1  }
0x2b: {  	v3 =	vsel vm13, $0x1881, v3;
	v2 =	vsel vm10, $0x1A00, v2;
	v1 =	vsel vm3, $0xF04, v1  }
0x2c: {  	v3 =	vsel vm12, $0x1901, v3;
	[tilespmem:$0x1FE70] =	vst v1;
	v1 =	vsel vm9, $0x1A80, v2  }
0x2d: {  	v2 =	vsel vm11, $0x1981, v3;
	v1 =	vsel vm8, $0x1B00, v1  }
0x2e: {  	v2 =	vsel vm10, $0x1A01, v2;
	v1 =	vsel vm7, $0x1B80, v1  }
0x2f: {  	v2 =	vsel vm9, $0x1A81, v2;
	v1 =	vsel vm6, $0x2400, v1  }
0x30: {  	v3 =	vadd.s32 $0x5, v0;
	v2 =	vsel vm8, $0x1B01, v2;
	v1 =	vsel vm5, $0x2480, v1  }
0x31: {  	[tilespmem:$0x1FE80] =	vst v3;
	v3 =	vadd.s32 $0x6, v0;
	v2 =	vsel vm7, $0x1B81, v2;
	v1 =	vsel vm4, $0x2500, v1  }
0x32: {  	[tilespmem:$0x1FE90] =	vst v3;
	v3 =	vadd.s32 $0x7, v0;
	v2 =	vsel vm6, $0x2401, v2;
	v1 =	vsel vm0, $0x2580, v1  }
0x33: {  	[tilespmem:$0x1FEA0] =	vst v3;
	v3 =	vadd.s32 $0x8, v0;
	v2 =	vsel vm5, $0x2481, v2;
	v1 =	vsel vm1, $0x2600, v1  }
0x34: {  	[tilespmem:$0x1FEB0] =	vst v3;
	v3 =	vadd.s32 $0x90, v0;
	v2 =	vsel vm4, $0x2501, v2;
	v1 =	vsel vm2, $0x2680, v1  }
0x35: {  	[tilespmem:$0x1FEC0] =	vst v3;
	v3 =	vimm.s32 $0x2782;
	v2 =	vsel vm0, $0x2581, v2;
	v1 =	vsel vm3, $0x2700, v1  }
0x36: {  	v3 =	vsel vm14, $0x1802, v3;
	[tilespmem:$0x1FED0] =	vst v1;
	v1 =	vsel vm1, $0x2601, v2  }
0x37: {  	v2 =	vsel vm13, $0x1882, v3;
	v1 =	vsel vm2, $0x2681, v1  }
0x38: {  	v2 =	vsel vm12, $0x1902, v2;
	v1 =	vsel vm3, $0x2701, v1  }
0x39: {  	[tilespmem:$0x1FEF0] =	vst v1;
	v1 =	vsel vm11, $0x1982, v2  }
0x3a: {  	v2 =	vimm.s32 $0x2783;
	v1 =	vsel vm10, $0x1A02, v1  }
0x3b: {  	v3 =	vadd.s32 $0x91, v0;
	v2 =	vsel vm14, $0x1803, v2;
	v1 =	vsel vm9, $0x1A82, v1  }
0x3c: {  	[tilespmem:$0x1FEE0] =	vst v3;
	v3 =	vadd.s32 $0x92, v0;
	v2 =	vsel vm13, $0x1883, v2;
	v1 =	vsel vm8, $0x1B02, v1  }
0x3d: {  	[tilespmem:$0x1FF00] =	vst v3;
	v3 =	vimm.s32 $0x2784;
	v2 =	vsel vm12, $0x1903, v2;
	v1 =	vsel vm7, $0x1B82, v1  }
0x3e: {  	v3 =	vsel vm14, $0x1804, v3;
	v2 =	vsel vm11, $0x1983, v2;
	v1 =	vsel vm6, $0x2402, v1  }
0x3f: {  	v3 =	vsel vm13, $0x1884, v3;
	v2 =	vsel vm10, $0x1A03, v2;
	v1 =	vsel vm5, $0x2482, v1  }
0x40: {  	v3 =	vsel vm12, $0x1904, v3;
	v2 =	vsel vm9, $0x1A83, v2;
	v1 =	vsel vm4, $0x2502, v1  }
0x41: {  	v3 =	vsel vm11, $0x1984, v3;
	v2 =	vsel vm8, $0x1B03, v2;
	v1 =	vsel vm0, $0x2582, v1  }
0x42: {  	v3 =	vsel vm10, $0x1A04, v3;
	v2 =	vsel vm7, $0x1B83, v2;
	v1 =	vsel vm1, $0x2602, v1  }
0x43: {  	v3 =	vsel vm9, $0x1A84, v3;
	v2 =	vsel vm6, $0x2403, v2;
	v1 =	vsel vm2, $0x2682, v1  }
0x44: {  	v3 =	vsel vm8, $0x1B04, v3;
	v2 =	vsel vm5, $0x2483, v2;
	v1 =	vsel vm3, $0x2702, v1  }
0x45: {  	v3 =	vsel vm7, $0x1B84, v3;
	[tilespmem:$0x1FF10] =	vst v1;
	v1 =	vsel vm4, $0x2503, v2  }
0x46: {  	v2 =	vsel vm6, $0x2404, v3;
	v1 =	vsel vm0, $0x2583, v1  }
0x47: {  	v2 =	vsel vm5, $0x2484, v2;
	v1 =	vsel vm1, $0x2603, v1  }
0x48: {  	v3 =	vadd.s32 $0x93, v0;
	v2 =	vsel vm4, $0x2504, v2;
	v1 =	vsel vm2, $0x2683, v1  }
0x49: {  	[tilespmem:$0x1FF20] =	vst v3;
	v3 =	vimm.s32 $0x3F80;
	v2 =	vsel vm0, $0x2584, v2;
	v1 =	vsel vm3, $0x2703, v1  }
0x4a: {  	v3 =	vsel vm14, $0x3000, v3;
	[tilespmem:$0x1FF30] =	vst v1;
	v1 =	vsel vm1, $0x2604, v2  }
0x4b: {  	v2 =	vsel vm13, $0x3080, v3;
	v1 =	vsel vm2, $0x2684, v1  }
0x4c: {  	v4 =	vimm.s32 $0x7F7E7D;
	v2 =	vsel vm12, $0x3100, v2;
	v1 =	vsel vm3, $0x2704, v1  }
0x4d: {  	v14 =	vimm.s32 $0x3;
	v4 =	vunpack.c.0.s8.s32 v4;
	[tilespmem:$0x1FF50] =	vst v1;
	v1 =	vsel vm11, $0x3180, v2  }
0x4e: {  	v33 =	vadd.s32 $0x122, v0;
	v2 =	vimm.s32 $0x3F81;
	v1 =	vsel vm10, $0x3200, v1  }
0x4f: {  	v3 =	vadd.s32 $0x94, v0;
	v2 =	vsel vm14, $0x3001, v2;
	v1 =	vsel vm9, $0x3280, v1  }
0x50: {  	[tilespmem:$0x1FF40] =	vst v3;
	v3 =	vadd.s32 $0x95, v0;
	v2 =	vsel vm13, $0x3081, v2;
	v1 =	vsel vm8, $0x3300, v1  }
0x51: {  	[tilespmem:$0x1FF60] =	vst v3;
	v3 =	vadd.s32 $0x96, v0;
	v2 =	vsel vm12, $0x3101, v2;
	v1 =	vsel vm7, $0x3380, v1  }
0x52: {  	[tilespmem:$0x1FF70] =	vst v3;
	v3 =	vadd.s32 $0x97, v0;
	v2 =	vsel vm11, $0x3181, v2;
	v1 =	vsel vm6, $0x3C00, v1  }
0x53: {  	[tilespmem:$0x1FF80] =	vst v3;
	v3 =	vadd.s32 $0x98, v0;
	v2 =	vsel vm10, $0x3201, v2;
	v1 =	vsel vm5, $0x3C80, v1  }
0x54: {  	[tilespmem:$0x1FF90] =	vst v3;
	v3 =	vadd.s32 $0x120, v0;
	v2 =	vsel vm9, $0x3281, v2;
	v1 =	vsel vm4, $0x3D00, v1  }
0x55: {  	[tilespmem:$0x1FFA0] =	vst v3;
	v3 =	vimm.s32 $0x3F82;
	v2 =	vsel vm8, $0x3301, v2;
	v1 =	vsel vm0, $0x3D80, v1  }
0x56: {  	v3 =	vsel vm14, $0x3002, v3;
	v2 =	vsel vm7, $0x3381, v2;
	v1 =	vsel vm1, $0x3E00, v1  }
0x57: {  	v3 =	vsel vm13, $0x3082, v3;
	v2 =	vsel vm6, $0x3C01, v2;
	v1 =	vsel vm2, $0x3E80, v1  }
0x58: {  	v3 =	vsel vm12, $0x3102, v3;
	v2 =	vsel vm5, $0x3C81, v2;
	v1 =	vsel vm3, $0x3F00, v1  }
0x59: {  	v35 =	vadd.s32 $0x123, v0;
	v3 =	vsel vm11, $0x3182, v3;
	[tilespmem:$0x1FFB0] =	vst v1;
	v1 =	vsel vm4, $0x3D01, v2  }
0x5a: {  	v37 =	vadd.s32 $0x124, v0;
	v2 =	vsel vm10, $0x3202, v3;
	v1 =	vsel vm0, $0x3D81, v1  }
0x5b: {  	v3 =	vadd.s32 $0x121, v0;
	v2 =	vsel vm9, $0x3282, v2;
	v1 =	vsel vm1, $0x3E01, v1  }
0x5c: {  	[tilespmem:$0x1FFC0] =	vst v3;
	v3 =	vimm.s32 $0x3F83;
	v2 =	vsel vm8, $0x3302, v2;
	v1 =	vsel vm2, $0x3E81, v1  }
0x5d: {  	v3 =	vsel vm14, $0x3003, v3;
	v2 =	vsel vm7, $0x3382, v2;
	v1 =	vsel vm3, $0x3F01, v1  }
0x5e: {  	v39 =	vadd.s32 $0x125, v0;
	[tilespmem:$0x1FFD0] =	vst v1;
	v1 =	vsel vm6, $0x3C02, v2;
	v2 =	vsel vm13, $0x3083, v3  }
0x5f: {  	v40 =	vadd.s32 $0x126, v0;
	v1 =	vsel vm5, $0x3C82, v1;
	v2 =	vsel vm12, $0x3103, v2  }
0x60: {  	v3 =	vimm.s32 $0x3F84;
	v1 =	vsel vm4, $0x3D02, v1;
	v2 =	vsel vm11, $0x3183, v2  }
0x61: {  	v3 =	vsel vm14, $0x3004, v3;
	v1 =	vsel vm0, $0x3D82, v1;
	v2 =	vsel vm10, $0x3203, v2  }
0x62: {  	v3 =	vsel vm13, $0x3084, v3;
	v1 =	vsel vm1, $0x3E02, v1;
	v2 =	vsel vm9, $0x3283, v2  }
0x63: {  	v3 =	vsel vm12, $0x3104, v3;
	v1 =	vsel vm2, $0x3E82, v1;
	v2 =	vsel vm8, $0x3303, v2  }
0x64: {  	v34 =	vsel vm3, $0x3F02, v1;
	v1 =	vsel vm7, $0x3383, v2;
	v2 =	vsel vm11, $0x3184, v3  }
0x65: {  	v41 =	vadd.s32 $0x127, v0;
	v1 =	vsel vm6, $0x3C03, v1;
	v2 =	vsel vm10, $0x3204, v2  }
0x66: {  	v3 =	vimm.s32 $0x5780;
	v1 =	vsel vm5, $0x3C83, v1;
	v2 =	vsel vm9, $0x3284, v2  }
0x67: {  	v3 =	vsel vm14, $0x4800, v3;
	v1 =	vsel vm4, $0x3D03, v1;
	v2 =	vsel vm8, $0x3304, v2  }
0x68: {  	v3 =	vsel vm13, $0x4880, v3;
	v1 =	vsel vm0, $0x3D83, v1;
	v2 =	vsel vm7, $0x3384, v2  }
0x69: {  	v3 =	vsel vm12, $0x4900, v3;
	v1 =	vsel vm1, $0x3E03, v1;
	v2 =	vsel vm6, $0x3C04, v2  }
0x6a: {  	v3 =	vsel vm11, $0x4980, v3;
	v1 =	vsel vm2, $0x3E83, v1;
	v2 =	vsel vm5, $0x3C84, v2  }
0x6b: {  	v36 =	vsel vm3, $0x3F03, v1;
	v1 =	vsel vm4, $0x3D04, v2;
	v2 =	vsel vm10, $0x4A00, v3  }
0x6c: {  	v42 =	vadd.s32 $0x128, v0;
	v1 =	vsel vm0, $0x3D84, v1;
	v2 =	vsel vm9, $0x4A80, v2  }
0x6d: {  	v3 =	vimm.s32 $0x5781;
	v1 =	vsel vm1, $0x3E04, v1;
	v2 =	vsel vm8, $0x4B00, v2  }
0x6e: {  	v3 =	vsel vm14, $0x4801, v3;
	v1 =	vsel vm2, $0x3E84, v1;
	v2 =	vsel vm7, $0x4B80, v2  }
0x6f: {  	v38 =	vsel vm3, $0x3F04, v1;
	v1 =	vsel vm6, $0x5400, v2;
	v2 =	vsel vm13, $0x4881, v3  }
0x70: {  	v43 =	vadd.s32 $0x1B0, v0;
	v1 =	vsel vm5, $0x5480, v1;
	v2 =	vsel vm12, $0x4901, v2  }
0x71: {  	v45 =	vadd.s32 $0x1B1, v0;
	v1 =	vsel vm4, $0x5500, v1;
	v2 =	vsel vm11, $0x4981, v2  }
0x72: {  	v47 =	vadd.s32 $0x1B2, v0;
	v1 =	vsel vm0, $0x5580, v1;
	v2 =	vsel vm10, $0x4A01, v2  }
0x73: {  	v49 =	vadd.s32 $0x1B3, v0;
	v1 =	vsel vm1, $0x5600, v1;
	v2 =	vsel vm9, $0x4A81, v2  }
0x74: {  	v51 =	vadd.s32 $0x1B4, v0;
	v1 =	vsel vm2, $0x5680, v1;
	v2 =	vsel vm8, $0x4B01, v2  }
0x75: {  	v44 =	vsel vm3, $0x5700, v1;
	v1 =	vsel vm7, $0x4B81, v2;
	v2 =	vimm.s32 $0x5782  }
0x76: {  	v58 =	vadd.s32 $0x1B5, v0;
	v1 =	vsel vm6, $0x5401, v1;
	v2 =	vsel vm14, $0x4802, v2  }
0x77: {  	v3 =	vimm.s32 $0x5783;
	v1 =	vsel vm5, $0x5481, v1;
	v2 =	vsel vm13, $0x4882, v2  }
0x78: {  	v3 =	vsel vm14, $0x4803, v3;
	v1 =	vsel vm4, $0x5501, v1;
	v2 =	vsel vm12, $0x4902, v2  }
0x79: {  	v3 =	vsel vm13, $0x4883, v3;
	v1 =	vsel vm0, $0x5581, v1;
	v2 =	vsel vm11, $0x4982, v2  }
0x7a: {  	v3 =	vsel vm12, $0x4903, v3;
	v1 =	vsel vm1, $0x5601, v1;
	v2 =	vsel vm10, $0x4A02, v2  }
0x7b: {  	v3 =	vsel vm11, $0x4983, v3;
	v1 =	vsel vm2, $0x5681, v1;
	v2 =	vsel vm9, $0x4A82, v2  }
0x7c: {  	v46 =	vsel vm3, $0x5701, v1;
	v1 =	vsel vm8, $0x4B02, v2;
	v2 =	vsel vm10, $0x4A03, v3  }
0x7d: {  	v60 =	vadd.s32 $0x1B6, v0;
	v1 =	vsel vm7, $0x4B82, v1;
	v2 =	vsel vm9, $0x4A83, v2  }
0x7e: {  	v3 =	vimm.s32 $0x5784;
	v1 =	vsel vm6, $0x5402, v1;
	v2 =	vsel vm8, $0x4B03, v2  }
0x7f: {  	v3 =	vsel vm14, $0x4804, v3;
	v1 =	vsel vm5, $0x5482, v1;
	v2 =	vsel vm7, $0x4B83, v2  }
0x80: {  	v3 =	vsel vm13, $0x4884, v3;
	v1 =	vsel vm4, $0x5502, v1;
	v2 =	vsel vm6, $0x5403, v2  }
0x81: {  	v3 =	vsel vm12, $0x4904, v3;
	v1 =	vsel vm0, $0x5582, v1;
	v2 =	vsel vm5, $0x5483, v2  }
0x82: {  	v3 =	vsel vm11, $0x4984, v3;
	v1 =	vsel vm1, $0x5602, v1;
	v2 =	vsel vm4, $0x5503, v2  }
0x83: {  	v3 =	vsel vm10, $0x4A04, v3;
	v1 =	vsel vm2, $0x5682, v1;
	v2 =	vsel vm0, $0x5583, v2  }
0x84: {  	v48 =	vsel vm3, $0x5702, v1;
	v1 =	vsel vm1, $0x5603, v2;
	v2 =	vsel vm9, $0x4A84, v3  }
0x85: {  	v5 =	vadd.s32 $0x242, v0;
	v1 =	vsel vm2, $0x5683, v1;
	v2 =	vsel vm8, $0x4B04, v2  }
0x86: {  	v6 =	vadd.s32 $0x243, v0;
	v50 =	vsel vm3, $0x5703, v1;
	v1 =	vsel vm7, $0x4B84, v2  }
0x87: {  	v3 =	vimm.s32 $0x6F81;
	v2 =	vimm.s32 $0x6F80;
	v1 =	vsel vm6, $0x5404, v1  }
0x88: {  	v3 =	vsel vm14, $0x6001, v3;
	v2 =	vsel vm14, $0x6000, v2;
	v1 =	vsel vm5, $0x5484, v1  }
0x89: {  	v3 =	vsel vm13, $0x6081, v3;
	v2 =	vsel vm13, $0x6080, v2;
	v1 =	vsel vm4, $0x5504, v1  }
0x8a: {  	v3 =	vsel vm12, $0x6101, v3;
	v2 =	vsel vm12, $0x6100, v2;
	v1 =	vsel vm0, $0x5584, v1  }
0x8b: {  	v3 =	vsel vm11, $0x6181, v3;
	v2 =	vsel vm11, $0x6180, v2;
	v1 =	vsel vm1, $0x5604, v1  }
0x8c: {  	v3 =	vsel vm10, $0x6201, v3;
	v2 =	vsel vm10, $0x6200, v2;
	v1 =	vsel vm2, $0x5684, v1  }
0x8d: {  	v52 =	vsel vm3, $0x5704, v1;
	v1 =	vsel vm9, $0x6280, v2;
	v2 =	vsel vm9, $0x6281, v3  }
0x8e: {  	v3 =	vimm.s32 $0x6F82;
	v1 =	vsel vm8, $0x6300, v1;
	v2 =	vsel vm8, $0x6301, v2  }
0x8f: {  	v3 =	vsel vm14, $0x6002, v3;
	v1 =	vsel vm7, $0x6380, v1;
	v2 =	vsel vm7, $0x6381, v2  }
0x90: {  	v3 =	vsel vm13, $0x6082, v3;
	v1 =	vsel vm6, $0x6C00, v1;
	v2 =	vsel vm6, $0x6C01, v2  }
0x91: {  	v3 =	vsel vm12, $0x6102, v3;
	v1 =	vsel vm5, $0x6C80, v1;
	v2 =	vsel vm5, $0x6C81, v2  }
0x92: {  	v3 =	vsel vm11, $0x6182, v3;
	v1 =	vsel vm4, $0x6D00, v1;
	v2 =	vsel vm4, $0x6D01, v2  }
0x93: {  	v3 =	vsel vm10, $0x6202, v3;
	v1 =	vsel vm0, $0x6D80, v1;
	v2 =	vsel vm0, $0x6D81, v2  }
0x94: {  	v3 =	vsel vm9, $0x6282, v3;
	v1 =	vsel vm1, $0x6E00, v1;
	v2 =	vsel vm1, $0x6E01, v2  }
0x95: {  	v3 =	vsel vm8, $0x6302, v3;
	v1 =	vsel vm2, $0x6E80, v1;
	v2 =	vsel vm2, $0x6E81, v2  }
0x96: {  	v53 =	vsel vm3, $0x6F00, v1;
	v54 =	vsel vm3, $0x6F01, v2;
	v1 =	vsel vm7, $0x6382, v3  }
0x97: {  	v2 =	vimm.s32 $0x6F83;
	v3 =	vimm.s32 $0x6F84;
	v1 =	vsel vm6, $0x6C02, v1  }
0x98: {  	v2 =	vsel vm14, $0x6003, v2;
	v3 =	vsel vm14, $0x6004, v3;
	v1 =	vsel vm5, $0x6C82, v1  }
0x99: {  	v2 =	vsel vm13, $0x6083, v2;
	v3 =	vsel vm13, $0x6084, v3;
	v1 =	vsel vm4, $0x6D02, v1  }
0x9a: {  	v2 =	vsel vm12, $0x6103, v2;
	v3 =	vsel vm12, $0x6104, v3;
	v1 =	vsel vm0, $0x6D82, v1  }
0x9b: {  	v2 =	vsel vm11, $0x6183, v2;
	v3 =	vsel vm11, $0x6184, v3;
	v1 =	vsel vm1, $0x6E02, v1  }
0x9c: {  	v2 =	vsel vm10, $0x6203, v2;
	v3 =	vsel vm10, $0x6204, v3;
	v1 =	vsel vm2, $0x6E82, v1  }
0x9d: {  	v55 =	vsel vm3, $0x6F02, v1;
	v1 =	vsel vm9, $0x6283, v2;
	v2 =	vsel vm9, $0x6284, v3  }
0x9e: {  	v3 =	vimm.s32 $0x804;
	v1 =	vsel vm8, $0x6303, v1;
	v2 =	vsel vm8, $0x6304, v2  }
0x9f: {  	v3 =	vsel vm14, $0x475, v3;
	v1 =	vsel vm7, $0x6383, v1;
	v2 =	vsel vm7, $0x6384, v2  }
0xa0: {  	s5 =	rddreg [dreg:$0x0];
	v3 =	vsel vm13, $0x476, v3;
	v1 =	vsel vm6, $0x6C03, v1;
	v2 =	vsel vm6, $0x6C04, v2  }
0xa1: {  	s0 =	rddreg [dreg:$0x2];
	s1 =	srdreg.scid;
	v3 =	vsel vm12, $0x477, v3;
	v1 =	vsel vm5, $0x6C83, v1;
	v2 =	vsel vm5, $0x6C84, v2  }
0xa2: {  	s2 =	stileid.u32;
	s6 =	rddreg [dreg:$0x3];
	v3 =	vsel vm11, $0x478, v3;
	v1 =	vsel vm4, $0x6D03, v1;
	v2 =	vsel vm4, $0x6D04, v2  }
0xa3: {  	s4 =	simm.s32 $0x0;
	s1 =	sand.u32 $0x1, s1;
	s3 =	sshll.u32 s2, $0x1;
	v3 =	vsel vm10, $0x479, v3;
	v1 =	vsel vm0, $0x6D83, v1;
	v2 =	vsel vm0, $0x6D84, v2  }
0xa4: {  	s12 =	simm.s32 $0x1A0;
	s13 =	simm.s32 $0xA9A0;
	s3 =	sor.u32 s1, s3;
	v3 =	vsel vm9, $0x47A, v3;
	v1 =	vsel vm1, $0x6E03, v1;
	v2 =	vsel vm1, $0x6E04, v2  }
0xa5: {  	s21 =	simm.s32 $0x4A0;
	s23 =	simm.s32 $0x121A0;
	s25 =	smul.u32 $0x7080, s3;
	v3 =	vsel vm8, $0x47B, v3;
	v1 =	vsel vm2, $0x6E83, v1;
	v2 =	vsel vm2, $0x6E84, v2  }
0xa6: {  	[smem:$0x7FF] =	sst s4;
	s0 =	sadd.s32 $0x400, s0;
	s3 =	smul.u32 $0x6400, s3;
	v56 =	vsel vm3, $0x6F03, v1;
	v57 =	vsel vm3, $0x6F04, v2;
	v1 =	vsel vm7, $0x47C, v3  }
0xa7: {  	s4 =	sadd.s32 s5, s25;
	_ =	strace $0x80000047;
	[dreg:$0x6] =	wrdreg s0;
	vm7 =	vcmask $0x2B00;
	v3 =	vimm.s32 $0x4030201;
	v1 =	vsel vm6, $0x47D, v1  }
0xa8: {  	s26 =	ssub.s32 $0x2, s1;
	s28 =	sor.u32 $0xA0, s3;
	[dreg:$0x7] =	wrdreg s4;
	v2 =	vimm.s32 $0x400;
	v3 =	vunpack.c.0.s8.s32 v3;
	v1 =	vsel vm5, $0x47E, v1  }
0xa9: {  	s29 =	simm.s32 $0x3;
	s1 =	sshrl.u32 s26, $0x1;
	[dreg:$0x9] =	wrdreg s28;
	v59 =	vsel vm7, $0x0, v2;
	v1 =	vsel vm4, $0x47F, v1;
	vm4 =	vcmask $0x1F10  }
.Ltmp0:
0xaa: {  	s30 =	sor.u32 $0xF0, s3;
	[dreg:$0x5] =	wrdreg s3;
	vm6 =	vcmask $0x2B20;
	vm5 =	vcmask $0xF00;
	v2 =	vsel vm4, v3, v4;
	(pc) =	sbr.rel .LBB2_1-.Ltmp0, $4  }
0xab: {  	s4 =	sadd.s32 $0x5A, s4;
	s0 =	ssub.s32 s26, s1;
	[dreg:$0xa] =	wrdreg s30;
	v1 =	vsel vm0, $0x800, v1;
	v3 =	vadd.s32 $0x240, v0;
	[tilespmem:$0x1FFF0] =	vst v2;
	v2 =	vimm.s32 $0x78777675  }
0xac: {  	p0 =	sne.s32 s2, $0x0;
	[dreg:$0x8] =	wrdreg s4;
	s0 =	smax.u32 s0, $0x1;
	v1 =	vsel vm1, $0x801, v1;
	v61 =	vunpack.c.0.s8.s32 v2;
	v2 =	vimm.s32 $0x7C7B7A79  }
0xad: {  	s31 =	simm.s32 $0x4;
	[tilespmem:$0x1FFE0] =	vst v4;
	[dreg:$0xb] =	wrdreg s0;
	s0 =	sshrl.u32 @!p0 s6, $0x3;
	v4 =	vadd.s32 $0x241, v0;
	v1 =	vsel vm2, $0x802, v1;
	v62 =	vunpack.c.0.s8.s32 v2  }
0xae: {  	s2 =	simm.s32 $0x0;
	s6 =	simm.s32 $0x0;
	[dreg:$0xc] =	wrdreg s0;
	v63 =	vsel vm3, $0x803, v1;
	v1 =	vadd.s32 $0x1B7, v0;
	v2 =	vadd.s32 $0x1B8, v0  }
.LBB2_11:
0xaf: {  	s0 =	simm.s32 $0x5  }
0xb0: {  	_ =	swait.ge [sflag:s0], $0x7800  }
0xb1: {  	[sflag:s0] =	ssyncset.done $0x0  }
0xb2: {  	s1 =	simm.s32 $0x6;
	[sflag:s0] =	ssyncadd.s32 $0xFFFF8800  }
0xb3: {  	_ =	swait.ge [sflag:s1], $0x7800  }
0xb4: {  	s2 =	rddreg [dreg:$0xd]  }
0xb5: {  	s30 =	rddreg [dreg:$0xb];
	s2 =	sadd.s32 $0x1, s2  }
0xb6: {  	p1 =	sne.s32 s2, s30  }
.Ltmp1:
0xb7: {  	_ = 	snop;
	(pc) =	sbr.rel @!p1 .LBB2_12-.Ltmp1, $3  }
0xb8: {  	_ =	sdelay $0x1  }
0xb9: {  	[sflag:s1] =	ssyncset.done $0x0  }
0xba: {  	[sflag:s1] =	ssyncadd.s32 $0xFFFF8800  }
.LBB2_1:
0xbb: {  	[dreg:$0xd] =	wrdreg s2  }
0xbc: {  	s1 =	rddreg [dreg:$0x1]  }
0xbd: {  	s0 =	simm.s32 @!p0 $0x1C07;
	s2 =	rddreg [dreg:$0xc]  }
0xbe: {  	[spmem:s2], [sflag:s0] =	dma.local @!p0 [hbm:s1], $0x340  }
0xbf: {  	s0 =	simm.s32 @!p0 $0x7  }
0xc0: {  	_ =	swait.ge @!p0 [sflag:s0], $0x340  }
0xc1: {  	[sflag:s0] =	ssyncset.done @!p0 $0x0  }
0xc2: {  	[sflag:s0] =	ssyncadd.s32 @!p0 $0xFFFFFCC0  }
0xc3: {  	[bflag:$0x0] =	sbarrier.arrive $0xFFFF  }
0xc4: {  	s22 =	simm.s32 $0x1;
	s20 =	rddreg [dreg:$0x7]  }
0xc5: {  	[tilespmem:s12], [sflag:$0x1] =	stream.linear.gather [hbm4b:s20+s6], $0x2D0, $0x38;
	[tilespmem:$0x199A0] =	vst v63  }
0xc6: {  	_ =	swait.ge [sflag:s22], $0x2D0  }
0xc7: {  	v8 =	vld [tilespmem:$0x1FDF0]  }
0xc8: {  	[sflag:s22] =	ssyncset.done $0x0  }
0xc9: {  	[sflag:s22] =	ssyncadd.s32 $0xFFFFFD30  }
0xca: {  	v7 =	vld.idx.msk [tilespmem:v0+s12+$0x0], $0xffff;
	_ =	sdelay $0x4  }
0xcb: {  	[tilespmem:v8+s13+$0x0] =	vst.idx.msk $0xffff, v7;
	v7 =	vld [tilespmem:$0x1FE00];
	_ =	sdelay $0x4  }
0xcc: {  	v8 =	vld [tilespmem:$0x1FE10];
	_ =	sdelay $0x2  }
0xcd: {  	v7 =	vld.idx.msk [tilespmem:v7+s12+$0x0], $0xffff;
	_ =	sdelay $0x4  }
0xce: {  	[tilespmem:v8+s13+$0x0] =	vst.idx.msk $0xffff, v7;
	v7 =	vld [tilespmem:$0x1FE20];
	_ =	sdelay $0x4  }
0xcf: {  	v8 =	vld [tilespmem:$0x1FE30];
	_ =	sdelay $0x2  }
0xd0: {  	v7 =	vld.idx.msk [tilespmem:v7+s12+$0x0], $0xffff;
	_ =	sdelay $0x4  }
0xd1: {  	[tilespmem:v8+s13+$0x0] =	vst.idx.msk $0xffff, v7;
	v7 =	vld [tilespmem:$0x1FE40];
	_ =	sdelay $0x4  }
0xd2: {  	v8 =	vld [tilespmem:$0x1FE50];
	_ =	sdelay $0x2  }
0xd3: {  	v7 =	vld.idx.msk [tilespmem:v7+s12+$0x0], $0xffff;
	_ =	sdelay $0x4  }
0xd4: {  	[tilespmem:v8+s13+$0x0] =	vst.idx.msk $0xffff, v7;
	v7 =	vld [tilespmem:$0x1FE60];
	_ =	sdelay $0x4  }
0xd5: {  	v8 =	vld [tilespmem:$0x1FE70];
	_ =	sdelay $0x2  }
0xd6: {  	v7 =	vld.idx.msk [tilespmem:v7+s12+$0x0], $0xffff;
	_ =	sdelay $0x4  }
0xd7: {  	[tilespmem:v8+s13+$0x0] =	vst.idx.msk $0xffff, v7;
	v7 =	vld [tilespmem:$0x1FE80]  }
0xd8: {  	v8 =	vld [tilespmem:$0x1FE90];
	_ =	sdelay $0x1  }
0xd9: {  	v9 =	vld [tilespmem:$0x1FEB0]  }
0xda: {  	v10 =	vld [tilespmem:$0x1FEA0];
	_ =	sdelay $0x3  }
0xdb: {  	v7 =	vld.idx.msk [tilespmem:v7+s12+$0x0], $0xffff  }
0xdc: {  	v8 =	vld.idx.msk [tilespmem:v8+s12+$0x0], $0xffff;
	_ =	sdelay $0x1  }
0xdd: {  	v9 =	vld.idx.msk [tilespmem:v9+s12+$0x0], $0xffff  }
0xde: {  	v10 =	vld.idx.msk [tilespmem:v10+s12+$0x0], $0xffff  }
0xdf: {  	v7 =	vtrunc.f32 v7  }
0xe0: {  	v8 =	vtrunc.f32 v8;
	v7 =	vcvt.f32.s32 v7  }
0xe1: {  	v8 =	vcvt.f32.s32 v8  }
0xe2: {  	v9 =	vtrunc.f32 v9;
	v7 =	vmul.u32 $0x6, v7  }
0xe3: {  	v10 =	vtrunc.f32 v10;
	v9 =	vcvt.f32.s32 v9;
	vm7 =	vgt.s32 v8, $0x8  }
0xe4: {  	v10 =	vcvt.f32.s32 v10;
	v11 =	vsel vm7, $0xFFFFFFF7, v14;
	v7 =	vadd.s32 v8, v7  }
0xe5: {  	v8 =	vshll.u32 v9, $0x3;
	v7 =	vadd.s32 v11, v7  }
0xe6: {  	v8 =	vadd.s32 v8, v10;
	v7 =	vadd.s32 $0xFFFFD0BA, v7  }
0xe7: {  	[tilespmem:$0x7A0] =	vst v7;
	v7 =	vadd.s32 $0x3, v8  }
0xe8: {  	[tilespmem:$0x8A0] =	vst v7;
	v7 =	vld [tilespmem:$0x1FEC0];
	_ =	sdelay $0x4  }
0xe9: {  	v8 =	vld [tilespmem:$0x1FED0];
	_ =	sdelay $0x2  }
0xea: {  	v7 =	vld.idx.msk [tilespmem:v7+s12+$0x0], $0xffff;
	_ =	sdelay $0x4  }
0xeb: {  	[tilespmem:v8+s13+$0x0] =	vst.idx.msk $0xffff, v7;
	v7 =	vld [tilespmem:$0x1FEE0];
	_ =	sdelay $0x4  }
0xec: {  	v8 =	vld [tilespmem:$0x1FEF0];
	_ =	sdelay $0x2  }
0xed: {  	v7 =	vld.idx.msk [tilespmem:v7+s12+$0x0], $0xffff;
	_ =	sdelay $0x4  }
0xee: {  	[tilespmem:v8+s13+$0x0] =	vst.idx.msk $0xffff, v7;
	v7 =	vld [tilespmem:$0x1FF00];
	_ =	sdelay $0x4  }
0xef: {  	v8 =	vld [tilespmem:$0x1FF10];
	_ =	sdelay $0x2  }
0xf0: {  	v7 =	vld.idx.msk [tilespmem:v7+s12+$0x0], $0xffff;
	_ =	sdelay $0x4  }
0xf1: {  	[tilespmem:v8+s13+$0x0] =	vst.idx.msk $0xffff, v7;
	v7 =	vld [tilespmem:$0x1FF20];
	_ =	sdelay $0x4  }
0xf2: {  	v8 =	vld [tilespmem:$0x1FF30];
	_ =	sdelay $0x2  }
0xf3: {  	v7 =	vld.idx.msk [tilespmem:v7+s12+$0x0], $0xffff;
	_ =	sdelay $0x4  }
0xf4: {  	[tilespmem:v8+s13+$0x0] =	vst.idx.msk $0xffff, v7;
	v7 =	vld [tilespmem:$0x1FF40];
	_ =	sdelay $0x4  }
0xf5: {  	v8 =	vld [tilespmem:$0x1FF50];
	_ =	sdelay $0x2  }
0xf6: {  	v7 =	vld.idx.msk [tilespmem:v7+s12+$0x0], $0xffff;
	_ =	sdelay $0x4  }
0xf7: {  	[tilespmem:v8+s13+$0x0] =	vst.idx.msk $0xffff, v7;
	v7 =	vld [tilespmem:$0x1FF60]  }
0xf8: {  	v8 =	vld [tilespmem:$0x1FF70];
	_ =	sdelay $0x1  }
0xf9: {  	v9 =	vld [tilespmem:$0x1FF90]  }
0xfa: {  	v10 =	vld [tilespmem:$0x1FF80];
	_ =	sdelay $0x3  }
0xfb: {  	v7 =	vld.idx.msk [tilespmem:v7+s12+$0x0], $0xffff  }
0xfc: {  	v8 =	vld.idx.msk [tilespmem:v8+s12+$0x0], $0xffff;
	_ =	sdelay $0x1  }
0xfd: {  	v9 =	vld.idx.msk [tilespmem:v9+s12+$0x0], $0xffff  }
0xfe: {  	v10 =	vld.idx.msk [tilespmem:v10+s12+$0x0], $0xffff  }
0xff: {  	v7 =	vtrunc.f32 v7  }
0x100: {  	v8 =	vtrunc.f32 v8;
	v7 =	vcvt.f32.s32 v7  }
0x101: {  	v8 =	vcvt.f32.s32 v8  }
0x102: {  	v9 =	vtrunc.f32 v9;
	v7 =	vmul.u32 $0x6, v7  }
0x103: {  	v10 =	vtrunc.f32 v10;
	v9 =	vcvt.f32.s32 v9;
	vm7 =	vgt.s32 v8, $0x8  }
0x104: {  	v10 =	vcvt.f32.s32 v10;
	v11 =	vsel vm7, $0xFFFFFFF7, v14;
	v7 =	vadd.s32 v8, v7  }
0x105: {  	v8 =	vshll.u32 v9, $0x3;
	v7 =	vadd.s32 v11, v7  }
0x106: {  	v8 =	vadd.s32 v8, v10;
	v7 =	vadd.s32 $0xFFFFD0BA, v7  }
0x107: {  	[tilespmem:$0x7B0] =	vst v7;
	v7 =	vadd.s32 $0x3, v8  }
0x108: {  	[tilespmem:$0x8B0] =	vst v7;
	v7 =	vld [tilespmem:$0x1FFA0];
	_ =	sdelay $0x4  }
0x109: {  	v8 =	vld [tilespmem:$0x1FFB0];
	_ =	sdelay $0x2  }
0x10a: {  	v7 =	vld.idx.msk [tilespmem:v7+s12+$0x0], $0xffff;
	_ =	sdelay $0x4  }
0x10b: {  	[tilespmem:v8+s13+$0x0] =	vst.idx.msk $0xffff, v7;
	v7 =	vld [tilespmem:$0x1FFC0];
	_ =	sdelay $0x4  }
0x10c: {  	v8 =	vld [tilespmem:$0x1FFD0];
	_ =	sdelay $0x2  }
0x10d: {  	v7 =	vld.idx.msk [tilespmem:v7+s12+$0x0], $0xffff;
	_ =	sdelay $0x4  }
0x10e: {  	[tilespmem:v8+s13+$0x0] =	vst.idx.msk $0xffff, v7  }
0x10f: {  	v7 =	vld.idx.msk [tilespmem:v33+s12+$0x0], $0xffff;
	_ =	sdelay $0x4  }
0x110: {  	[tilespmem:v34+s13+$0x0] =	vst.idx.msk $0xffff, v7  }
0x111: {  	v7 =	vld.idx.msk [tilespmem:v35+s12+$0x0], $0xffff;
	_ =	sdelay $0x4  }
0x112: {  	[tilespmem:v36+s13+$0x0] =	vst.idx.msk $0xffff, v7  }
0x113: {  	v7 =	vld.idx.msk [tilespmem:v37+s12+$0x0], $0xffff;
	_ =	sdelay $0x4  }
0x114: {  	[tilespmem:v38+s13+$0x0] =	vst.idx.msk $0xffff, v7  }
0x115: {  	v7 =	vld.idx.msk [tilespmem:v39+s12+$0x0], $0xffff  }
0x116: {  	v8 =	vld.idx.msk [tilespmem:v40+s12+$0x0], $0xffff;
	_ =	sdelay $0x1  }
0x117: {  	v9 =	vld.idx.msk [tilespmem:v42+s12+$0x0], $0xffff  }
0x118: {  	v10 =	vld.idx.msk [tilespmem:v41+s12+$0x0], $0xffff  }
0x119: {  	v7 =	vtrunc.f32 v7  }
0x11a: {  	v8 =	vtrunc.f32 v8;
	v7 =	vcvt.f32.s32 v7  }
0x11b: {  	v8 =	vcvt.f32.s32 v8  }
0x11c: {  	v9 =	vtrunc.f32 v9;
	v7 =	vmul.u32 $0x6, v7  }
0x11d: {  	v10 =	vtrunc.f32 v10;
	v9 =	vcvt.f32.s32 v9;
	vm7 =	vgt.s32 v8, $0x8  }
0x11e: {  	v10 =	vcvt.f32.s32 v10;
	v11 =	vsel vm7, $0xFFFFFFF7, v14;
	v7 =	vadd.s32 v8, v7  }
0x11f: {  	v8 =	vshll.u32 v9, $0x3;
	v7 =	vadd.s32 v11, v7  }
0x120: {  	v8 =	vadd.s32 v8, v10;
	v7 =	vadd.s32 $0xFFFFD0BA, v7  }
0x121: {  	[tilespmem:$0x7C0] =	vst v7;
	v7 =	vadd.s32 $0x3, v8  }
0x122: {  	[tilespmem:$0x8C0] =	vst v7  }
0x123: {  	v7 =	vld.idx.msk [tilespmem:v43+s12+$0x0], $0xffff;
	_ =	sdelay $0x4  }
0x124: {  	[tilespmem:v44+s13+$0x0] =	vst.idx.msk $0xffff, v7  }
0x125: {  	v7 =	vld.idx.msk [tilespmem:v45+s12+$0x0], $0xffff;
	_ =	sdelay $0x4  }
0x126: {  	[tilespmem:v46+s13+$0x0] =	vst.idx.msk $0xffff, v7  }
0x127: {  	v7 =	vld.idx.msk [tilespmem:v47+s12+$0x0], $0xffff;
	_ =	sdelay $0x4  }
0x128: {  	[tilespmem:v48+s13+$0x0] =	vst.idx.msk $0xffff, v7  }
0x129: {  	v7 =	vld.idx.msk [tilespmem:v49+s12+$0x0], $0xffff;
	_ =	sdelay $0x4  }
0x12a: {  	[tilespmem:v50+s13+$0x0] =	vst.idx.msk $0xffff, v7  }
0x12b: {  	v7 =	vld.idx.msk [tilespmem:v51+s12+$0x0], $0xffff;
	_ =	sdelay $0x4  }
0x12c: {  	[tilespmem:v52+s13+$0x0] =	vst.idx.msk $0xffff, v7  }
0x12d: {  	v7 =	vld.idx.msk [tilespmem:v58+s12+$0x0], $0xffff  }
0x12e: {  	v8 =	vld.idx.msk [tilespmem:v60+s12+$0x0], $0xffff;
	_ =	sdelay $0x1  }
0x12f: {  	v9 =	vld.idx.msk [tilespmem:v2+s12+$0x0], $0xffff  }
0x130: {  	v10 =	vld.idx.msk [tilespmem:v1+s12+$0x0], $0xffff  }
0x131: {  	v7 =	vtrunc.f32 v7  }
0x132: {  	v8 =	vtrunc.f32 v8;
	v7 =	vcvt.f32.s32 v7  }
0x133: {  	v8 =	vcvt.f32.s32 v8  }
0x134: {  	v9 =	vtrunc.f32 v9;
	v7 =	vmul.u32 $0x6, v7  }
0x135: {  	v10 =	vtrunc.f32 v10;
	v9 =	vcvt.f32.s32 v9;
	vm7 =	vgt.s32 v8, $0x8  }
0x136: {  	v10 =	vcvt.f32.s32 v10;
	v11 =	vsel vm7, $0xFFFFFFF7, v14;
	v7 =	vadd.s32 v8, v7  }
0x137: {  	v8 =	vshll.u32 v9, $0x3;
	v7 =	vadd.s32 v11, v7  }
0x138: {  	v8 =	vadd.s32 v8, v10;
	v7 =	vadd.s32 $0xFFFFD0BA, v7  }
0x139: {  	[tilespmem:$0x7D0] =	vst v7;
	v7 =	vadd.s32 $0x3, v8  }
0x13a: {  	[tilespmem:$0x8D0] =	vst v7  }
0x13b: {  	v7 =	vld.idx.msk [tilespmem:v3+s12+$0x0], $0xffff;
	_ =	sdelay $0x4  }
0x13c: {  	[tilespmem:v53+s13+$0x0] =	vst.idx.msk $0xffff, v7  }
0x13d: {  	v7 =	vld.idx.msk [tilespmem:v4+s12+$0x0], $0xffff;
	_ =	sdelay $0x4  }
0x13e: {  	[tilespmem:v54+s13+$0x0] =	vst.idx.msk $0xffff, v7  }
0x13f: {  	v7 =	vld.idx.msk [tilespmem:v5+s12+$0x0], $0xffff;
	_ =	sdelay $0x4  }
0x140: {  	[tilespmem:v55+s13+$0x0] =	vst.idx.msk $0xffff, v7  }
0x141: {  	v8 =	vld.idx.msk [tilespmem:v6+s12+$0x0], $0xffff  }
0x142: {  	v7 =	vadd.s32 $0x244, v0;
	_ =	sdelay $0x3  }
0x143: {  	[tilespmem:v56+s13+$0x0] =	vst.idx.msk $0xffff, v8  }
0x144: {  	v11 =	vld.idx.msk [tilespmem:v7+s12+$0x0], $0xffff  }
0x145: {  	v8 =	vadd.s32 $0x245, v0  }
0x146: {  	v9 =	vadd.s32 $0x246, v0;
	_ =	sdelay $0x1  }
0x147: {  	v10 =	vadd.s32 $0x248, v0  }
0x148: {  	[tilespmem:v57+s13+$0x0] =	vst.idx.msk $0xffff, v11;
	v11 =	vadd.s32 $0x247, v0  }
0x149: {  	v12 =	vld.idx.msk [tilespmem:v8+s12+$0x0], $0xffff  }
0x14a: {  	v13 =	vld.idx.msk [tilespmem:v9+s12+$0x0], $0xffff;
	_ =	sdelay $0x1  }
0x14b: {  	v15 =	vld.idx.msk [tilespmem:v10+s12+$0x0], $0xffff  }
0x14c: {  	v16 =	vld.idx.msk [tilespmem:v11+s12+$0x0], $0xffff  }
0x14d: {  	v12 =	vtrunc.f32 v12  }
0x14e: {  	v13 =	vtrunc.f32 v13;
	v12 =	vcvt.f32.s32 v12  }
0x14f: {  	v13 =	vcvt.f32.s32 v13  }
0x150: {  	v15 =	vtrunc.f32 v15;
	v12 =	vmul.u32 $0x6, v12  }
0x151: {  	v15 =	vcvt.f32.s32 v15;
	vm7 =	vgt.s32 v13, $0x8;
	v16 =	vtrunc.f32 v16  }
0x152: {  	v16 =	vcvt.f32.s32 v16;
	v12 =	vadd.s32 v13, v12;
	v13 =	vsel vm7, $0xFFFFFFF7, v14  }
0x153: {  	v12 =	vadd.s32 v13, v12;
	v13 =	vshll.u32 v15, $0x3  }
0x154: {  	v13 =	vadd.s32 v13, v16;
	v12 =	vadd.s32 $0xFFFFD0BA, v12  }
0x155: {  	s24 =	simm.s32 $0x50;
	[tilespmem:$0x7E0] =	vst v12;
	v12 =	vadd.s32 $0x3, v13  }
0x156: {  	s25 =	simm.s32 $0x7A0;
	s3 =	simm.s32 $0x9A0;
	s0 =	rddreg [dreg:$0x3];
	[tilespmem:$0x8E0] =	vst v12  }
0x157: {  	[tilespmem:s3], [sflag:$0x3] =	stream.indirect.gather [spmem:s0], $0x80, s25, s24, $0xb8;
	[tilespmem:$0x199A0] =	vst v63  }
0x158: {  	s26 =	simm.s32 $0x8A0;
	s28 =	simm.s32 $0x59A0  }
0x159: {  	[tilespmem:s28], [sflag:$0x3] =	stream.indirect.gather [spmem:s0], $0x80, s26, s24, $0xb8;
	[tilespmem:$0x199A0] =	vst v63  }
0x15a: {  	s8 =	simm.s32 $0x0;
	s30 =	rddreg [dreg:$0x8]  }
0x15b: {  	[tilespmem:s21], [sflag:$0x2] =	stream.linear.gather [hbm4b:s30+s6], $0x2D0, $0x38;
	[tilespmem:$0x199A0] =	vst v63  }
.LBB2_2:
0x15c: {  	s0 =	simm.s32 $0x2  }
0x15d: {  	_ =	swait.ge [sflag:s0], $0x2D0  }
0x15e: {  	p1 =	seq.s32 s8, $0x0;
	[sflag:s0] =	ssyncset.done $0x0  }
0x15f: {  	[sflag:s0] =	ssyncadd.s32 $0xFFFFFD30;
	s0 =	simm.s32 @!p1 $0x6  }
0x160: {  	_ =	swait.ge @!p1 [sflag:s0], $0x7800  }
0x161: {  	v13 =	vld [tilespmem:$0x1FDF0]  }
0x162: {  	[sflag:s0] =	ssyncset.done @!p1 $0x0  }
0x163: {  	[sflag:s0] =	ssyncadd.s32 @!p1 $0xFFFF8800  }
0x164: {  	v12 =	vld.idx.msk [tilespmem:v0+s21+$0x0], $0xffff;
	_ =	sdelay $0x4  }
0x165: {  	[tilespmem:v13+s23+$0x0] =	vst.idx.msk $0xffff, v12;
	v12 =	vld [tilespmem:$0x1FE00];
	_ =	sdelay $0x4  }
0x166: {  	v13 =	vld [tilespmem:$0x1FE10];
	_ =	sdelay $0x2  }
0x167: {  	v12 =	vld.idx.msk [tilespmem:v12+s21+$0x0], $0xffff;
	_ =	sdelay $0x4  }
0x168: {  	[tilespmem:v13+s23+$0x0] =	vst.idx.msk $0xffff, v12;
	v12 =	vld [tilespmem:$0x1FE20];
	_ =	sdelay $0x4  }
0x169: {  	v13 =	vld [tilespmem:$0x1FE30];
	_ =	sdelay $0x2  }
0x16a: {  	v12 =	vld.idx.msk [tilespmem:v12+s21+$0x0], $0xffff;
	_ =	sdelay $0x4  }
0x16b: {  	[tilespmem:v13+s23+$0x0] =	vst.idx.msk $0xffff, v12;
	v12 =	vld [tilespmem:$0x1FE40];
	_ =	sdelay $0x4  }
0x16c: {  	v13 =	vld [tilespmem:$0x1FE50];
	_ =	sdelay $0x2  }
0x16d: {  	v12 =	vld.idx.msk [tilespmem:v12+s21+$0x0], $0xffff;
	_ =	sdelay $0x4  }
0x16e: {  	[tilespmem:v13+s23+$0x0] =	vst.idx.msk $0xffff, v12;
	v12 =	vld [tilespmem:$0x1FE60];
	_ =	sdelay $0x4  }
0x16f: {  	v13 =	vld [tilespmem:$0x1FE70];
	_ =	sdelay $0x2  }
0x170: {  	v12 =	vld.idx.msk [tilespmem:v12+s21+$0x0], $0xffff;
	_ =	sdelay $0x4  }
0x171: {  	[tilespmem:v13+s23+$0x0] =	vst.idx.msk $0xffff, v12;
	v12 =	vld [tilespmem:$0x1FE80]  }
0x172: {  	v13 =	vld [tilespmem:$0x1FE90];
	_ =	sdelay $0x1  }
0x173: {  	v15 =	vld [tilespmem:$0x1FEB0]  }
0x174: {  	v16 =	vld [tilespmem:$0x1FEA0];
	_ =	sdelay $0x3  }
0x175: {  	v12 =	vld.idx.msk [tilespmem:v12+s21+$0x0], $0xffff  }
0x176: {  	v13 =	vld.idx.msk [tilespmem:v13+s21+$0x0], $0xffff;
	_ =	sdelay $0x1  }
0x177: {  	v15 =	vld.idx.msk [tilespmem:v15+s21+$0x0], $0xffff  }
0x178: {  	v16 =	vld.idx.msk [tilespmem:v16+s21+$0x0], $0xffff  }
0x179: {  	v12 =	vtrunc.f32 v12  }
0x17a: {  	v13 =	vtrunc.f32 v13;
	v12 =	vcvt.f32.s32 v12  }
0x17b: {  	v13 =	vcvt.f32.s32 v13  }
0x17c: {  	v15 =	vtrunc.f32 v15;
	v12 =	vmul.u32 $0x6, v12  }
0x17d: {  	v16 =	vtrunc.f32 v16;
	v15 =	vcvt.f32.s32 v15;
	vm7 =	vgt.s32 v13, $0x8  }
0x17e: {  	v16 =	vcvt.f32.s32 v16;
	v17 =	vsel vm7, $0xFFFFFFF7, v14;
	v12 =	vadd.s32 v13, v12  }
0x17f: {  	v13 =	vshll.u32 v15, $0x3;
	v12 =	vadd.s32 v17, v12  }
0x180: {  	v13 =	vadd.s32 v13, v16;
	v12 =	vadd.s32 $0xFFFFD0BA, v12  }
0x181: {  	[tilespmem:$0x820] =	vst v12;
	v12 =	vadd.s32 $0x3, v13  }
0x182: {  	[tilespmem:$0x920] =	vst v12;
	v12 =	vld [tilespmem:$0x1FEC0];
	_ =	sdelay $0x4  }
0x183: {  	v13 =	vld [tilespmem:$0x1FED0];
	_ =	sdelay $0x2  }
0x184: {  	v12 =	vld.idx.msk [tilespmem:v12+s21+$0x0], $0xffff;
	_ =	sdelay $0x4  }
0x185: {  	[tilespmem:v13+s23+$0x0] =	vst.idx.msk $0xffff, v12;
	v12 =	vld [tilespmem:$0x1FEE0];
	_ =	sdelay $0x4  }
0x186: {  	v13 =	vld [tilespmem:$0x1FEF0];
	_ =	sdelay $0x2  }
0x187: {  	v12 =	vld.idx.msk [tilespmem:v12+s21+$0x0], $0xffff;
	_ =	sdelay $0x4  }
0x188: {  	[tilespmem:v13+s23+$0x0] =	vst.idx.msk $0xffff, v12;
	v12 =	vld [tilespmem:$0x1FF00];
	_ =	sdelay $0x4  }
0x189: {  	v13 =	vld [tilespmem:$0x1FF10];
	_ =	sdelay $0x2  }
0x18a: {  	v12 =	vld.idx.msk [tilespmem:v12+s21+$0x0], $0xffff;
	_ =	sdelay $0x4  }
0x18b: {  	[tilespmem:v13+s23+$0x0] =	vst.idx.msk $0xffff, v12;
	v12 =	vld [tilespmem:$0x1FF20];
	_ =	sdelay $0x4  }
0x18c: {  	v13 =	vld [tilespmem:$0x1FF30];
	_ =	sdelay $0x2  }
0x18d: {  	v12 =	vld.idx.msk [tilespmem:v12+s21+$0x0], $0xffff;
	_ =	sdelay $0x4  }
0x18e: {  	[tilespmem:v13+s23+$0x0] =	vst.idx.msk $0xffff, v12;
	v12 =	vld [tilespmem:$0x1FF40];
	_ =	sdelay $0x4  }
0x18f: {  	v13 =	vld [tilespmem:$0x1FF50];
	_ =	sdelay $0x2  }
0x190: {  	v12 =	vld.idx.msk [tilespmem:v12+s21+$0x0], $0xffff;
	_ =	sdelay $0x4  }
0x191: {  	[tilespmem:v13+s23+$0x0] =	vst.idx.msk $0xffff, v12;
	v12 =	vld [tilespmem:$0x1FF60]  }
0x192: {  	v13 =	vld [tilespmem:$0x1FF70];
	_ =	sdelay $0x1  }
0x193: {  	v15 =	vld [tilespmem:$0x1FF90]  }
0x194: {  	v16 =	vld [tilespmem:$0x1FF80];
	_ =	sdelay $0x3  }
0x195: {  	v12 =	vld.idx.msk [tilespmem:v12+s21+$0x0], $0xffff  }
0x196: {  	v13 =	vld.idx.msk [tilespmem:v13+s21+$0x0], $0xffff;
	_ =	sdelay $0x1  }
0x197: {  	v15 =	vld.idx.msk [tilespmem:v15+s21+$0x0], $0xffff  }
0x198: {  	v16 =	vld.idx.msk [tilespmem:v16+s21+$0x0], $0xffff  }
0x199: {  	v12 =	vtrunc.f32 v12  }
0x19a: {  	v13 =	vtrunc.f32 v13;
	v12 =	vcvt.f32.s32 v12  }
0x19b: {  	v13 =	vcvt.f32.s32 v13  }
0x19c: {  	v15 =	vtrunc.f32 v15;
	v12 =	vmul.u32 $0x6, v12  }
0x19d: {  	v16 =	vtrunc.f32 v16;
	v15 =	vcvt.f32.s32 v15;
	vm7 =	vgt.s32 v13, $0x8  }
0x19e: {  	v16 =	vcvt.f32.s32 v16;
	v17 =	vsel vm7, $0xFFFFFFF7, v14;
	v12 =	vadd.s32 v13, v12  }
0x19f: {  	v13 =	vshll.u32 v15, $0x3;
	v12 =	vadd.s32 v17, v12  }
0x1a0: {  	v13 =	vadd.s32 v13, v16;
	v12 =	vadd.s32 $0xFFFFD0BA, v12  }
0x1a1: {  	[tilespmem:$0x830] =	vst v12;
	v12 =	vadd.s32 $0x3, v13  }
0x1a2: {  	[tilespmem:$0x930] =	vst v12;
	v12 =	vld [tilespmem:$0x1FFA0];
	_ =	sdelay $0x4  }
0x1a3: {  	v13 =	vld [tilespmem:$0x1FFB0];
	_ =	sdelay $0x2  }
0x1a4: {  	v12 =	vld.idx.msk [tilespmem:v12+s21+$0x0], $0xffff;
	_ =	sdelay $0x4  }
0x1a5: {  	[tilespmem:v13+s23+$0x0] =	vst.idx.msk $0xffff, v12;
	v12 =	vld [tilespmem:$0x1FFC0];
	_ =	sdelay $0x4  }
0x1a6: {  	v13 =	vld [tilespmem:$0x1FFD0];
	_ =	sdelay $0x2  }
0x1a7: {  	v12 =	vld.idx.msk [tilespmem:v12+s21+$0x0], $0xffff;
	_ =	sdelay $0x4  }
0x1a8: {  	[tilespmem:v13+s23+$0x0] =	vst.idx.msk $0xffff, v12  }
0x1a9: {  	v12 =	vld.idx.msk [tilespmem:v33+s21+$0x0], $0xffff;
	_ =	sdelay $0x4  }
0x1aa: {  	[tilespmem:v34+s23+$0x0] =	vst.idx.msk $0xffff, v12  }
0x1ab: {  	v12 =	vld.idx.msk [tilespmem:v35+s21+$0x0], $0xffff;
	_ =	sdelay $0x4  }
0x1ac: {  	[tilespmem:v36+s23+$0x0] =	vst.idx.msk $0xffff, v12  }
0x1ad: {  	v12 =	vld.idx.msk [tilespmem:v37+s21+$0x0], $0xffff;
	_ =	sdelay $0x4  }
0x1ae: {  	[tilespmem:v38+s23+$0x0] =	vst.idx.msk $0xffff, v12  }
0x1af: {  	v12 =	vld.idx.msk [tilespmem:v39+s21+$0x0], $0xffff  }
0x1b0: {  	v13 =	vld.idx.msk [tilespmem:v40+s21+$0x0], $0xffff;
	_ =	sdelay $0x1  }
0x1b1: {  	v15 =	vld.idx.msk [tilespmem:v42+s21+$0x0], $0xffff  }
0x1b2: {  	v16 =	vld.idx.msk [tilespmem:v41+s21+$0x0], $0xffff  }
0x1b3: {  	v12 =	vtrunc.f32 v12  }
0x1b4: {  	v13 =	vtrunc.f32 v13;
	v12 =	vcvt.f32.s32 v12  }
0x1b5: {  	v13 =	vcvt.f32.s32 v13  }
0x1b6: {  	v15 =	vtrunc.f32 v15;
	v12 =	vmul.u32 $0x6, v12  }
0x1b7: {  	v16 =	vtrunc.f32 v16;
	v15 =	vcvt.f32.s32 v15;
	vm7 =	vgt.s32 v13, $0x8  }
0x1b8: {  	v16 =	vcvt.f32.s32 v16;
	v17 =	vsel vm7, $0xFFFFFFF7, v14;
	v12 =	vadd.s32 v13, v12  }
0x1b9: {  	v13 =	vshll.u32 v15, $0x3;
	v12 =	vadd.s32 v17, v12  }
0x1ba: {  	v13 =	vadd.s32 v13, v16;
	v12 =	vadd.s32 $0xFFFFD0BA, v12  }
0x1bb: {  	[tilespmem:$0x840] =	vst v12;
	v12 =	vadd.s32 $0x3, v13  }
0x1bc: {  	[tilespmem:$0x940] =	vst v12  }
0x1bd: {  	v12 =	vld.idx.msk [tilespmem:v43+s21+$0x0], $0xffff;
	_ =	sdelay $0x4  }
0x1be: {  	[tilespmem:v44+s23+$0x0] =	vst.idx.msk $0xffff, v12  }
0x1bf: {  	v12 =	vld.idx.msk [tilespmem:v45+s21+$0x0], $0xffff;
	_ =	sdelay $0x4  }
0x1c0: {  	[tilespmem:v46+s23+$0x0] =	vst.idx.msk $0xffff, v12  }
0x1c1: {  	v12 =	vld.idx.msk [tilespmem:v47+s21+$0x0], $0xffff;
	_ =	sdelay $0x4  }
0x1c2: {  	[tilespmem:v48+s23+$0x0] =	vst.idx.msk $0xffff, v12  }
0x1c3: {  	v12 =	vld.idx.msk [tilespmem:v49+s21+$0x0], $0xffff;
	_ =	sdelay $0x4  }
0x1c4: {  	[tilespmem:v50+s23+$0x0] =	vst.idx.msk $0xffff, v12  }
0x1c5: {  	v12 =	vld.idx.msk [tilespmem:v51+s21+$0x0], $0xffff;
	_ =	sdelay $0x4  }
0x1c6: {  	[tilespmem:v52+s23+$0x0] =	vst.idx.msk $0xffff, v12  }
0x1c7: {  	v12 =	vld.idx.msk [tilespmem:v58+s21+$0x0], $0xffff  }
0x1c8: {  	v13 =	vld.idx.msk [tilespmem:v60+s21+$0x0], $0xffff;
	_ =	sdelay $0x1  }
0x1c9: {  	v15 =	vld.idx.msk [tilespmem:v2+s21+$0x0], $0xffff  }
0x1ca: {  	v16 =	vld.idx.msk [tilespmem:v1+s21+$0x0], $0xffff  }
0x1cb: {  	v12 =	vtrunc.f32 v12  }
0x1cc: {  	v13 =	vtrunc.f32 v13;
	v12 =	vcvt.f32.s32 v12  }
0x1cd: {  	v13 =	vcvt.f32.s32 v13  }
0x1ce: {  	v15 =	vtrunc.f32 v15;
	v12 =	vmul.u32 $0x6, v12  }
0x1cf: {  	v16 =	vtrunc.f32 v16;
	v15 =	vcvt.f32.s32 v15;
	vm7 =	vgt.s32 v13, $0x8  }
0x1d0: {  	v16 =	vcvt.f32.s32 v16;
	v17 =	vsel vm7, $0xFFFFFFF7, v14;
	v12 =	vadd.s32 v13, v12  }
0x1d1: {  	v13 =	vshll.u32 v15, $0x3;
	v12 =	vadd.s32 v17, v12  }
0x1d2: {  	v13 =	vadd.s32 v13, v16;
	v12 =	vadd.s32 $0xFFFFD0BA, v12  }
0x1d3: {  	[tilespmem:$0x850] =	vst v12;
	v12 =	vadd.s32 $0x3, v13  }
0x1d4: {  	[tilespmem:$0x950] =	vst v12  }
0x1d5: {  	v12 =	vld.idx.msk [tilespmem:v3+s21+$0x0], $0xffff;
	_ =	sdelay $0x4  }
0x1d6: {  	[tilespmem:v53+s23+$0x0] =	vst.idx.msk $0xffff, v12  }
0x1d7: {  	v12 =	vld.idx.msk [tilespmem:v4+s21+$0x0], $0xffff;
	_ =	sdelay $0x4  }
0x1d8: {  	[tilespmem:v54+s23+$0x0] =	vst.idx.msk $0xffff, v12  }
0x1d9: {  	v12 =	vld.idx.msk [tilespmem:v5+s21+$0x0], $0xffff;
	_ =	sdelay $0x4  }
0x1da: {  	[tilespmem:v55+s23+$0x0] =	vst.idx.msk $0xffff, v12  }
0x1db: {  	v12 =	vld.idx.msk [tilespmem:v6+s21+$0x0], $0xffff;
	_ =	sdelay $0x4  }
0x1dc: {  	[tilespmem:v56+s23+$0x0] =	vst.idx.msk $0xffff, v12  }
0x1dd: {  	v12 =	vld.idx.msk [tilespmem:v7+s21+$0x0], $0xffff;
	_ =	sdelay $0x4  }
0x1de: {  	[tilespmem:v57+s23+$0x0] =	vst.idx.msk $0xffff, v12  }
0x1df: {  	v12 =	vld.idx.msk [tilespmem:v8+s21+$0x0], $0xffff  }
0x1e0: {  	v13 =	vld.idx.msk [tilespmem:v9+s21+$0x0], $0xffff;
	_ =	sdelay $0x1  }
0x1e1: {  	v15 =	vld.idx.msk [tilespmem:v10+s21+$0x0], $0xffff  }
0x1e2: {  	v16 =	vld.idx.msk [tilespmem:v11+s21+$0x0], $0xffff  }
0x1e3: {  	v12 =	vtrunc.f32 v12  }
0x1e4: {  	v13 =	vtrunc.f32 v13;
	v12 =	vcvt.f32.s32 v12  }
0x1e5: {  	v13 =	vcvt.f32.s32 v13  }
0x1e6: {  	v15 =	vtrunc.f32 v15;
	v12 =	vmul.u32 $0x6, v12  }
0x1e7: {  	v16 =	vtrunc.f32 v16;
	v15 =	vcvt.f32.s32 v15;
	vm7 =	vgt.s32 v13, $0x8  }
0x1e8: {  	v16 =	vcvt.f32.s32 v16;
	v17 =	vsel vm7, $0xFFFFFFF7, v14;
	v12 =	vadd.s32 v13, v12  }
0x1e9: {  	v13 =	vshll.u32 v15, $0x3;
	v12 =	vadd.s32 v17, v12  }
0x1ea: {  	v13 =	vadd.s32 v13, v16;
	v12 =	vadd.s32 $0xFFFFD0BA, v12  }
0x1eb: {  	s1 =	simm.s32 $0x50;
	[tilespmem:$0x860] =	vst v12;
	v12 =	vadd.s32 $0x3, v13  }
0x1ec: {  	s2 =	simm.s32 $0x820;
	s3 =	simm.s32 $0x31A0;
	s0 =	rddreg [dreg:$0x3];
	[tilespmem:$0x960] =	vst v12  }
0x1ed: {  	[tilespmem:s3], [sflag:$0x4] =	stream.indirect.gather [spmem:s0], $0x80, s2, s1, $0xb8;
	[tilespmem:$0x199A0] =	vst v63  }
0x1ee: {  	s17 =	simm.s32 $0x920;
	s18 =	simm.s32 $0x81A0  }
0x1ef: {  	[tilespmem:s18], [sflag:$0x4] =	stream.indirect.gather [spmem:s0], $0x80, s17, s1, $0xb8;
	[tilespmem:$0x199A0] =	vst v63  }
0x1f0: {  	_ =	swait.ge [sflag:s29], $0x2800  }
0x1f1: {  	[sflag:s29] =	ssyncset.done $0x0  }
0x1f2: {  	[sflag:s29] =	ssyncadd.s32 $0xFFFFD800  }
0x1f3: {  	_ =	swait.ge [sflag:s29], $0x2800  }
0x1f4: {  	[sflag:s29] =	ssyncset.done $0x0  }
0x1f5: {  	s19 =	simm.s32 $0x0;
	s3 =	simm.s32 $0xA20;
	[sflag:s29] =	ssyncadd.s32 $0xFFFFD800  }
0x1f6: {  	s0 =	smul.u32 $0x3000, s19;
	v12 =	vld [tilespmem:s3+$0x0]  }
0x1f7: {  	v13 =	vld [tilespmem:s3+$0xFFFFFF80]  }
0x1f8: {  	s20 =	simm.s32 $0x80;
	s0 =	sshra.s32 s0, $0x2  }
0x1f9: {  	s22 =	simm.s32 $0x0;
	s7 =	sand.u32 $0x380, s20;
	s4 =	sadd.s32 $0xA9A0, s0  }
0x1fa: {  	s2 =	sand.u32 $0x300, s22;
	s9 =	sadd.s32 s7, s4  }
0x1fb: {  	s10 =	sadd.s32 s2, s4;
	[tilespmem:s9+$0x5] =	vst v12  }
0x1fc: {  	[tilespmem:s10+$0x5] =	vst v13;
	v12 =	vld [tilespmem:s3+$0x10]  }
0x1fd: {  	v13 =	vld [tilespmem:s3+$0xFFFFFF90];
	_ =	sdelay $0x3  }
0x1fe: {  	[tilespmem:s9+$0x15] =	vst v12  }
0x1ff: {  	[tilespmem:s10+$0x15] =	vst v13;
	v12 =	vld [tilespmem:s3+$0x20]  }
0x200: {  	v13 =	vld [tilespmem:s3+$0xFFFFFFA0];
	_ =	sdelay $0x3  }
0x201: {  	[tilespmem:s9+$0x25] =	vst v12  }
0x202: {  	[tilespmem:s10+$0x25] =	vst v13;
	v12 =	vld [tilespmem:s3+$0x30]  }
0x203: {  	v13 =	vld [tilespmem:s3+$0xFFFFFFB0];
	_ =	sdelay $0x3  }
0x204: {  	[tilespmem:s9+$0x35] =	vst v12  }
0x205: {  	[tilespmem:s10+$0x35] =	vst v13;
	v12 =	vld [tilespmem:s3+$0x40]  }
0x206: {  	v13 =	vld [tilespmem:s3+$0xFFFFFFC0];
	_ =	sdelay $0x3  }
0x207: {  	[tilespmem:s9+$0x45] =	vst v12  }
0x208: {  	[tilespmem:s10+$0x45] =	vst v13;
	v12 =	vld [tilespmem:s3+$0x50]  }
0x209: {  	s24 =	simm.s32 $0x0;
	s11 =	simm.s32 $0xB20;
	v13 =	vld [tilespmem:s3+$0xFFFFFFD0]  }
0x20a: {  	s1 =	smul.u32 $0x3000, s24;
	v15 =	vld [tilespmem:s11+$0x0]  }
0x20b: {  	v16 =	vld [tilespmem:s11+$0xFFFFFF80]  }
0x20c: {  	s25 =	simm.s32 $0x180;
	s16 =	sshra.s32 s1, $0x2  }
0x20d: {  	s26 =	simm.s32 $0x100;
	s15 =	sand.u32 $0x380, s25;
	s18 =	sadd.s32 $0xA9A0, s16;
	[tilespmem:s9+$0x55] =	vst v12  }
0x20e: {  	s1 =	sand.u32 $0x300, s26;
	s17 =	sadd.s32 s15, s18;
	[tilespmem:s10+$0x55] =	vst v13;
	v12 =	vld [tilespmem:s3+$0x60]  }
0x20f: {  	s18 =	sadd.s32 s1, s18;
	[tilespmem:s17+$0x5] =	vst v15;
	v13 =	vld [tilespmem:s3+$0xFFFFFFE0]  }
0x210: {  	[tilespmem:s18+$0x5] =	vst v16;
	v15 =	vld [tilespmem:s11+$0x10]  }
0x211: {  	v16 =	vld [tilespmem:s11+$0xFFFFFF90];
	_ =	sdelay $0x1  }
0x212: {  	s4 =	simm.s32 $0x5A20;
	[tilespmem:s9+$0x65] =	vst v12  }
0x213: {  	[tilespmem:s10+$0x65] =	vst v13;
	v12 =	vld [tilespmem:s4+$0x0]  }
0x214: {  	[tilespmem:s17+$0x15] =	vst v15;
	v13 =	vld [tilespmem:s4+$0xFFFFFF80]  }
0x215: {  	[tilespmem:s18+$0x15] =	vst v16;
	v15 =	vld [tilespmem:s11+$0x20]  }
0x216: {  	s0 =	sadd.s32 $0xADA0, s0;
	v16 =	vld [tilespmem:s11+$0xFFFFFFA0]  }
0x217: {  	s10 =	sadd.s32 s7, s0  }
0x218: {  	s9 =	sadd.s32 s2, s0;
	[tilespmem:s10+$0x5] =	vst v12  }
0x219: {  	[tilespmem:s9+$0x5] =	vst v13;
	v12 =	vld [tilespmem:s4+$0x10]  }
0x21a: {  	[tilespmem:s17+$0x25] =	vst v15;
	v13 =	vld [tilespmem:s4+$0xFFFFFF90]  }
0x21b: {  	[tilespmem:s18+$0x25] =	vst v16;
	v15 =	vld [tilespmem:s11+$0x30]  }
0x21c: {  	v16 =	vld [tilespmem:s11+$0xFFFFFFB0];
	_ =	sdelay $0x1  }
0x21d: {  	[tilespmem:s10+$0x15] =	vst v12  }
0x21e: {  	[tilespmem:s9+$0x15] =	vst v13;
	v12 =	vld [tilespmem:s4+$0x20]  }
0x21f: {  	[tilespmem:s17+$0x35] =	vst v15;
	v13 =	vld [tilespmem:s4+$0xFFFFFFA0]  }
0x220: {  	[tilespmem:s18+$0x35] =	vst v16;
	v15 =	vld [tilespmem:s11+$0x40]  }
0x221: {  	v16 =	vld [tilespmem:s11+$0xFFFFFFC0];
	_ =	sdelay $0x1  }
0x222: {  	[tilespmem:s10+$0x25] =	vst v12  }
0x223: {  	[tilespmem:s9+$0x25] =	vst v13;
	v12 =	vld [tilespmem:s4+$0x30]  }
0x224: {  	[tilespmem:s17+$0x45] =	vst v15;
	v13 =	vld [tilespmem:s4+$0xFFFFFFB0]  }
0x225: {  	[tilespmem:s18+$0x45] =	vst v16;
	v15 =	vld [tilespmem:s11+$0x50]  }
0x226: {  	s5 =	simm.s32 $0x0;
	v16 =	vld [tilespmem:s11+$0xFFFFFFD0];
	s7 =	simm.s32 $0xC20  }
0x227: {  	s0 =	smul.u32 $0x3000, s5;
	v17 =	vld [tilespmem:s7+$0x0]  }
0x228: {  	v18 =	vld [tilespmem:s7+$0xFFFFFF80];
	[tilespmem:s10+$0x35] =	vst v12  }
0x229: {  	s20 =	sshra.s32 s0, $0x2;
	s0 =	simm.s32 $0x280;
	[tilespmem:s9+$0x35] =	vst v13;
	v12 =	vld [tilespmem:s4+$0x40]  }
0x22a: {  	s14 =	simm.s32 $0x200;
	[tilespmem:s17+$0x55] =	vst v15;
	s19 =	sadd.s32 $0xA9A0, s20;
	s24 =	sand.u32 $0x380, s0;
	v13 =	vld [tilespmem:s4+$0xFFFFFFC0]  }
0x22b: {  	s25 =	sand.u32 $0x300, s14;
	[tilespmem:s18+$0x55] =	vst v16;
	v15 =	vld [tilespmem:s11+$0x60];
	s26 =	sadd.s32 s24, s19  }
0x22c: {  	v16 =	vld [tilespmem:s11+$0xFFFFFFE0];
	s28 =	sadd.s32 s25, s19;
	[tilespmem:s26+$0x5] =	vst v17  }
0x22d: {  	[tilespmem:s28+$0x5] =	vst v18;
	v17 =	vld [tilespmem:s7+$0x10]  }
0x22e: {  	v18 =	vld [tilespmem:s7+$0xFFFFFF90];
	[tilespmem:s10+$0x45] =	vst v12  }
0x22f: {  	[tilespmem:s9+$0x45] =	vst v13;
	v12 =	vld [tilespmem:s4+$0x50]  }
0x230: {  	[tilespmem:s17+$0x65] =	vst v15;
	s19 =	simm.s32 $0x5B20;
	v13 =	vld [tilespmem:s4+$0xFFFFFFD0]  }
0x231: {  	[tilespmem:s18+$0x65] =	vst v16;
	v15 =	vld [tilespmem:s19+$0x0]  }
0x232: {  	[tilespmem:s26+$0x15] =	vst v17  }
0x233: {  	[tilespmem:s28+$0x15] =	vst v18  }
0x234: {  	s16 =	sadd.s32 $0xADA0, s16;
	[tilespmem:s10+$0x55] =	vst v12  }
0x235: {  	s15 =	sadd.s32 s15, s16;
	[tilespmem:s9+$0x55] =	vst v13  }
0x236: {  	v12 =	vld [tilespmem:$0x1FFF0];
	[tilespmem:s15+$0x5] =	vst v15  }
0x237: {  	v23 =	vld [tilespmem:$0x1FFE0]  }
0x238: {  	v16 =	vld [tilespmem:s19+$0xFFFFFF80]  }
0x239: {  	v21 =	vnsel vm5, $0x404, v61  }
0x23a: {  	v20 =	vsel vm4, v62, v61;
	v21 =	vsel vm4, v62, v21;
	s22 =	simm.s32 $0x1;
	s18 =	simm.s32 $0x0;
	v17 =	vld [tilespmem:s7+$0x20]  }
0x23b: {  	v22 =	vmov s22;
	v19 =	vmov s18;
	v12 =	vcombine.low v20, v12;
	v20 =	vld [tilespmem:s4+$0x60]  }
0x23c: {  	s1 =	sadd.s32 s1, s16;
	v13 =	vshll.u32 v19, $0x7;
	v19 =	vshrl.u32 v19, $0x3;
	v15 =	vld [tilespmem:s4+$0xFFFFFFE0];
	v21 =	vsel vm6, v23, v21  }
0x23d: {  	v19 =	vmul.u32 $0xC00, v19;
	[tilespmem:s1+$0x5] =	vst v16;
	v16 =	vld [tilespmem:s19+$0x10];
	v23 =	vshrl.u32 v22, $0x3;
	v21 =	vsel vm0, $0x400, v21  }
0x23e: {  	v18 =	vld [tilespmem:s7+$0xFFFFFFA0];
	v22 =	vshll.u32 v22, $0x7;
	v23 =	vmul.u32 $0xC00, v23;
	v21 =	vsel vm1, $0x401, v21  }
0x23f: {  	v13 =	vand.u32 $0x300, v13;
	[tilespmem:s26+$0x25] =	vst v17;
	v22 =	vand.u32 $0x380, v22;
	v21 =	vsel vm2, $0x402, v21  }
0x240: {  	v17 =	vld [tilespmem:s19+$0xFFFFFF90];
	v24 =	vor.u32 v13, v19;
	[tilespmem:s10+$0x65] =	vst v20;
	v13 =	vsel vm3, $0x403, v21;
	v20 =	vor.u32 v22, v23  }
0x241: {  	[tilespmem:s9+$0x65] =	vst v15;
	v15 =	vadd.s32 v12, v24;
	v21 =	vld [tilespmem:s3+$0x70];
	v22 =	vadd.s32 v13, v20  }
0x242: {  	[tilespmem:s15+$0x15] =	vst v16;
	v16 =	vld [tilespmem:s3+$0xFFFFFFF0];
	v15 =	vadd.s32 v59, v15  }
0x243: {  	[tilespmem:s28+$0x25] =	vst v18;
	v18 =	vld [tilespmem:s7+$0x30]  }
0x244: {  	v19 =	vld [tilespmem:s7+$0xFFFFFFB0]  }
0x245: {  	[tilespmem:s1+$0x15] =	vst v17  }
0x246: {  	v17 =	vld [tilespmem:s19+$0x20];
	[tilespmem:v22+s13+$0x0] =	vst.idx.msk $0xffff, v21  }
0x247: {  	v20 =	vadd.s32 v63, v20;
	[tilespmem:v15+s13+$0x0] =	vst.idx.msk $0xffff, v16;
	v16 =	vld [tilespmem:s4+$0x70]  }
0x248: {  	[tilespmem:s26+$0x35] =	vst v18;
	v18 =	vld [tilespmem:s19+$0xFFFFFFA0]  }
0x249: {  	[tilespmem:s28+$0x35] =	vst v19;
	v19 =	vld [tilespmem:s7+$0x40]  }
0x24a: {  	v21 =	vld [tilespmem:s7+$0xFFFFFFC0]  }
0x24b: {  	[tilespmem:s15+$0x25] =	vst v17  }
0x24c: {  	v15 =	vld [tilespmem:s4+$0xFFFFFFF0];
	[tilespmem:v20+s13+$0x0] =	vst.idx.msk $0xffff, v16;
	v16 =	vadd.s32 v63, v24  }
0x24d: {  	[tilespmem:s1+$0x25] =	vst v18;
	v17 =	vld [tilespmem:s19+$0x30]  }
0x24e: {  	s30 =	simm.s32 $0x4;
	s16 =	simm.s32 $0x5B20;
	[tilespmem:s26+$0x45] =	vst v19;
	v18 =	vld [tilespmem:s19+$0xFFFFFFB0]  }
0x24f: {  	s17 =	simm.s32 $0xD20;
	s18 =	simm.s32 $0x6;
	s9 =	simm.s32 $0x0;
	v19 =	vld [tilespmem:s7+$0x50];
	[tilespmem:s28+$0x45] =	vst v21  }
0x250: {  	s10 =	simm.s32 $0x2;
	s3 =	sshll.u32 s8, $0x1;
	s4 =	simm.s32 $0x8;
	v20 =	vld [tilespmem:s7+$0xFFFFFFD0]  }
.LBB2_3:
0x251: {  	p1 =	slt.u32 s4, $0x4E;
	s2 =	smul.u32 $0x3000, s9;
	v21 =	vld [tilespmem:s17+$0x0];
	[tilespmem:v16+s13+$0x0] =	vst.idx.msk $0xffff, v15  }
0x252: {  	v15 =	vld [tilespmem:s17+$0xFFFFFF80];
	[tilespmem:s15+$0x35] =	vst v17  }
0x253: {  	s0 =	sadd.s32 $0x100, s0;
	s2 =	sshra.s32 s2, $0x2;
	[tilespmem:s1+$0x35] =	vst v18;
	v16 =	vld [tilespmem:s19+$0x40]  }
0x254: {  	s9 =	sadd.s32 $0xFFFFFF80, s0;
	s14 =	sand.u32 $0x380, s0;
	s22 =	sadd.s32 $0xA9A0, s2;
	[tilespmem:s26+$0x55] =	vst v19;
	v17 =	vld [tilespmem:s19+$0xFFFFFFC0]  }
0x255: {  	s9 =	sand.u32 $0x300, s9;
	s5 =	sadd.s32 s14, s22;
	[tilespmem:s28+$0x55] =	vst v20;
	v18 =	vld [tilespmem:s7+$0x60]  }
0x256: {  	s22 =	sadd.s32 s9, s22;
	[tilespmem:s5+$0x5] =	vst v21;
	v19 =	vld [tilespmem:s7+$0xFFFFFFE0]  }
0x257: {  	[tilespmem:s22+$0x5] =	vst v15;
	v15 =	vld [tilespmem:s17+$0x10]  }
0x258: {  	v20 =	vld [tilespmem:s17+$0xFFFFFF90];
	[tilespmem:s15+$0x45] =	vst v16  }
0x259: {  	[tilespmem:s1+$0x45] =	vst v17;
	v16 =	vld [tilespmem:s19+$0x50]  }
0x25a: {  	s19 =	sadd.s32 $0x100, s19;
	[tilespmem:s26+$0x65] =	vst v18;
	v17 =	vld [tilespmem:s16+$0xFFFFFFD0];
	s26 =	smov.u32 s5  }
0x25b: {  	[tilespmem:s28+$0x65] =	vst v19;
	v18 =	vld [tilespmem:s19+$0x0];
	s28 =	smov.u32 s22  }
0x25c: {  	[tilespmem:s26+$0x15] =	vst v15;
	v15 =	vld [tilespmem:s19+$0xFFFFFF80]  }
0x25d: {  	[tilespmem:s28+$0x15] =	vst v20;
	v19 =	vld [tilespmem:s17+$0x20]  }
0x25e: {  	v21 =	vmov s10;
	s5 =	sadd.s32 $0xADA0, s20;
	s20 =	smov.u32 s2;
	v20 =	vld [tilespmem:s17+$0xFFFFFFA0];
	[tilespmem:s15+$0x55] =	vst v16  }
0x25f: {  	s10 =	sadd.s32 $0x1, s10;
	s2 =	sadd.s32 s25, s5;
	s5 =	sadd.s32 s24, s5;
	v16 =	vshll.u32 v21, $0x7;
	[tilespmem:s1+$0x55] =	vst v17;
	v17 =	vld [tilespmem:s16+$0x60]  }
0x260: {  	v22 =	vmov s10;
	s10 =	smov.u32 s30;
	s24 =	smov.u32 s14;
	s25 =	smov.u32 s9;
	v21 =	vshrl.u32 v21, $0x3;
	[tilespmem:s5+$0x5] =	vst v18;
	v18 =	vld [tilespmem:s16+$0xFFFFFFE0]  }
0x261: {  	s30 =	smov.u32 s18;
	s18 =	smov.u32 s4;
	v23 =	vshrl.u32 v22, $0x3;
	v21 =	vmul.u32 $0xC00, v21;
	[tilespmem:s2+$0x5] =	vst v15;
	v15 =	vld [tilespmem:s19+$0x10]  }
0x262: {  	v22 =	vshll.u32 v22, $0x7;
	v23 =	vmul.u32 $0xC00, v23;
	[tilespmem:s26+$0x25] =	vst v19;
	v19 =	vld [tilespmem:s19+$0xFFFFFF90]  }
0x263: {  	v22 =	vand.u32 $0x380, v22;
	v16 =	vand.u32 $0x300, v16;
	[tilespmem:s28+$0x25] =	vst v20;
	v20 =	vld [tilespmem:s17+$0x30]  }
0x264: {  	v16 =	vor.u32 v16, v21;
	v24 =	vld [tilespmem:s17+$0xFFFFFFB0];
	[tilespmem:s15+$0x65] =	vst v17;
	v17 =	vor.u32 v22, v23;
	s15 =	smov.u32 s5  }
0x265: {  	[tilespmem:s1+$0x65] =	vst v18;
	v18 =	vadd.s32 v12, v16;
	v21 =	vld [tilespmem:s11+$0x70];
	v22 =	vadd.s32 v13, v17;
	s1 =	smov.u32 s2  }
0x266: {  	[tilespmem:s15+$0x15] =	vst v15;
	v15 =	vld [tilespmem:s11+$0xFFFFFFF0];
	v18 =	vadd.s32 v59, v18;
	s11 =	smov.u32 s7;
	s7 =	smov.u32 s17  }
0x267: {  	[tilespmem:s1+$0x15] =	vst v19;
	v19 =	vld [tilespmem:s19+$0x20]  }
0x268: {  	[tilespmem:s26+$0x35] =	vst v20;
	v20 =	vld [tilespmem:s19+$0xFFFFFFA0]  }
0x269: {  	[tilespmem:s28+$0x35] =	vst v24;
	v23 =	vld [tilespmem:s17+$0x40]  }
0x26a: {  	v24 =	vld [tilespmem:s17+$0xFFFFFFC0];
	[tilespmem:v22+s13+$0x0] =	vst.idx.msk $0xffff, v21  }
0x26b: {  	v22 =	vadd.s32 v63, v17;
	[tilespmem:v18+s13+$0x0] =	vst.idx.msk $0xffff, v15;
	v21 =	vld [tilespmem:s16+$0x70]  }
.Ltmp2:
0x26c: {  	v16 =	vadd.s32 v63, v16;
	[tilespmem:s15+$0x25] =	vst v19;
	v15 =	vld [tilespmem:s16+$0xFFFFFFF0];
	s16 =	smov.u32 s19;
	(pc) =	sbr.rel @p1 .LBB2_3-.Ltmp2, $4  }
0x26d: {  	[tilespmem:s1+$0x25] =	vst v20;
	v17 =	vld [tilespmem:s19+$0x30]  }
0x26e: {  	[tilespmem:s26+$0x45] =	vst v23;
	v18 =	vld [tilespmem:s19+$0xFFFFFFB0]  }
0x26f: {  	[tilespmem:s28+$0x45] =	vst v24;
	v19 =	vld [tilespmem:s17+$0x50]  }
0x270: {  	s4 =	sadd.s32 $0x2, s4;
	s9 =	sshrl.u32 s18, $0x3;
	s17 =	sadd.s32 $0x100, s17;
	v20 =	vld [tilespmem:s7+$0xFFFFFFD0];
	[tilespmem:v22+s13+$0x0] =	vst.idx.msk $0xffff, v21  }
0x271: {  	s2 =	smul.u32 $0x3000, s9;
	v21 =	vld [tilespmem:s17+$0x0]  }
0x272: {  	v22 =	vld [tilespmem:s17+$0xFFFFFF80]  }
0x273: {  	s0 =	sadd.s32 $0x100, s0;
	s2 =	sshra.s32 s2, $0x2  }
0x274: {  	s4 =	sadd.s32 $0xFFFFFF80, s0;
	s9 =	sand.u32 $0x380, s0;
	s5 =	sadd.s32 $0xA9A0, s2  }
0x275: {  	s14 =	sand.u32 $0x300, s4;
	s0 =	sadd.s32 s9, s5  }
0x276: {  	s5 =	sadd.s32 s14, s5;
	[tilespmem:s0+$0x5] =	vst v21  }
0x277: {  	[tilespmem:s5+$0x5] =	vst v22;
	v21 =	vld [tilespmem:s17+$0x10]  }
0x278: {  	v22 =	vld [tilespmem:s17+$0xFFFFFF90];
	_ =	sdelay $0x3  }
0x279: {  	[tilespmem:s0+$0x15] =	vst v21  }
0x27a: {  	[tilespmem:s5+$0x15] =	vst v22;
	v21 =	vld [tilespmem:s17+$0x20]  }
0x27b: {  	v22 =	vld [tilespmem:s17+$0xFFFFFFA0];
	_ =	sdelay $0x3  }
0x27c: {  	[tilespmem:s0+$0x25] =	vst v21  }
0x27d: {  	[tilespmem:s5+$0x25] =	vst v22;
	v21 =	vld [tilespmem:s17+$0x30]  }
0x27e: {  	v22 =	vld [tilespmem:s17+$0xFFFFFFB0];
	_ =	sdelay $0x3  }
0x27f: {  	[tilespmem:s0+$0x35] =	vst v21  }
0x280: {  	[tilespmem:s5+$0x35] =	vst v22;
	v21 =	vld [tilespmem:s17+$0x40]  }
0x281: {  	v22 =	vld [tilespmem:s17+$0xFFFFFFC0];
	_ =	sdelay $0x3  }
0x282: {  	[tilespmem:s0+$0x45] =	vst v21  }
0x283: {  	[tilespmem:s5+$0x45] =	vst v22;
	v21 =	vld [tilespmem:s17+$0x50]  }
0x284: {  	[tilespmem:s26+$0x55] =	vst v19;
	v22 =	vld [tilespmem:s17+$0xFFFFFFD0]  }
0x285: {  	[tilespmem:s28+$0x55] =	vst v20;
	v19 =	vld [tilespmem:s7+$0x60]  }
0x286: {  	v20 =	vld [tilespmem:s7+$0xFFFFFFE0];
	_ =	sdelay $0x1  }
0x287: {  	[tilespmem:s0+$0x55] =	vst v21  }
0x288: {  	[tilespmem:s5+$0x55] =	vst v22;
	v21 =	vld [tilespmem:s17+$0x60]  }
0x289: {  	s4 =	sadd.s32 $0x100, s19;
	[tilespmem:s26+$0x65] =	vst v19;
	v22 =	vld [tilespmem:s17+$0xFFFFFFE0]  }
0x28a: {  	[tilespmem:s28+$0x65] =	vst v20;
	v19 =	vld [tilespmem:s4+$0x0]  }
0x28b: {  	v20 =	vld [tilespmem:s4+$0xFFFFFF80];
	_ =	sdelay $0x1  }
0x28c: {  	s22 =	sadd.s32 $0xADA0, s20;
	[tilespmem:s0+$0x65] =	vst v21;
	s0 =	sadd.s32 $0x100, s4  }
0x28d: {  	s24 =	sadd.s32 s24, s22;
	[tilespmem:s5+$0x65] =	vst v22;
	v21 =	vld [tilespmem:s0+$0x0]  }
0x28e: {  	s20 =	sadd.s32 s25, s22;
	[tilespmem:s24+$0x5] =	vst v19;
	v22 =	vld [tilespmem:s0+$0xFFFFFF80]  }
0x28f: {  	[tilespmem:s20+$0x5] =	vst v20;
	v19 =	vld [tilespmem:s4+$0x10]  }
0x290: {  	s2 =	sadd.s32 $0xADA0, s2;
	v20 =	vld [tilespmem:s4+$0xFFFFFF90]  }
0x291: {  	s9 =	sadd.s32 s9, s2  }
0x292: {  	s14 =	sadd.s32 s14, s2;
	[tilespmem:s9+$0x5] =	vst v21  }
0x293: {  	[tilespmem:s14+$0x5] =	vst v22;
	v21 =	vld [tilespmem:s0+$0x10]  }
0x294: {  	[tilespmem:s24+$0x15] =	vst v19;
	v22 =	vld [tilespmem:s0+$0xFFFFFF90]  }
0x295: {  	[tilespmem:s20+$0x15] =	vst v20;
	v19 =	vld [tilespmem:s4+$0x20]  }
0x296: {  	v20 =	vld [tilespmem:s4+$0xFFFFFFA0];
	_ =	sdelay $0x1  }
0x297: {  	[tilespmem:s9+$0x15] =	vst v21  }
0x298: {  	[tilespmem:s14+$0x15] =	vst v22;
	v21 =	vld [tilespmem:s0+$0x20]  }
0x299: {  	[tilespmem:s24+$0x25] =	vst v19;
	v22 =	vld [tilespmem:s0+$0xFFFFFFA0]  }
0x29a: {  	[tilespmem:s20+$0x25] =	vst v20;
	v19 =	vld [tilespmem:s4+$0x30]  }
0x29b: {  	[tilespmem:s15+$0x35] =	vst v17;
	v20 =	vld [tilespmem:s4+$0xFFFFFFB0]  }
0x29c: {  	[tilespmem:s1+$0x35] =	vst v18;
	v27 =	vld [tilespmem:s19+$0x40]  }
0x29d: {  	v28 =	vld [tilespmem:s19+$0xFFFFFFC0];
	[tilespmem:s9+$0x25] =	vst v21  }
0x29e: {  	[tilespmem:s14+$0x25] =	vst v22;
	v21 =	vld [tilespmem:s0+$0x30]  }
0x29f: {  	[tilespmem:s24+$0x35] =	vst v19;
	v26 =	vld [tilespmem:s0+$0xFFFFFFB0]  }
0x2a0: {  	[tilespmem:s20+$0x35] =	vst v20;
	v19 =	vld [tilespmem:s4+$0x40]  }
0x2a1: {  	[tilespmem:s15+$0x45] =	vst v27;
	v20 =	vld [tilespmem:s4+$0xFFFFFFC0]  }
0x2a2: {  	v32 =	vld [tilespmem:s19+$0x50];
	[tilespmem:s1+$0x45] =	vst v28  }
0x2a3: {  	v22 =	vld [tilespmem:s16+$0xFFFFFFD0];
	[tilespmem:s9+$0x35] =	vst v21  }
0x2a4: {  	[tilespmem:s14+$0x35] =	vst v26;
	v29 =	vld [tilespmem:s0+$0x40]  }
0x2a5: {  	[tilespmem:s24+$0x45] =	vst v19;
	v31 =	vld [tilespmem:s0+$0xFFFFFFC0]  }
0x2a6: {  	[tilespmem:s20+$0x45] =	vst v20;
	v20 =	vld [tilespmem:s4+$0x50]  }
0x2a7: {  	[tilespmem:s15+$0x55] =	vst v32;
	v24 =	vld [tilespmem:s4+$0xFFFFFFD0]  }
0x2a8: {  	v30 =	vmov s10;
	s22 =	sadd.s32 $0x1, s10;
	[tilespmem:s1+$0x55] =	vst v22;
	v22 =	vld [tilespmem:s16+$0x60]  }
0x2a9: {  	v23 =	vmov s22;
	v19 =	vshll.u32 v30, $0x7;
	v26 =	vshrl.u32 v30, $0x3;
	v30 =	vld [tilespmem:s16+$0xFFFFFFE0];
	[tilespmem:s9+$0x45] =	vst v29  }
0x2aa: {  	v25 =	vmov s30;
	v27 =	vshrl.u32 v23, $0x3;
	[tilespmem:s14+$0x45] =	vst v31;
	v18 =	vld [tilespmem:s0+$0x50]  }
0x2ab: {  	s25 =	sadd.s32 $0x1, s30;
	v23 =	vshll.u32 v23, $0x7;
	[tilespmem:s24+$0x55] =	vst v20;
	v21 =	vmul.u32 $0xC00, v26;
	v26 =	vmul.u32 $0xC00, v27;
	v27 =	vld [tilespmem:s0+$0xFFFFFFD0]  }
0x2ac: {  	v17 =	vmov s25;
	v23 =	vand.u32 $0x380, v23;
	v19 =	vand.u32 $0x300, v19;
	[tilespmem:s20+$0x55] =	vst v24  }
0x2ad: {  	v28 =	vmov s18;
	v19 =	vor.u32 v19, v21;
	v20 =	vor.u32 v23, v26;
	v23 =	vld [tilespmem:s4+$0x60];
	[tilespmem:s15+$0x65] =	vst v22  }
0x2ae: {  	v26 =	vld [tilespmem:s4+$0xFFFFFFE0];
	v21 =	vadd.s32 v12, v19;
	v22 =	vadd.s32 v13, v20;
	[tilespmem:s1+$0x65] =	vst v30;
	v31 =	vshrl.u32 v25, $0x3  }
0x2af: {  	v21 =	vadd.s32 v59, v21;
	v25 =	vshll.u32 v25, $0x7;
	v24 =	vmul.u32 $0xC00, v31;
	[tilespmem:s9+$0x55] =	vst v18  }
0x2b0: {  	s28 =	sadd.s32 $0x1, s18;
	v30 =	vshll.u32 v28, $0x7;
	v28 =	vshrl.u32 v28, $0x3;
	v25 =	vand.u32 $0x300, v25;
	[tilespmem:s14+$0x55] =	vst v27;
	v27 =	vld [tilespmem:s0+$0x60]  }
0x2b1: {  	v29 =	vmov s28;
	v31 =	vshrl.u32 v17, $0x3;
	v24 =	vor.u32 v25, v24;
	v25 =	vld [tilespmem:s0+$0xFFFFFFE0]  }
0x2b2: {  	v30 =	vand.u32 $0x300, v30;
	v17 =	vshll.u32 v17, $0x7;
	v32 =	vmul.u32 $0xC00, v31;
	[tilespmem:s24+$0x65] =	vst v23  }
0x2b3: {  	v17 =	vand.u32 $0x380, v17;
	v23 =	vld [tilespmem:s11+$0x70];
	v31 =	vshrl.u32 v29, $0x3;
	[tilespmem:s20+$0x65] =	vst v26;
	v26 =	vmul.u32 $0xC00, v28  }
0x2b4: {  	v29 =	vshll.u32 v29, $0x7;
	v28 =	vmul.u32 $0xC00, v31;
	v17 =	vor.u32 v17, v32;
	v32 =	vld [tilespmem:s11+$0xFFFFFFF0]  }
0x2b5: {  	v29 =	vand.u32 $0x380, v29;
	v31 =	vadd.s32 v13, v17;
	v18 =	vadd.s32 v12, v24;
	[tilespmem:s9+$0x65] =	vst v27;
	v27 =	vld [tilespmem:s7+$0x70]  }
0x2b6: {  	v26 =	vor.u32 v30, v26;
	v28 =	vor.u32 v29, v28;
	v18 =	vadd.s32 v59, v18;
	[tilespmem:s14+$0x65] =	vst v25;
	v25 =	vld [tilespmem:s7+$0xFFFFFFF0]  }
0x2b7: {  	[tilespmem:v16+s13+$0x0] =	vst.idx.msk $0xffff, v15;
	v15 =	vadd.s32 v12, v26;
	v29 =	vadd.s32 v13, v28;
	v16 =	vld [tilespmem:s17+$0x70]  }
0x2b8: {  	v15 =	vadd.s32 v59, v15;
	[tilespmem:v22+s13+$0x0] =	vst.idx.msk $0xffff, v23;
	v30 =	vld [tilespmem:s17+$0xFFFFFFF0]  }
0x2b9: {  	v20 =	vadd.s32 v63, v20;
	[tilespmem:v21+s13+$0x0] =	vst.idx.msk $0xffff, v32;
	v32 =	vld [tilespmem:s16+$0x70]  }
0x2ba: {  	v19 =	vadd.s32 v63, v19;
	v23 =	vld [tilespmem:s16+$0xFFFFFFF0];
	[tilespmem:v31+s13+$0x0] =	vst.idx.msk $0xffff, v27  }
0x2bb: {  	v17 =	vadd.s32 v63, v17;
	[tilespmem:v18+s13+$0x0] =	vst.idx.msk $0xffff, v25;
	v18 =	vld [tilespmem:s4+$0x70]  }
0x2bc: {  	v24 =	vadd.s32 v63, v24;
	[tilespmem:v29+s13+$0x0] =	vst.idx.msk $0xffff, v16;
	v29 =	vld [tilespmem:s4+$0xFFFFFFF0]  }
0x2bd: {  	[tilespmem:v15+s13+$0x0] =	vst.idx.msk $0xffff, v30;
	v30 =	vadd.s32 v63, v28;
	v15 =	vld [tilespmem:s0+$0x70]  }
0x2be: {  	[tilespmem:v20+s13+$0x0] =	vst.idx.msk $0xffff, v32;
	v32 =	vadd.s32 v63, v26;
	v31 =	vld [tilespmem:s0+$0xFFFFFFF0]  }
0x2bf: {  	s11 =	smul.u32 $0xA0, s8;
	[tilespmem:v19+s13+$0x0] =	vst.idx.msk $0xffff, v23  }
0x2c0: {  	s30 =	rddreg [dreg:$0x5];
	[tilespmem:v17+s13+$0x0] =	vst.idx.msk $0xffff, v18  }
0x2c1: {  	s0 =	sadd.s32 s30, s11;
	[tilespmem:v24+s13+$0x0] =	vst.idx.msk $0xffff, v29  }
0x2c2: {  	p1 =	seq.s32 s8, $0x9F;
	s0 =	sshrl.u32 s0, $0x3;
	[tilespmem:v30+s13+$0x0] =	vst.idx.msk $0xffff, v15  }
0x2c3: {  	s15 =	sor.u32 @!p1 $0x1, s3;
	s0 =	smul.u32 $0x180, s0;
	[tilespmem:v32+s13+$0x0] =	vst.idx.msk $0xffff, v31  }
0x2c4: {  	p2 =	sgt.u32 @!p1 s15, $0x13E;
	s1 =	rddreg [dreg:$0x6]  }
0x2c5: {  	p2 =	por p1, p2;
	s0 =	sadd.s32 s1, s0  }
0x2c6: {  	[hbm4b:s0+s6] =	stream.linear.scatter [tilespmem:s13], [sflag:$0x5], $0x7800, $0x38;
	[tilespmem:$0x199A0] =	vst v63  }
.Ltmp3:
0x2c7: {  	s0 =	rddreg [dreg:$0x9];
	(pc) =	sbr.rel @p2 .LBB2_5-.Ltmp3, $4  }
0x2c8: {  	s2 =	rddreg [dreg:$0x0];
	s0 =	sadd.s32 @!p1 s11, s0  }
0x2c9: {  	s1 =	sshrl.u32 @!p1 s0, $0x3;
	s0 =	sadd.s32 @!p1 s2, s0  }
0x2ca: {  	s2 =	simm.s32 @!p1 $0x1A0;
	s0 =	sadd.s32 @!p1 s1, s0;
	s1 =	simm.s32 @!p1 $0x0  }
0x2cb: {  	[tilespmem:s2], [sflag:$0x1] =	stream.linear.gather @!p1 [hbm4b:s0+s1], $0x2D0, $0x38;
	[tilespmem:$0x199A0] =	vst v63  }
0x2cc: {  	s0 =	simm.s32 $0x1  }
0x2cd: {  	_ =	swait.ge [sflag:s0], $0x2D0  }
0x2ce: {  	[sflag:s0] =	ssyncset.done $0x0  }
0x2cf: {  	s26 =	simm.s32 $0x5;
	[sflag:s0] =	ssyncadd.s32 $0xFFFFFD30  }
0x2d0: {  	_ =	swait.ge [sflag:s26], $0x7800  }
0x2d1: {  	v16 =	vld [tilespmem:$0x1FDF0]  }
0x2d2: {  	[sflag:s26] =	ssyncset.done $0x0  }
0x2d3: {  	[sflag:s26] =	ssyncadd.s32 $0xFFFF8800  }
0x2d4: {  	v15 =	vld.idx.msk [tilespmem:v0+s12+$0x0], $0xffff;
	_ =	sdelay $0x4  }
0x2d5: {  	[tilespmem:v16+s13+$0x0] =	vst.idx.msk $0xffff, v15;
	v15 =	vld [tilespmem:$0x1FE00];
	_ =	sdelay $0x4  }
0x2d6: {  	v25 =	vld [tilespmem:$0x1FE10];
	_ =	sdelay $0x2  }
0x2d7: {  	v15 =	vld.idx.msk [tilespmem:v15+s12+$0x0], $0xffff;
	_ =	sdelay $0x4  }
0x2d8: {  	[tilespmem:v25+s13+$0x0] =	vst.idx.msk $0xffff, v15;
	v15 =	vld [tilespmem:$0x1FE20];
	_ =	sdelay $0x4  }
0x2d9: {  	v26 =	vld [tilespmem:$0x1FE30];
	_ =	sdelay $0x2  }
0x2da: {  	v15 =	vld.idx.msk [tilespmem:v15+s12+$0x0], $0xffff;
	_ =	sdelay $0x4  }
0x2db: {  	[tilespmem:v26+s13+$0x0] =	vst.idx.msk $0xffff, v15;
	v15 =	vld [tilespmem:$0x1FE40];
	_ =	sdelay $0x4  }
0x2dc: {  	v27 =	vld [tilespmem:$0x1FE50];
	_ =	sdelay $0x2  }
0x2dd: {  	v15 =	vld.idx.msk [tilespmem:v15+s12+$0x0], $0xffff;
	_ =	sdelay $0x4  }
0x2de: {  	[tilespmem:v27+s13+$0x0] =	vst.idx.msk $0xffff, v15;
	v15 =	vld [tilespmem:$0x1FE60];
	_ =	sdelay $0x4  }
0x2df: {  	v28 =	vld [tilespmem:$0x1FE70];
	_ =	sdelay $0x2  }
0x2e0: {  	v15 =	vld.idx.msk [tilespmem:v15+s12+$0x0], $0xffff;
	_ =	sdelay $0x4  }
0x2e1: {  	[tilespmem:v28+s13+$0x0] =	vst.idx.msk $0xffff, v15;
	v15 =	vld [tilespmem:$0x1FE80]  }
0x2e2: {  	v29 =	vld [tilespmem:$0x1FE90];
	_ =	sdelay $0x1  }
0x2e3: {  	v17 =	vld [tilespmem:$0x1FEB0]  }
0x2e4: {  	v18 =	vld [tilespmem:$0x1FEA0];
	_ =	sdelay $0x3  }
0x2e5: {  	v15 =	vld.idx.msk [tilespmem:v15+s12+$0x0], $0xffff  }
0x2e6: {  	v16 =	vld.idx.msk [tilespmem:v29+s12+$0x0], $0xffff;
	_ =	sdelay $0x1  }
0x2e7: {  	v17 =	vld.idx.msk [tilespmem:v17+s12+$0x0], $0xffff  }
0x2e8: {  	v18 =	vld.idx.msk [tilespmem:v18+s12+$0x0], $0xffff  }
0x2e9: {  	v15 =	vtrunc.f32 v15  }
0x2ea: {  	v16 =	vtrunc.f32 v16;
	v15 =	vcvt.f32.s32 v15  }
0x2eb: {  	v16 =	vcvt.f32.s32 v16  }
0x2ec: {  	v17 =	vtrunc.f32 v17;
	v15 =	vmul.u32 $0x6, v15  }
0x2ed: {  	v18 =	vtrunc.f32 v18;
	v17 =	vcvt.f32.s32 v17;
	vm7 =	vgt.s32 v16, $0x8  }
0x2ee: {  	v18 =	vcvt.f32.s32 v18;
	v30 =	vsel vm7, $0xFFFFFFF7, v14;
	v15 =	vadd.s32 v16, v15  }
0x2ef: {  	v31 =	vshll.u32 v17, $0x3;
	v15 =	vadd.s32 v30, v15  }
0x2f0: {  	v16 =	vadd.s32 v31, v18;
	v15 =	vadd.s32 $0xFFFFD0BA, v15  }
0x2f1: {  	[tilespmem:$0x7A0] =	vst v15;
	v15 =	vadd.s32 $0x3, v16  }
0x2f2: {  	[tilespmem:$0x8A0] =	vst v15;
	v15 =	vld [tilespmem:$0x1FEC0];
	_ =	sdelay $0x4  }
0x2f3: {  	v32 =	vld [tilespmem:$0x1FED0];
	_ =	sdelay $0x2  }
0x2f4: {  	v15 =	vld.idx.msk [tilespmem:v15+s12+$0x0], $0xffff;
	_ =	sdelay $0x4  }
0x2f5: {  	[tilespmem:v32+s13+$0x0] =	vst.idx.msk $0xffff, v15;
	v15 =	vld [tilespmem:$0x1FEE0];
	_ =	sdelay $0x4  }
0x2f6: {  	v20 =	vld [tilespmem:$0x1FEF0];
	_ =	sdelay $0x2  }
0x2f7: {  	v15 =	vld.idx.msk [tilespmem:v15+s12+$0x0], $0xffff;
	_ =	sdelay $0x4  }
0x2f8: {  	[tilespmem:v20+s13+$0x0] =	vst.idx.msk $0xffff, v15;
	v15 =	vld [tilespmem:$0x1FF00];
	_ =	sdelay $0x4  }
0x2f9: {  	v21 =	vld [tilespmem:$0x1FF10];
	_ =	sdelay $0x2  }
0x2fa: {  	v15 =	vld.idx.msk [tilespmem:v15+s12+$0x0], $0xffff;
	_ =	sdelay $0x4  }
0x2fb: {  	[tilespmem:v21+s13+$0x0] =	vst.idx.msk $0xffff, v15;
	v15 =	vld [tilespmem:$0x1FF20];
	_ =	sdelay $0x4  }
0x2fc: {  	v22 =	vld [tilespmem:$0x1FF30];
	_ =	sdelay $0x2  }
0x2fd: {  	v15 =	vld.idx.msk [tilespmem:v15+s12+$0x0], $0xffff;
	_ =	sdelay $0x4  }
0x2fe: {  	[tilespmem:v22+s13+$0x0] =	vst.idx.msk $0xffff, v15;
	v15 =	vld [tilespmem:$0x1FF40];
	_ =	sdelay $0x4  }
0x2ff: {  	v23 =	vld [tilespmem:$0x1FF50];
	_ =	sdelay $0x2  }
0x300: {  	v15 =	vld.idx.msk [tilespmem:v15+s12+$0x0], $0xffff;
	_ =	sdelay $0x4  }
0x301: {  	[tilespmem:v23+s13+$0x0] =	vst.idx.msk $0xffff, v15;
	v15 =	vld [tilespmem:$0x1FF60]  }
0x302: {  	v24 =	vld [tilespmem:$0x1FF70];
	_ =	sdelay $0x1  }
0x303: {  	v25 =	vld [tilespmem:$0x1FF90]  }
0x304: {  	v26 =	vld [tilespmem:$0x1FF80];
	_ =	sdelay $0x3  }
0x305: {  	v15 =	vld.idx.msk [tilespmem:v15+s12+$0x0], $0xffff  }
0x306: {  	v16 =	vld.idx.msk [tilespmem:v24+s12+$0x0], $0xffff;
	_ =	sdelay $0x1  }
0x307: {  	v17 =	vld.idx.msk [tilespmem:v25+s12+$0x0], $0xffff  }
0x308: {  	v18 =	vld.idx.msk [tilespmem:v26+s12+$0x0], $0xffff  }
0x309: {  	v15 =	vtrunc.f32 v15  }
0x30a: {  	v16 =	vtrunc.f32 v16;
	v15 =	vcvt.f32.s32 v15  }
0x30b: {  	v16 =	vcvt.f32.s32 v16  }
0x30c: {  	v17 =	vtrunc.f32 v17;
	v15 =	vmul.u32 $0x6, v15  }
0x30d: {  	v18 =	vtrunc.f32 v18;
	v17 =	vcvt.f32.s32 v17;
	vm7 =	vgt.s32 v16, $0x8  }
0x30e: {  	v18 =	vcvt.f32.s32 v18;
	v27 =	vsel vm7, $0xFFFFFFF7, v14;
	v15 =	vadd.s32 v16, v15  }
0x30f: {  	v28 =	vshll.u32 v17, $0x3;
	v15 =	vadd.s32 v27, v15  }
0x310: {  	v16 =	vadd.s32 v28, v18;
	v15 =	vadd.s32 $0xFFFFD0BA, v15  }
0x311: {  	[tilespmem:$0x7B0] =	vst v15;
	v15 =	vadd.s32 $0x3, v16  }
0x312: {  	[tilespmem:$0x8B0] =	vst v15;
	v15 =	vld [tilespmem:$0x1FFA0];
	_ =	sdelay $0x4  }
0x313: {  	v29 =	vld [tilespmem:$0x1FFB0];
	_ =	sdelay $0x2  }
0x314: {  	v15 =	vld.idx.msk [tilespmem:v15+s12+$0x0], $0xffff;
	_ =	sdelay $0x4  }
0x315: {  	[tilespmem:v29+s13+$0x0] =	vst.idx.msk $0xffff, v15;
	v15 =	vld [tilespmem:$0x1FFC0];
	_ =	sdelay $0x4  }
0x316: {  	v30 =	vld [tilespmem:$0x1FFD0];
	_ =	sdelay $0x2  }
0x317: {  	v15 =	vld.idx.msk [tilespmem:v15+s12+$0x0], $0xffff;
	_ =	sdelay $0x4  }
0x318: {  	[tilespmem:v30+s13+$0x0] =	vst.idx.msk $0xffff, v15  }
0x319: {  	v15 =	vld.idx.msk [tilespmem:v33+s12+$0x0], $0xffff;
	_ =	sdelay $0x4  }
0x31a: {  	[tilespmem:v34+s13+$0x0] =	vst.idx.msk $0xffff, v15  }
0x31b: {  	v15 =	vld.idx.msk [tilespmem:v35+s12+$0x0], $0xffff;
	_ =	sdelay $0x4  }
0x31c: {  	[tilespmem:v36+s13+$0x0] =	vst.idx.msk $0xffff, v15  }
0x31d: {  	v15 =	vld.idx.msk [tilespmem:v37+s12+$0x0], $0xffff;
	_ =	sdelay $0x4  }
0x31e: {  	[tilespmem:v38+s13+$0x0] =	vst.idx.msk $0xffff, v15  }
0x31f: {  	v15 =	vld.idx.msk [tilespmem:v39+s12+$0x0], $0xffff  }
0x320: {  	v16 =	vld.idx.msk [tilespmem:v40+s12+$0x0], $0xffff;
	_ =	sdelay $0x1  }
0x321: {  	v31 =	vld.idx.msk [tilespmem:v42+s12+$0x0], $0xffff  }
0x322: {  	v32 =	vld.idx.msk [tilespmem:v41+s12+$0x0], $0xffff  }
0x323: {  	v15 =	vtrunc.f32 v15  }
0x324: {  	v16 =	vtrunc.f32 v16;
	v15 =	vcvt.f32.s32 v15  }
0x325: {  	v16 =	vcvt.f32.s32 v16  }
0x326: {  	v17 =	vtrunc.f32 v31;
	v15 =	vmul.u32 $0x6, v15  }
0x327: {  	v18 =	vtrunc.f32 v32;
	v17 =	vcvt.f32.s32 v17;
	vm7 =	vgt.s32 v16, $0x8  }
0x328: {  	v18 =	vcvt.f32.s32 v18;
	v21 =	vsel vm7, $0xFFFFFFF7, v14;
	v15 =	vadd.s32 v16, v15  }
0x329: {  	v22 =	vshll.u32 v17, $0x3;
	v15 =	vadd.s32 v21, v15  }
0x32a: {  	v16 =	vadd.s32 v22, v18;
	v15 =	vadd.s32 $0xFFFFD0BA, v15  }
0x32b: {  	[tilespmem:$0x7C0] =	vst v15;
	v15 =	vadd.s32 $0x3, v16  }
0x32c: {  	[tilespmem:$0x8C0] =	vst v15  }
0x32d: {  	v15 =	vld.idx.msk [tilespmem:v43+s12+$0x0], $0xffff;
	_ =	sdelay $0x4  }
0x32e: {  	[tilespmem:v44+s13+$0x0] =	vst.idx.msk $0xffff, v15  }
0x32f: {  	v15 =	vld.idx.msk [tilespmem:v45+s12+$0x0], $0xffff;
	_ =	sdelay $0x4  }
0x330: {  	[tilespmem:v46+s13+$0x0] =	vst.idx.msk $0xffff, v15  }
0x331: {  	v15 =	vld.idx.msk [tilespmem:v47+s12+$0x0], $0xffff;
	_ =	sdelay $0x4  }
0x332: {  	[tilespmem:v48+s13+$0x0] =	vst.idx.msk $0xffff, v15  }
0x333: {  	v15 =	vld.idx.msk [tilespmem:v49+s12+$0x0], $0xffff;
	_ =	sdelay $0x4  }
0x334: {  	[tilespmem:v50+s13+$0x0] =	vst.idx.msk $0xffff, v15  }
0x335: {  	v15 =	vld.idx.msk [tilespmem:v51+s12+$0x0], $0xffff;
	_ =	sdelay $0x4  }
0x336: {  	[tilespmem:v52+s13+$0x0] =	vst.idx.msk $0xffff, v15  }
0x337: {  	v15 =	vld.idx.msk [tilespmem:v58+s12+$0x0], $0xffff  }
0x338: {  	v23 =	vld.idx.msk [tilespmem:v60+s12+$0x0], $0xffff;
	_ =	sdelay $0x1  }
0x339: {  	v24 =	vld.idx.msk [tilespmem:v2+s12+$0x0], $0xffff  }
0x33a: {  	v25 =	vld.idx.msk [tilespmem:v1+s12+$0x0], $0xffff  }
0x33b: {  	v15 =	vtrunc.f32 v15  }
0x33c: {  	v16 =	vtrunc.f32 v23;
	v15 =	vcvt.f32.s32 v15  }
0x33d: {  	v16 =	vcvt.f32.s32 v16  }
0x33e: {  	v17 =	vtrunc.f32 v24;
	v15 =	vmul.u32 $0x6, v15  }
0x33f: {  	v18 =	vtrunc.f32 v25;
	v17 =	vcvt.f32.s32 v17;
	vm7 =	vgt.s32 v16, $0x8  }
0x340: {  	v18 =	vcvt.f32.s32 v18;
	v26 =	vsel vm7, $0xFFFFFFF7, v14;
	v15 =	vadd.s32 v16, v15  }
0x341: {  	v27 =	vshll.u32 v17, $0x3;
	v15 =	vadd.s32 v26, v15  }
0x342: {  	v16 =	vadd.s32 v27, v18;
	v15 =	vadd.s32 $0xFFFFD0BA, v15  }
0x343: {  	[tilespmem:$0x7D0] =	vst v15;
	v15 =	vadd.s32 $0x3, v16  }
0x344: {  	[tilespmem:$0x8D0] =	vst v15  }
0x345: {  	v15 =	vld.idx.msk [tilespmem:v3+s12+$0x0], $0xffff;
	_ =	sdelay $0x4  }
0x346: {  	[tilespmem:v53+s13+$0x0] =	vst.idx.msk $0xffff, v15  }
0x347: {  	v15 =	vld.idx.msk [tilespmem:v4+s12+$0x0], $0xffff;
	_ =	sdelay $0x4  }
0x348: {  	[tilespmem:v54+s13+$0x0] =	vst.idx.msk $0xffff, v15  }
0x349: {  	v15 =	vld.idx.msk [tilespmem:v5+s12+$0x0], $0xffff;
	_ =	sdelay $0x4  }
0x34a: {  	[tilespmem:v55+s13+$0x0] =	vst.idx.msk $0xffff, v15  }
0x34b: {  	v15 =	vld.idx.msk [tilespmem:v6+s12+$0x0], $0xffff;
	_ =	sdelay $0x4  }
0x34c: {  	[tilespmem:v56+s13+$0x0] =	vst.idx.msk $0xffff, v15  }
0x34d: {  	v15 =	vld.idx.msk [tilespmem:v7+s12+$0x0], $0xffff;
	_ =	sdelay $0x4  }
0x34e: {  	[tilespmem:v57+s13+$0x0] =	vst.idx.msk $0xffff, v15  }
0x34f: {  	v15 =	vld.idx.msk [tilespmem:v8+s12+$0x0], $0xffff  }
0x350: {  	v28 =	vld.idx.msk [tilespmem:v9+s12+$0x0], $0xffff;
	_ =	sdelay $0x1  }
0x351: {  	v29 =	vld.idx.msk [tilespmem:v10+s12+$0x0], $0xffff  }
0x352: {  	v30 =	vld.idx.msk [tilespmem:v11+s12+$0x0], $0xffff  }
0x353: {  	v15 =	vtrunc.f32 v15  }
0x354: {  	v16 =	vtrunc.f32 v28;
	v15 =	vcvt.f32.s32 v15  }
0x355: {  	v16 =	vcvt.f32.s32 v16  }
0x356: {  	v17 =	vtrunc.f32 v29;
	v15 =	vmul.u32 $0x6, v15  }
0x357: {  	v18 =	vtrunc.f32 v30;
	v17 =	vcvt.f32.s32 v17;
	vm7 =	vgt.s32 v16, $0x8  }
0x358: {  	v18 =	vcvt.f32.s32 v18;
	v31 =	vsel vm7, $0xFFFFFFF7, v14;
	v15 =	vadd.s32 v16, v15  }
0x359: {  	v32 =	vshll.u32 v17, $0x3;
	v15 =	vadd.s32 v31, v15  }
0x35a: {  	v16 =	vadd.s32 v32, v18;
	v15 =	vadd.s32 $0xFFFFD0BA, v15  }
.Ltmp4:
0x35b: {  	s1 =	simm.s32 $0x50;
	[tilespmem:$0x7E0] =	vst v15;
	v15 =	vadd.s32 $0x3, v16;
	(pc) =	sbr.rel .LBB2_7-.Ltmp4, $4  }
0x35c: {  	s2 =	simm.s32 $0x7A0;
	s3 =	simm.s32 $0x9A0;
	s0 =	rddreg [dreg:$0x3];
	[tilespmem:$0x8E0] =	vst v15  }
0x35d: {  	[tilespmem:s3], [sflag:$0x3] =	stream.indirect.gather [spmem:s0], $0x80, s2, s1, $0xb8;
	[tilespmem:$0x199A0] =	vst v63  }
0x35e: {  	s28 =	simm.s32 $0x8A0;
	s30 =	simm.s32 $0x59A0  }
0x35f: {  	[tilespmem:s30], [sflag:$0x3] =	stream.indirect.gather [spmem:s0], $0x80, s28, s1, $0xb8;
	[tilespmem:$0x199A0] =	vst v63  }
.LBB2_5:
0x360: {  	s15 =	simm.s32 @p1 $0x13F  }
.LBB2_7:
0x361: {  	_ =	swait.ge [sflag:s31], $0x2800  }
0x362: {  	[sflag:s31] =	ssyncset.done $0x0  }
0x363: {  	[sflag:s31] =	ssyncadd.s32 $0xFFFFD800  }
0x364: {  	_ =	swait.ge [sflag:s31], $0x2800  }
0x365: {  	[sflag:s31] =	ssyncset.done $0x0  }
0x366: {  	s10 =	simm.s32 $0x3220;
	s0 =	simm.s32 $0x0;
	[sflag:s31] =	ssyncadd.s32 $0xFFFFD800  }
0x367: {  	s0 =	smul.u32 $0x3000, s0;
	v15 =	vld [tilespmem:s10+$0x0]  }
0x368: {  	v16 =	vld [tilespmem:s10+$0xFFFFFF80]  }
0x369: {  	s1 =	simm.s32 $0x80;
	s0 =	sshra.s32 s0, $0x2  }
0x36a: {  	s2 =	simm.s32 $0x0;
	s5 =	sand.u32 $0x380, s1;
	s3 =	sadd.s32 $0x121A0, s0  }
0x36b: {  	s2 =	sand.u32 $0x300, s2;
	s9 =	sadd.s32 s5, s3  }
0x36c: {  	s3 =	sadd.s32 s2, s3;
	[tilespmem:s9+$0x5] =	vst v15  }
0x36d: {  	[tilespmem:s3+$0x5] =	vst v16;
	v15 =	vld [tilespmem:s10+$0x10]  }
0x36e: {  	v16 =	vld [tilespmem:s10+$0xFFFFFF90];
	_ =	sdelay $0x3  }
0x36f: {  	[tilespmem:s9+$0x15] =	vst v15  }
0x370: {  	[tilespmem:s3+$0x15] =	vst v16;
	v15 =	vld [tilespmem:s10+$0x20]  }
0x371: {  	v16 =	vld [tilespmem:s10+$0xFFFFFFA0];
	_ =	sdelay $0x3  }
0x372: {  	[tilespmem:s9+$0x25] =	vst v15  }
0x373: {  	[tilespmem:s3+$0x25] =	vst v16;
	v15 =	vld [tilespmem:s10+$0x30]  }
0x374: {  	v16 =	vld [tilespmem:s10+$0xFFFFFFB0];
	_ =	sdelay $0x3  }
0x375: {  	[tilespmem:s9+$0x35] =	vst v15  }
0x376: {  	[tilespmem:s3+$0x35] =	vst v16;
	v15 =	vld [tilespmem:s10+$0x40]  }
0x377: {  	v16 =	vld [tilespmem:s10+$0xFFFFFFC0];
	_ =	sdelay $0x3  }
0x378: {  	[tilespmem:s9+$0x45] =	vst v15  }
0x379: {  	[tilespmem:s3+$0x45] =	vst v16;
	v15 =	vld [tilespmem:s10+$0x50]  }
0x37a: {  	s26 =	simm.s32 $0x0;
	s7 =	simm.s32 $0x3320;
	v16 =	vld [tilespmem:s10+$0xFFFFFFD0]  }
0x37b: {  	s1 =	smul.u32 $0x3000, s26;
	v17 =	vld [tilespmem:s7+$0x0]  }
0x37c: {  	v18 =	vld [tilespmem:s7+$0xFFFFFF80]  }
0x37d: {  	s4 =	simm.s32 $0x180;
	s1 =	sshra.s32 s1, $0x2  }
0x37e: {  	s14 =	simm.s32 $0x100;
	s24 =	sand.u32 $0x380, s4;
	s17 =	sadd.s32 $0x121A0, s1;
	[tilespmem:s9+$0x55] =	vst v15  }
0x37f: {  	s16 =	sand.u32 $0x300, s14;
	s20 =	sadd.s32 s24, s17;
	[tilespmem:s3+$0x55] =	vst v16;
	v15 =	vld [tilespmem:s10+$0x60]  }
0x380: {  	s28 =	sadd.s32 s16, s17;
	[tilespmem:s20+$0x5] =	vst v17;
	v16 =	vld [tilespmem:s10+$0xFFFFFFE0]  }
0x381: {  	[tilespmem:s28+$0x5] =	vst v18;
	v17 =	vld [tilespmem:s7+$0x10]  }
0x382: {  	v18 =	vld [tilespmem:s7+$0xFFFFFF90];
	_ =	sdelay $0x1  }
0x383: {  	s4 =	simm.s32 $0x8220;
	[tilespmem:s9+$0x65] =	vst v15  }
0x384: {  	[tilespmem:s3+$0x65] =	vst v16;
	v15 =	vld [tilespmem:s4+$0x0]  }
0x385: {  	[tilespmem:s20+$0x15] =	vst v17;
	v16 =	vld [tilespmem:s4+$0xFFFFFF80]  }
0x386: {  	[tilespmem:s28+$0x15] =	vst v18;
	v17 =	vld [tilespmem:s7+$0x20]  }
0x387: {  	s0 =	sadd.s32 $0x125A0, s0;
	v18 =	vld [tilespmem:s7+$0xFFFFFFA0]  }
0x388: {  	s19 =	sadd.s32 s5, s0  }
0x389: {  	s17 =	sadd.s32 s2, s0;
	[tilespmem:s19+$0x5] =	vst v15  }
0x38a: {  	[tilespmem:s17+$0x5] =	vst v16;
	v15 =	vld [tilespmem:s4+$0x10]  }
0x38b: {  	[tilespmem:s20+$0x25] =	vst v17;
	v16 =	vld [tilespmem:s4+$0xFFFFFF90]  }
0x38c: {  	[tilespmem:s28+$0x25] =	vst v18;
	v17 =	vld [tilespmem:s7+$0x30]  }
0x38d: {  	v18 =	vld [tilespmem:s7+$0xFFFFFFB0];
	_ =	sdelay $0x1  }
0x38e: {  	[tilespmem:s19+$0x15] =	vst v15  }
0x38f: {  	[tilespmem:s17+$0x15] =	vst v16;
	v15 =	vld [tilespmem:s4+$0x20]  }
0x390: {  	[tilespmem:s20+$0x35] =	vst v17;
	v16 =	vld [tilespmem:s4+$0xFFFFFFA0]  }
0x391: {  	[tilespmem:s28+$0x35] =	vst v18;
	v17 =	vld [tilespmem:s7+$0x40]  }
0x392: {  	v18 =	vld [tilespmem:s7+$0xFFFFFFC0];
	_ =	sdelay $0x1  }
0x393: {  	[tilespmem:s19+$0x25] =	vst v15  }
0x394: {  	[tilespmem:s17+$0x25] =	vst v16;
	v15 =	vld [tilespmem:s4+$0x30]  }
0x395: {  	[tilespmem:s20+$0x45] =	vst v17;
	v16 =	vld [tilespmem:s4+$0xFFFFFFB0]  }
0x396: {  	[tilespmem:s28+$0x45] =	vst v18;
	v17 =	vld [tilespmem:s7+$0x50]  }
0x397: {  	s2 =	simm.s32 $0x0;
	v18 =	vld [tilespmem:s7+$0xFFFFFFD0];
	s3 =	simm.s32 $0x3420  }
0x398: {  	s0 =	smul.u32 $0x3000, s2;
	v19 =	vld [tilespmem:s3+$0x0]  }
0x399: {  	v20 =	vld [tilespmem:s3+$0xFFFFFF80];
	[tilespmem:s19+$0x35] =	vst v15  }
0x39a: {  	s25 =	sshra.s32 s0, $0x2;
	s9 =	simm.s32 $0x280;
	[tilespmem:s17+$0x35] =	vst v16;
	v15 =	vld [tilespmem:s4+$0x40]  }
0x39b: {  	s5 =	simm.s32 $0x200;
	s6 =	sadd.s32 $0x121A0, s25;
	[tilespmem:s20+$0x55] =	vst v17;
	s26 =	sand.u32 $0x380, s9;
	v16 =	vld [tilespmem:s4+$0xFFFFFFC0]  }
0x39c: {  	s18 =	sand.u32 $0x300, s5;
	[tilespmem:s28+$0x55] =	vst v18;
	v17 =	vld [tilespmem:s7+$0x60];
	s30 =	sadd.s32 s26, s6  }
0x39d: {  	s0 =	sadd.s32 s18, s6;
	v18 =	vld [tilespmem:s7+$0xFFFFFFE0];
	[tilespmem:s30+$0x5] =	vst v19  }
0x39e: {  	[tilespmem:s0+$0x5] =	vst v20;
	v19 =	vld [tilespmem:s3+$0x10]  }
0x39f: {  	v20 =	vld [tilespmem:s3+$0xFFFFFF90];
	[tilespmem:s19+$0x45] =	vst v15  }
0x3a0: {  	[tilespmem:s17+$0x45] =	vst v16;
	v15 =	vld [tilespmem:s4+$0x50]  }
0x3a1: {  	[tilespmem:s20+$0x65] =	vst v17;
	s20 =	simm.s32 $0x8320;
	v16 =	vld [tilespmem:s4+$0xFFFFFFD0]  }
0x3a2: {  	[tilespmem:s28+$0x65] =	vst v18;
	v17 =	vld [tilespmem:s20+$0x0]  }
0x3a3: {  	v18 =	vld [tilespmem:s20+$0xFFFFFF80];
	[tilespmem:s30+$0x15] =	vst v19  }
0x3a4: {  	[tilespmem:s0+$0x15] =	vst v20;
	v19 =	vld [tilespmem:s3+$0x20]  }
0x3a5: {  	s14 =	sadd.s32 $0x125A0, s1;
	v20 =	vld [tilespmem:s3+$0xFFFFFFA0];
	[tilespmem:s19+$0x55] =	vst v15  }
0x3a6: {  	s22 =	simm.s32 $0x0;
	s1 =	sadd.s32 s24, s14;
	s24 =	simm.s32 $0x1;
	[tilespmem:s17+$0x55] =	vst v16;
	v15 =	vld [tilespmem:s4+$0x60]  }
0x3a7: {  	s16 =	sadd.s32 s16, s14;
	v21 =	vmov s24;
	[tilespmem:s1+$0x5] =	vst v17;
	v17 =	vmov s22;
	v16 =	vld [tilespmem:s4+$0xFFFFFFE0]  }
0x3a8: {  	v23 =	vshrl.u32 v21, $0x3;
	v21 =	vshll.u32 v21, $0x7;
	[tilespmem:s16+$0x5] =	vst v18;
	v18 =	vld [tilespmem:s20+$0x10];
	v22 =	vshrl.u32 v17, $0x3  }
0x3a9: {  	v23 =	vmul.u32 $0xC00, v23;
	v17 =	vshll.u32 v17, $0x7;
	v22 =	vmul.u32 $0xC00, v22;
	[tilespmem:s30+$0x25] =	vst v19;
	v19 =	vld [tilespmem:s20+$0xFFFFFF90]  }
0x3aa: {  	v21 =	vand.u32 $0x380, v21;
	v17 =	vand.u32 $0x300, v17;
	[tilespmem:s0+$0x25] =	vst v20;
	v20 =	vld [tilespmem:s3+$0x30]  }
0x3ab: {  	v22 =	vor.u32 v17, v22;
	v24 =	vld [tilespmem:s3+$0xFFFFFFB0];
	[tilespmem:s19+$0x65] =	vst v15;
	v15 =	vor.u32 v21, v23  }
0x3ac: {  	[tilespmem:s17+$0x65] =	vst v16;
	v16 =	vadd.s32 v12, v22;
	v17 =	vld [tilespmem:s10+$0x70];
	v21 =	vadd.s32 v13, v15  }
0x3ad: {  	[tilespmem:s1+$0x15] =	vst v18;
	v18 =	vld [tilespmem:s10+$0xFFFFFFF0];
	v16 =	vadd.s32 v59, v16  }
0x3ae: {  	[tilespmem:s16+$0x15] =	vst v19;
	v19 =	vld [tilespmem:s20+$0x20]  }
0x3af: {  	[tilespmem:s30+$0x35] =	vst v20;
	v20 =	vld [tilespmem:s20+$0xFFFFFFA0]  }
0x3b0: {  	[tilespmem:s0+$0x35] =	vst v24;
	v23 =	vld [tilespmem:s3+$0x40]  }
0x3b1: {  	v24 =	vld [tilespmem:s3+$0xFFFFFFC0];
	[tilespmem:v21+s23+$0x0] =	vst.idx.msk $0xffff, v17  }
0x3b2: {  	v25 =	vadd.s32 v63, v15;
	[tilespmem:v16+s23+$0x0] =	vst.idx.msk $0xffff, v18;
	v21 =	vld [tilespmem:s4+$0x70]  }
0x3b3: {  	[tilespmem:s1+$0x25] =	vst v19;
	v18 =	vadd.s32 v63, v22;
	v17 =	vld [tilespmem:s4+$0xFFFFFFF0]  }
0x3b4: {  	[tilespmem:s16+$0x25] =	vst v20;
	v15 =	vld [tilespmem:s20+$0x30]  }
0x3b5: {  	s24 =	simm.s32 $0x6;
	[tilespmem:s30+$0x45] =	vst v23;
	v16 =	vld [tilespmem:s20+$0xFFFFFFB0]  }
0x3b6: {  	s2 =	simm.s32 $0x0;
	s28 =	simm.s32 $0x4;
	[tilespmem:s0+$0x45] =	vst v24;
	s19 =	simm.s32 $0x3520;
	v19 =	vld [tilespmem:s3+$0x50]  }
0x3b7: {  	v20 =	vld [tilespmem:s3+$0xFFFFFFD0];
	s17 =	simm.s32 $0x8320;
	s10 =	simm.s32 $0x2;
	s4 =	simm.s32 $0x8;
	[tilespmem:v25+s23+$0x0] =	vst.idx.msk $0xffff, v21  }
.LBB2_8:
0x3b8: {  	p2 =	slt.u32 s4, $0x4E;
	s2 =	smul.u32 $0x3000, s2;
	v21 =	vld [tilespmem:s19+$0x0];
	[tilespmem:v18+s23+$0x0] =	vst.idx.msk $0xffff, v17  }
0x3b9: {  	v17 =	vld [tilespmem:s19+$0xFFFFFF80];
	[tilespmem:s1+$0x35] =	vst v15  }
0x3ba: {  	s9 =	sadd.s32 $0x100, s9;
	s2 =	sshra.s32 s2, $0x2;
	[tilespmem:s16+$0x35] =	vst v16;
	v15 =	vld [tilespmem:s20+$0x40]  }
0x3bb: {  	s5 =	sadd.s32 $0xFFFFFF80, s9;
	s22 =	sand.u32 $0x380, s9;
	s14 =	sadd.s32 $0x121A0, s2;
	[tilespmem:s30+$0x55] =	vst v19;
	v16 =	vld [tilespmem:s20+$0xFFFFFFC0]  }
0x3bc: {  	s5 =	sand.u32 $0x300, s5;
	s6 =	sadd.s32 s22, s14;
	[tilespmem:s0+$0x55] =	vst v20;
	v18 =	vld [tilespmem:s3+$0x60]  }
0x3bd: {  	s14 =	sadd.s32 s5, s14;
	[tilespmem:s6+$0x5] =	vst v21;
	v19 =	vld [tilespmem:s3+$0xFFFFFFE0]  }
0x3be: {  	[tilespmem:s14+$0x5] =	vst v17;
	v17 =	vld [tilespmem:s19+$0x10]  }
0x3bf: {  	v20 =	vld [tilespmem:s19+$0xFFFFFF90];
	[tilespmem:s1+$0x45] =	vst v15  }
0x3c0: {  	[tilespmem:s16+$0x45] =	vst v16;
	v15 =	vld [tilespmem:s20+$0x50]  }
0x3c1: {  	s20 =	sadd.s32 $0x100, s20;
	[tilespmem:s30+$0x65] =	vst v18;
	v16 =	vld [tilespmem:s17+$0xFFFFFFD0];
	s30 =	smov.u32 s6  }
0x3c2: {  	[tilespmem:s0+$0x65] =	vst v19;
	v18 =	vld [tilespmem:s20+$0x0];
	s0 =	smov.u32 s14  }
0x3c3: {  	[tilespmem:s30+$0x15] =	vst v17;
	v17 =	vld [tilespmem:s20+$0xFFFFFF80]  }
0x3c4: {  	[tilespmem:s0+$0x15] =	vst v20;
	v19 =	vld [tilespmem:s19+$0x20]  }
0x3c5: {  	s6 =	sadd.s32 $0x125A0, s25;
	s25 =	smov.u32 s2;
	v20 =	vld [tilespmem:s19+$0xFFFFFFA0];
	[tilespmem:s1+$0x55] =	vst v15  }
0x3c6: {  	s2 =	sadd.s32 s18, s6;
	s6 =	sadd.s32 s26, s6;
	s14 =	sadd.s32 $0x1, s10;
	[tilespmem:s16+$0x55] =	vst v16;
	v15 =	vld [tilespmem:s17+$0x60]  }
0x3c7: {  	s26 =	smov.u32 s22;
	s18 =	smov.u32 s5;
	v21 =	vmov s14;
	[tilespmem:s6+$0x5] =	vst v18;
	v16 =	vld [tilespmem:s17+$0xFFFFFFE0];
	v18 =	vmov s10;
	s10 =	smov.u32 s28  }
0x3c8: {  	v23 =	vshrl.u32 v21, $0x3;
	s28 =	smov.u32 s24;
	s24 =	smov.u32 s4;
	[tilespmem:s2+$0x5] =	vst v17;
	v17 =	vld [tilespmem:s20+$0x10];
	v22 =	vshrl.u32 v18, $0x3;
	v18 =	vshll.u32 v18, $0x7  }
0x3c9: {  	v21 =	vshll.u32 v21, $0x7;
	v23 =	vmul.u32 $0xC00, v23;
	[tilespmem:s30+$0x25] =	vst v19;
	v19 =	vld [tilespmem:s20+$0xFFFFFF90];
	v22 =	vmul.u32 $0xC00, v22  }
0x3ca: {  	v21 =	vand.u32 $0x380, v21;
	v18 =	vand.u32 $0x300, v18;
	[tilespmem:s0+$0x25] =	vst v20;
	v20 =	vld [tilespmem:s19+$0x30]  }
0x3cb: {  	v24 =	vld [tilespmem:s19+$0xFFFFFFB0];
	v18 =	vor.u32 v18, v22;
	[tilespmem:s1+$0x65] =	vst v15;
	v15 =	vor.u32 v21, v23;
	s1 =	smov.u32 s6  }
0x3cc: {  	[tilespmem:s16+$0x65] =	vst v16;
	v16 =	vadd.s32 v12, v18;
	v21 =	vld [tilespmem:s7+$0x70];
	v22 =	vadd.s32 v13, v15;
	s16 =	smov.u32 s2  }
0x3cd: {  	[tilespmem:s1+$0x15] =	vst v17;
	v17 =	vld [tilespmem:s7+$0xFFFFFFF0];
	v16 =	vadd.s32 v59, v16;
	s7 =	smov.u32 s3;
	s3 =	smov.u32 s19  }
0x3ce: {  	[tilespmem:s16+$0x15] =	vst v19;
	v19 =	vld [tilespmem:s20+$0x20]  }
0x3cf: {  	[tilespmem:s30+$0x35] =	vst v20;
	v20 =	vld [tilespmem:s20+$0xFFFFFFA0]  }
0x3d0: {  	[tilespmem:s0+$0x35] =	vst v24;
	v23 =	vld [tilespmem:s19+$0x40]  }
0x3d1: {  	v24 =	vld [tilespmem:s19+$0xFFFFFFC0];
	[tilespmem:v22+s23+$0x0] =	vst.idx.msk $0xffff, v21  }
0x3d2: {  	v22 =	vadd.s32 v63, v15;
	[tilespmem:v16+s23+$0x0] =	vst.idx.msk $0xffff, v17;
	v21 =	vld [tilespmem:s17+$0x70]  }
.Ltmp5:
0x3d3: {  	v18 =	vadd.s32 v63, v18;
	[tilespmem:s1+$0x25] =	vst v19;
	v17 =	vld [tilespmem:s17+$0xFFFFFFF0];
	s17 =	smov.u32 s20;
	(pc) =	sbr.rel @p2 .LBB2_8-.Ltmp5, $4  }
0x3d4: {  	[tilespmem:s16+$0x25] =	vst v20;
	v15 =	vld [tilespmem:s20+$0x30]  }
0x3d5: {  	[tilespmem:s30+$0x45] =	vst v23;
	v16 =	vld [tilespmem:s20+$0xFFFFFFB0]  }
0x3d6: {  	[tilespmem:s0+$0x45] =	vst v24;
	v19 =	vld [tilespmem:s19+$0x50]  }
0x3d7: {  	s4 =	sadd.s32 $0x2, s4;
	s2 =	sshrl.u32 s24, $0x3;
	s19 =	sadd.s32 $0x100, s19;
	v20 =	vld [tilespmem:s3+$0xFFFFFFD0];
	[tilespmem:v22+s23+$0x0] =	vst.idx.msk $0xffff, v21  }
0x3d8: {  	s2 =	smul.u32 $0x3000, s2;
	v21 =	vld [tilespmem:s19+$0x0]  }
0x3d9: {  	v22 =	vld [tilespmem:s19+$0xFFFFFF80]  }
0x3da: {  	s4 =	sadd.s32 $0x100, s9;
	s2 =	sshra.s32 s2, $0x2  }
0x3db: {  	s5 =	sadd.s32 $0xFFFFFF80, s4;
	s9 =	sand.u32 $0x380, s4;
	s6 =	sadd.s32 $0x121A0, s2  }
0x3dc: {  	s5 =	sand.u32 $0x300, s5;
	s14 =	sadd.s32 s9, s6  }
0x3dd: {  	s6 =	sadd.s32 s5, s6;
	[tilespmem:s14+$0x5] =	vst v21  }
0x3de: {  	[tilespmem:s6+$0x5] =	vst v22;
	v21 =	vld [tilespmem:s19+$0x10]  }
0x3df: {  	v22 =	vld [tilespmem:s19+$0xFFFFFF90];
	_ =	sdelay $0x3  }
0x3e0: {  	[tilespmem:s14+$0x15] =	vst v21  }
0x3e1: {  	[tilespmem:s6+$0x15] =	vst v22;
	v21 =	vld [tilespmem:s19+$0x20]  }
0x3e2: {  	v22 =	vld [tilespmem:s19+$0xFFFFFFA0];
	_ =	sdelay $0x3  }
0x3e3: {  	[tilespmem:s14+$0x25] =	vst v21  }
0x3e4: {  	[tilespmem:s6+$0x25] =	vst v22;
	v21 =	vld [tilespmem:s19+$0x30]  }
0x3e5: {  	v22 =	vld [tilespmem:s19+$0xFFFFFFB0];
	_ =	sdelay $0x3  }
0x3e6: {  	[tilespmem:s14+$0x35] =	vst v21  }
0x3e7: {  	[tilespmem:s6+$0x35] =	vst v22;
	v21 =	vld [tilespmem:s19+$0x40]  }
0x3e8: {  	v22 =	vld [tilespmem:s19+$0xFFFFFFC0];
	_ =	sdelay $0x3  }
0x3e9: {  	[tilespmem:s14+$0x45] =	vst v21  }
0x3ea: {  	[tilespmem:s6+$0x45] =	vst v22;
	v21 =	vld [tilespmem:s19+$0x50]  }
0x3eb: {  	v22 =	vld [tilespmem:s19+$0xFFFFFFD0];
	_ =	sdelay $0x1  }
0x3ec: {  	[tilespmem:s30+$0x55] =	vst v19  }
0x3ed: {  	[tilespmem:s0+$0x55] =	vst v20;
	v19 =	vld [tilespmem:s3+$0x60]  }
0x3ee: {  	v20 =	vld [tilespmem:s3+$0xFFFFFFE0];
	[tilespmem:s14+$0x55] =	vst v21  }
0x3ef: {  	[tilespmem:s6+$0x55] =	vst v22;
	v21 =	vld [tilespmem:s19+$0x60]  }
0x3f0: {  	v22 =	vld [tilespmem:s19+$0xFFFFFFE0];
	_ =	sdelay $0x1  }
0x3f1: {  	s4 =	sadd.s32 $0x100, s20;
	[tilespmem:s30+$0x65] =	vst v19  }
0x3f2: {  	[tilespmem:s0+$0x65] =	vst v20;
	v19 =	vld [tilespmem:s4+$0x0]  }
0x3f3: {  	s0 =	sadd.s32 $0x100, s4;
	v20 =	vld [tilespmem:s4+$0xFFFFFF80];
	[tilespmem:s14+$0x65] =	vst v21  }
0x3f4: {  	[tilespmem:s6+$0x65] =	vst v22;
	v21 =	vld [tilespmem:s0+$0x0]  }
0x3f5: {  	s25 =	sadd.s32 $0x125A0, s25;
	v22 =	vld [tilespmem:s0+$0xFFFFFF80]  }
0x3f6: {  	s26 =	sadd.s32 s26, s25  }
0x3f7: {  	s25 =	sadd.s32 s18, s25;
	s2 =	sadd.s32 $0x125A0, s2;
	[tilespmem:s26+$0x5] =	vst v19  }
0x3f8: {  	s30 =	sadd.s32 s9, s2;
	[tilespmem:s25+$0x5] =	vst v20;
	v19 =	vld [tilespmem:s4+$0x10]  }
0x3f9: {  	v20 =	vld [tilespmem:s4+$0xFFFFFF90];
	s6 =	sadd.s32 s5, s2;
	[tilespmem:s30+$0x5] =	vst v21  }
0x3fa: {  	[tilespmem:s6+$0x5] =	vst v22;
	v21 =	vld [tilespmem:s0+$0x10]  }
0x3fb: {  	v22 =	vld [tilespmem:s0+$0xFFFFFF90];
	_ =	sdelay $0x1  }
0x3fc: {  	[tilespmem:s26+$0x15] =	vst v19  }
0x3fd: {  	[tilespmem:s25+$0x15] =	vst v20;
	v19 =	vld [tilespmem:s4+$0x20]  }
0x3fe: {  	v20 =	vld [tilespmem:s4+$0xFFFFFFA0];
	[tilespmem:s30+$0x15] =	vst v21  }
0x3ff: {  	[tilespmem:s6+$0x15] =	vst v22;
	v21 =	vld [tilespmem:s0+$0x20]  }
0x400: {  	v22 =	vld [tilespmem:s0+$0xFFFFFFA0]  }
0x401: {  	[tilespmem:v18+s23+$0x0] =	vst.idx.msk $0xffff, v17  }
0x402: {  	[tilespmem:s26+$0x25] =	vst v19  }
0x403: {  	[tilespmem:s25+$0x25] =	vst v20;
	v25 =	vld [tilespmem:s4+$0x30]  }
0x404: {  	v26 =	vld [tilespmem:s4+$0xFFFFFFB0];
	[tilespmem:s30+$0x25] =	vst v21  }
0x405: {  	[tilespmem:s6+$0x25] =	vst v22;
	v27 =	vld [tilespmem:s0+$0x30]  }
0x406: {  	[tilespmem:s1+$0x35] =	vst v15;
	v15 =	vld [tilespmem:s0+$0xFFFFFFB0]  }
0x407: {  	[tilespmem:s16+$0x35] =	vst v16;
	v28 =	vld [tilespmem:s20+$0x40]  }
0x408: {  	v29 =	vld [tilespmem:s20+$0xFFFFFFC0];
	[tilespmem:s26+$0x35] =	vst v25  }
0x409: {  	[tilespmem:s25+$0x35] =	vst v26;
	v17 =	vld [tilespmem:s4+$0x40]  }
0x40a: {  	v18 =	vld [tilespmem:s4+$0xFFFFFFC0];
	[tilespmem:s30+$0x35] =	vst v27  }
0x40b: {  	[tilespmem:s6+$0x35] =	vst v15;
	v15 =	vld [tilespmem:s0+$0x40]  }
0x40c: {  	[tilespmem:s1+$0x45] =	vst v28;
	v30 =	vld [tilespmem:s0+$0xFFFFFFC0]  }
0x40d: {  	[tilespmem:s16+$0x45] =	vst v29;
	v32 =	vld [tilespmem:s20+$0x50];
	s14 =	sadd.s32 $0x1, s10  }
0x40e: {  	v20 =	vld [tilespmem:s17+$0xFFFFFFD0];
	[tilespmem:s26+$0x45] =	vst v17;
	v26 =	vmov s14  }
0x40f: {  	v25 =	vmov s10;
	[tilespmem:s25+$0x45] =	vst v18;
	v28 =	vld [tilespmem:s4+$0x50];
	v23 =	vshrl.u32 v26, $0x3  }
0x410: {  	v29 =	vmov s28;
	v24 =	vld [tilespmem:s4+$0xFFFFFFD0];
	v23 =	vmul.u32 $0xC00, v23;
	v27 =	vshrl.u32 v25, $0x3;
	[tilespmem:s30+$0x45] =	vst v15  }
0x411: {  	v21 =	vshll.u32 v25, $0x7;
	v22 =	vshll.u32 v26, $0x7;
	v17 =	vmul.u32 $0xC00, v27;
	[tilespmem:s6+$0x45] =	vst v30;
	v16 =	vld [tilespmem:s0+$0x50]  }
0x412: {  	s20 =	sadd.s32 $0x1, s28;
	[tilespmem:s1+$0x55] =	vst v32;
	v31 =	vand.u32 $0x380, v22;
	v22 =	vshll.u32 v29, $0x7;
	v15 =	vand.u32 $0x300, v21;
	v19 =	vld [tilespmem:s0+$0xFFFFFFD0]  }
0x413: {  	[tilespmem:s16+$0x55] =	vst v20;
	v20 =	vld [tilespmem:s17+$0x60];
	v22 =	vand.u32 $0x300, v22;
	v30 =	vmov s20;
	v15 =	vor.u32 v15, v17  }
0x414: {  	[tilespmem:s26+$0x55] =	vst v28;
	v25 =	vld [tilespmem:s17+$0xFFFFFFE0];
	v17 =	vor.u32 v31, v23;
	v31 =	vshrl.u32 v29, $0x3;
	v26 =	vshrl.u32 v30, $0x3  }
0x415: {  	[tilespmem:s25+$0x55] =	vst v24;
	v24 =	vld [tilespmem:s4+$0x60];
	v23 =	vshll.u32 v30, $0x7;
	v18 =	vmul.u32 $0xC00, v31;
	v26 =	vmul.u32 $0xC00, v26  }
0x416: {  	s22 =	sadd.s32 $0x1, s24;
	v28 =	vld [tilespmem:s4+$0xFFFFFFE0];
	v32 =	vadd.s32 v12, v15;
	v27 =	vadd.s32 v13, v17;
	v23 =	vand.u32 $0x380, v23;
	[tilespmem:s30+$0x55] =	vst v16  }
0x417: {  	v18 =	vor.u32 v22, v18;
	v21 =	vor.u32 v23, v26;
	v26 =	vmov s22;
	[tilespmem:s6+$0x55] =	vst v19;
	v19 =	vld [tilespmem:s0+$0x60]  }
0x418: {  	[tilespmem:s1+$0x65] =	vst v20;
	v20 =	vadd.s32 v12, v18;
	v16 =	vadd.s32 v59, v32;
	v32 =	vmov s24;
	v22 =	vld [tilespmem:s0+$0xFFFFFFE0]  }
0x419: {  	[tilespmem:s16+$0x65] =	vst v25;
	v25 =	vld [tilespmem:s7+$0x70];
	v30 =	vshrl.u32 v26, $0x3;
	v26 =	vshll.u32 v26, $0x7;
	v29 =	vshrl.u32 v32, $0x3  }
0x41a: {  	[tilespmem:s26+$0x65] =	vst v24;
	v31 =	vld [tilespmem:s7+$0xFFFFFFF0];
	v23 =	vshll.u32 v32, $0x7;
	v24 =	vmul.u32 $0xC00, v29;
	v29 =	vmul.u32 $0xC00, v30  }
0x41b: {  	[tilespmem:s25+$0x65] =	vst v28;
	v28 =	vld [tilespmem:s3+$0x70];
	v26 =	vand.u32 $0x380, v26;
	v30 =	vadd.s32 v13, v21;
	v23 =	vand.u32 $0x300, v23  }
0x41c: {  	v20 =	vadd.s32 v59, v20;
	v23 =	vor.u32 v23, v24;
	v24 =	vld [tilespmem:s3+$0xFFFFFFF0];
	[tilespmem:s30+$0x65] =	vst v19;
	v19 =	vor.u32 v26, v29  }
0x41d: {  	v12 =	vadd.s32 v12, v23;
	[tilespmem:s6+$0x65] =	vst v22;
	v22 =	vld [tilespmem:s19+$0x70];
	v13 =	vadd.s32 v13, v19  }
0x41e: {  	[tilespmem:v27+s23+$0x0] =	vst.idx.msk $0xffff, v25;
	v12 =	vadd.s32 v59, v12;
	v25 =	vld [tilespmem:s19+$0xFFFFFFF0]  }
0x41f: {  	v17 =	vadd.s32 v63, v17;
	v32 =	vld [tilespmem:s17+$0x70];
	[tilespmem:v16+s23+$0x0] =	vst.idx.msk $0xffff, v31  }
0x420: {  	v15 =	vadd.s32 v63, v15;
	v29 =	vld [tilespmem:s17+$0xFFFFFFF0];
	[tilespmem:v30+s23+$0x0] =	vst.idx.msk $0xffff, v28  }
0x421: {  	v21 =	vadd.s32 v63, v21;
	v30 =	vld [tilespmem:s4+$0x70];
	[tilespmem:v20+s23+$0x0] =	vst.idx.msk $0xffff, v24  }
0x422: {  	v18 =	vadd.s32 v63, v18;
	[tilespmem:v13+s23+$0x0] =	vst.idx.msk $0xffff, v22;
	v13 =	vld [tilespmem:s4+$0xFFFFFFF0]  }
0x423: {  	v19 =	vadd.s32 v63, v19;
	[tilespmem:v12+s23+$0x0] =	vst.idx.msk $0xffff, v25;
	v12 =	vld [tilespmem:s0+$0x70]  }
0x424: {  	[tilespmem:v17+s23+$0x0] =	vst.idx.msk $0xffff, v32;
	v32 =	vadd.s32 v63, v23;
	v31 =	vld [tilespmem:s0+$0xFFFFFFF0]  }
0x425: {  	s26 =	smul.u32 $0x50, s15;
	[tilespmem:v15+s23+$0x0] =	vst.idx.msk $0xffff, v29  }
0x426: {  	s28 =	rddreg [dreg:$0x5];
	[tilespmem:v21+s23+$0x0] =	vst.idx.msk $0xffff, v30  }
0x427: {  	s0 =	sadd.s32 s28, s26;
	[tilespmem:v18+s23+$0x0] =	vst.idx.msk $0xffff, v13  }
.Ltmp6:
0x428: {  	s0 =	sshrl.u32 s0, $0x3;
	[tilespmem:v19+s23+$0x0] =	vst.idx.msk $0xffff, v12;
	(pc) =	sbr.rel @p1 .LBB2_11-.Ltmp6, $4  }
0x429: {  	s0 =	smul.u32 $0x180, s0;
	[tilespmem:v32+s23+$0x0] =	vst.idx.msk $0xffff, v31  }
0x42a: {  	s30 =	rddreg [dreg:$0x6]  }
0x42b: {  	s6 =	simm.s32 $0x0;
	s0 =	sadd.s32 s30, s0  }
0x42c: {  	[hbm4b:s0+s6] =	stream.linear.scatter [tilespmem:s23], [sflag:$0x6], $0x7800, $0x38;
	[tilespmem:$0x199A0] =	vst v63  }
.Ltmp7:
0x42d: {  	s0 =	rddreg [dreg:$0xa];
	(pc) =	sbr.rel .LBB2_2-.Ltmp7, $4  }
0x42e: {  	s2 =	rddreg [dreg:$0x0];
	s0 =	sadd.s32 s11, s0  }
0x42f: {  	s1 =	sshrl.u32 s0, $0x3;
	s0 =	sadd.s32 s2, s0  }
0x430: {  	s8 =	sadd.s32 $0x1, s8;
	s0 =	sadd.s32 s1, s0  }
0x431: {  	[tilespmem:s21], [sflag:$0x2] =	stream.linear.gather [hbm4b:s0+s6], $0x2D0, $0x38;
	[tilespmem:$0x199A0] =	vst v63  }
.LBB2_12:
0x432: {  	_ =	sfence.sel $0x180000  }
0x433: {  	[bflag:$0x0] =	sbarrier.arrive $0xFFFF  }
0x434: {  	_ =	strace $0x90000047  }
0x435: {  	[bflag:$0x2] =	sbarrier.arrive $0xFFFF  }
0x436: {  	s0 =	rddreg [dreg:$0x4]  }
0x437: {  	s0 =	sadd.s32 @!p0 $0x100000, s0  }
0x438: {  	[sflag:s0] =	ssyncadd.tile.s32 @!p0 $0x1;
	_ =	shalt  }
.Lfunc_end2:
_tile_overlayer_lowered:
.L_overlay_start_2:
0x439: {  	(tag) =	ssettag $0x2  }
0x43a: {  	s0 =	rddreg [dreg:$0x0];
	s2 =	stileid.u32  }
0x43b: {  	s1 =	rddreg [dreg:$0x1];
	p0 =	sne.s32 s2, $0x0  }
0x43c: {  	s3 =	rddreg [dreg:$0x2];
	[bflag:$0x3] =	sbarrier.arrive $0xFFFF;
	s2 =	simm.s32 @!p0 $0x1C07  }
0x43d: {  	[timem:s3], [sflag:s2] =	dma.local @!p0 [hbm:s0], s1  }
0x43e: {  	s0 =	simm.s32 @!p0 $0x7  }
0x43f: {  	_ =	swait.ge @!p0 [sflag:s0], s1  }
0x440: {  	s1 =	ssub.s32 @!p0 $0x0, s1;
	[sflag:s0] =	ssyncset.done @!p0 $0x0  }
0x441: {  	[sflag:s0] =	ssyncadd.s32 @!p0 s1  }
0x442: {  	[bflag:$0x3] =	sbarrier.arrive $0xFFFF  }
0x443: {  	_ =	shalt  }

</sc_bundles>
